<compile_context>
chip_gen: v7x
topology: tpu7x:2x2x1
jax: 0.10.2.dev20260603
libtpu: 0.0.44.dev20260713+nightly
codegen_flags: <defaults>
</compile_context>

<pallas_src>
import functools

import jax
import jax.numpy as jnp
from jax import lax
from jax.experimental import pallas as pl
from jax.experimental.pallas import tpu as pltpu
from jax.experimental.pallas import tpu_sc as plsc

F32 = jnp.float32
NC, NS, LANES = 2, 16, 16
CHUNK = 80


def _mesh():
    return plsc.VectorSubcoreMesh(
        core_axis_name="c", subcore_axis_name="s", num_cores=NC, num_subcores=NS
    )


_SC_PARAMS = pltpu.CompilerParams(needs_layout_passes=False)


def _dot3(a, b):
    ah = a.astype(jnp.bfloat16)
    al = (a - ah.astype(F32)).astype(jnp.bfloat16)
    bh = b.astype(jnp.bfloat16)
    bl = (b - bh.astype(F32)).astype(jnp.bfloat16)

    def d(p, q):
        return jnp.dot(p, q, preferred_element_type=F32)

    return d(ah, bh) + d(ah, bl) + d(al, bh)


def _sc_degree(dst, n):
    e = dst.shape[0]
    nw = NC * NS
    epw = e // nw
    full = epw // LANES
    rem = epw - full * LANES
    pad = (LANES - rem) % LANES

    @functools.partial(
        pl.kernel,
        out_type=jax.ShapeDtypeStruct((nw * n,), F32),
        mesh=_mesh(),
        compiler_params=_SC_PARAMS,
        scratch_types=[
            pltpu.VMEM((epw + pad,), jnp.int32),
            pltpu.VMEM((n,), F32),
        ],
    )
    def k(dst_hbm, out_hbm, idx_v, hist_v):
        cid = lax.axis_index("c")
        sid = lax.axis_index("s")
        w = sid * NC + cid
        zv = jnp.zeros((LANES,), F32)

        def zb(i, carry):
            hist_v[pl.ds(i * LANES, LANES)] = zv
            return carry

        lax.fori_loop(0, n // LANES, zb, 0)
        pltpu.sync_copy(dst_hbm.at[pl.ds(w * epw, epw)], idx_v.at[pl.ds(0, epw)])
        ones = jnp.ones((LANES,), F32)

        def body(i, carry):
            idx = idx_v[pl.ds(i * LANES, LANES)]
            plsc.addupdate_scatter(hist_v, [idx], ones)
            return carry

        lax.fori_loop(0, full, body, 0)
        if rem:
            idx = idx_v[pl.ds(full * LANES, LANES)]
            mask = lax.iota(jnp.int32, LANES) < rem
            idx = jnp.where(mask, idx, 0)
            plsc.addupdate_scatter(hist_v, [idx], ones, mask=mask)
        pltpu.sync_copy(hist_v, out_hbm.at[pl.ds(w * n, n)])

    return k(dst)


def _tc_dis(parts_t):
    n, nw = parts_t.shape
    bn = 400

    def body(p_ref, o_ref):
        s = jnp.sum(p_ref[...], axis=1, keepdims=True) + 1.0
        o_ref[...] = lax.rsqrt(s)

    return pl.pallas_call(
        body,
        grid=(n // bn,),
        in_specs=[pl.BlockSpec((bn, nw), lambda i: (i, 0))],
        out_specs=pl.BlockSpec((bn, 1), lambda i: (i, 0)),
        out_shape=jax.ShapeDtypeStruct((n, 1), F32),
    )(parts_t)


def _tc_mm_scale_split(xin, w, dis):
    n, f = xin.shape
    hh = w.shape[1] // 2
    bn = 1000
    nb = n // bn

    def body(x_ref, w_ref, d_ref, o_ref):
        o_ref[...] = _dot3(x_ref[...], w_ref[...]) * d_ref[...]

    return pl.pallas_call(
        body,
        grid=(2, nb),
        in_specs=[
            pl.BlockSpec((bn, f), lambda c, i: (i, 0)),
            pl.BlockSpec((f, hh), lambda c, i: (0, c)),
            pl.BlockSpec((bn, 1), lambda c, i: (i, 0)),
        ],
        out_specs=pl.BlockSpec((bn, hh), lambda c, i: (c * nb + i, 0)),
        out_shape=jax.ShapeDtypeStruct((2 * n, hh), F32),
    )(xin, w, dis)


def _sc_scatter(ts_flat, src, dst, zeros, n):
    e = src.shape[0]
    hh = ts_flat.shape[1]
    ept = e // NS
    nck = ept // CHUNK
    rpt = 640
    rlast = n - (NS - 1) * rpt

    @functools.partial(
        pl.kernel,
        out_type=jax.ShapeDtypeStruct((NC * n, hh), F32),
        mesh=_mesh(),
        compiler_params=_SC_PARAMS,
        scratch_types=[
            pltpu.VMEM((ept,), jnp.int32),
            pltpu.VMEM((nck, CHUNK), jnp.int32),
            pltpu.VMEM((CHUNK, hh), F32),
            pltpu.VMEM((CHUNK, hh), F32),
            pltpu.VMEM_SHARED((n, hh), F32),
            pltpu.SemaphoreType.DMA,
            pltpu.SemaphoreType.DMA,
        ],
    )
    def k(ts_hbm, src_hbm, dst3_hbm, z_hbm, out_hbm,
          idxs_all, idxd2, rows0, rows1, acc_sh, sem0, sem1):
        cid = lax.axis_index("c")
        sid = lax.axis_index("s")

        @pl.when(sid < NS - 1)
        def _():
            pltpu.sync_copy(z_hbm, acc_sh.at[pl.ds(sid * rpt, rpt)])

        @pl.when(sid == NS - 1)
        def _():
            pltpu.sync_copy(
                z_hbm.at[pl.ds(0, rlast)],
                acc_sh.at[pl.ds((NS - 1) * rpt, rlast)],
            )

        base = sid * ept
        pltpu.sync_copy(src_hbm.at[pl.ds(base, ept)], idxs_all)
        pltpu.sync_copy(dst3_hbm.at[sid], idxd2)
        offv = jnp.full((LANES,), cid * n, jnp.int32)

        def addoff(i, c2):
            sl = pl.ds(i * LANES, LANES)
            idxs_all[sl] = idxs_all[sl] + offv
            return c2

        lax.fori_loop(0, ept // LANES, addoff, 0)
        plsc.subcore_barrier()

        def issue(kk, rows, sem):
            pltpu.async_copy(
                ts_hbm.at[idxs_all.at[pl.ds(kk * CHUNK, CHUNK)]], rows, sem
            )

        def drain(kk, rows, sem):
            pltpu.make_async_copy(
                ts_hbm.at[idxs_all.at[pl.ds(kk * CHUNK, CHUNK)]], rows, sem
            ).wait()

        def commit(kk, rows):
            pltpu.sync_copy(rows, acc_sh.at[idxd2.at[kk]], add=True)

        issue(0, rows0, sem0)

        def pair(i, carry):
            k0 = 2 * i
            issue(k0 + 1, rows1, sem1)
            drain(k0, rows0, sem0)
            commit(k0, rows0)
            issue(k0 + 2, rows0, sem0)
            drain(k0 + 1, rows1, sem1)
            commit(k0 + 1, rows1)
            return carry

        lax.fori_loop(0, (nck - 1) // 2, pair, 0)
        drain(nck - 1, rows0, sem0)
        commit(nck - 1, rows0)
        plsc.subcore_barrier()

        @pl.when(sid < NS - 1)
        def _():
            pltpu.sync_copy(
                acc_sh.at[pl.ds(sid * rpt, rpt)],
                out_hbm.at[pl.ds(cid * n + sid * rpt, rpt)],
            )

        @pl.when(sid == NS - 1)
        def _():
            pltpu.sync_copy(
                acc_sh.at[pl.ds((NS - 1) * rpt, rlast)],
                out_hbm.at[pl.ds(cid * n + (NS - 1) * rpt, rlast)],
            )

    return k(ts_flat, src, dst.reshape(NS, nck, CHUNK), zeros)


def _tc_epilogue(acc, ts, dis, b):
    hh = ts.shape[1]
    n = ts.shape[0] // 2
    bn = 1000
    nb = n // bn

    def body(a_ref, t_ref, d_ref, b_ref, o_ref):
        o_ref[...] = jnp.maximum((a_ref[...] + t_ref[...]) * d_ref[...] + b_ref[0], 0.0)

    return pl.pallas_call(
        body,
        grid=(2, nb),
        in_specs=[
            pl.BlockSpec((bn, hh), lambda c, i: (c * nb + i, 0)),
            pl.BlockSpec((bn, hh), lambda c, i: (c * nb + i, 0)),
            pl.BlockSpec((bn, 1), lambda c, i: (i, 0)),
            pl.BlockSpec((1, 1, hh), lambda c, i: (c, 0, 0)),
        ],
        out_specs=pl.BlockSpec((bn, hh), lambda c, i: (i, c)),
        out_shape=jax.ShapeDtypeStruct((n, 2 * hh), F32),
    )(acc, ts, dis, b)


def _tc_mm_ab(h2, wab):
    n, f = h2.shape
    hh = wab.shape[1] // 2
    bn = 1000
    nb = n // bn

    def body(x_ref, w_ref, o_ref):
        o_ref[...] = _dot3(x_ref[...], w_ref[...])

    return pl.pallas_call(
        body,
        grid=(2, 2, nb),
        in_specs=[
            pl.BlockSpec((bn, f), lambda s, c, i: (i, 0)),
            pl.BlockSpec((f, hh), lambda s, c, i: (s, c)),
        ],
        out_specs=pl.BlockSpec((bn, hh), lambda s, c, i: ((s * 2 + c) * nb + i, 0)),
        out_shape=jax.ShapeDtypeStruct((4 * n, hh), F32),
    )(h2, wab)


def _sc_gather_add(tab, src, dst, n):
    e = src.shape[0]
    hh = tab.shape[1]
    ept = e // NS
    ck = next(c for c in (80, 40, 16, 8)
              if ept % c == 0 and (ept // c) % 2 == 1)
    nck = ept // ck

    @functools.partial(
        pl.kernel,
        out_type=jax.ShapeDtypeStruct((NC * e, hh), F32),
        mesh=_mesh(),
        compiler_params=_SC_PARAMS,
        scratch_types=[
            pltpu.VMEM((ept,), jnp.int32),
            pltpu.VMEM((ept,), jnp.int32),
            pltpu.VMEM((ck, hh), F32),
            pltpu.VMEM((ck, hh), F32),
            pltpu.VMEM((ck, hh), F32),
            pltpu.VMEM((ck, hh), F32),
            pltpu.SemaphoreType.DMA,
            pltpu.SemaphoreType.DMA,
            pltpu.SemaphoreType.DMA,
            pltpu.SemaphoreType.DMA,
        ],
    )
    def k(tab_hbm, src_hbm, dst_hbm, out_hbm,
          idxs_all, idxd_all, a0, b0, a1, b1, sa0, sb0, sa1, sb1):
        cid = lax.axis_index("c")
        sid = lax.axis_index("s")
        base = sid * ept
        pltpu.sync_copy(src_hbm.at[pl.ds(base, ept)], idxs_all)
        pltpu.sync_copy(dst_hbm.at[pl.ds(base, ept)], idxd_all)
        offa = jnp.full((LANES,), cid * n, jnp.int32)
        offb = jnp.full((LANES,), (2 + cid) * n, jnp.int32)

        def addoff(i, c2):
            sl = pl.ds(i * LANES, LANES)
            idxs_all[sl] = idxs_all[sl] + offa
            idxd_all[sl] = idxd_all[sl] + offb
            return c2

        lax.fori_loop(0, ept // LANES, addoff, 0)

        def issue(kk, ba, bb, sa, sb):
            sl = pl.ds(kk * ck, ck)
            pltpu.async_copy(tab_hbm.at[idxs_all.at[sl]], ba, sa)
            pltpu.async_copy(tab_hbm.at[idxd_all.at[sl]], bb, sb)

        def finish(kk, ba, bb, sa, sb):
            sl = pl.ds(kk * ck, ck)
            pltpu.make_async_copy(tab_hbm.at[idxs_all.at[sl]], ba, sa).wait()
            pltpu.make_async_copy(tab_hbm.at[idxd_all.at[sl]], bb, sb).wait()

            def addrow(r, c2):
                for j in range(hh // LANES):
                    s2 = pl.ds(j * LANES, LANES)
                    ba[r, s2] = ba[r, s2] + bb[r, s2]
                return c2

            lax.fori_loop(0, ck, addrow, 0)
            pltpu.sync_copy(ba, out_hbm.at[pl.ds(cid * e + base + kk * ck, ck)])

        issue(0, a0, b0, sa0, sb0)

        def pair(i, carry):
            k0 = 2 * i
            issue(k0 + 1, a1, b1, sa1, sb1)
            finish(k0, a0, b0, sa0, sb0)
            issue(k0 + 2, a0, b0, sa0, sb0)
            finish(k0 + 1, a1, b1, sa1, sb1)
            return carry

        lax.fori_loop(0, (nck - 1) // 2, pair, 0)
        finish(nck - 1, a0, b0, sa0, sb0)

    return k(tab, src, dst)


def _tc_edge(g, ea, w_ea, bc1, wc2_bf16, bc2, wc3_row, bc3):
    hh = g.shape[1]
    e = g.shape[0] // 2
    be = next(b for b in (6400, 3200, 1600, 640, 128) if e % b == 0)
    nb = e // be

    def body(g0_ref, g1_ref, eat_ref, wea_ref, b1_ref, w2_ref, b2_ref, w3_ref,
             b3_ref, o_ref):
        u = jnp.concatenate([g0_ref[...], g1_ref[...]], axis=1)
        ea = jnp.transpose(eat_ref[...])
        u = u + ea[:, 0:1] * wea_ref[0:1, :] + ea[:, 1:2] * wea_ref[1:2, :]
        z = jnp.maximum(u + b1_ref[...], 0.0).astype(jnp.bfloat16)
        z = jnp.dot(z, w2_ref[...], preferred_element_type=F32) + b2_ref[...]
        z = jnp.maximum(z, 0.0)
        z = jnp.sum(z * w3_ref[...], axis=1, keepdims=True) + b3_ref[...]
        o_ref[...] = jnp.transpose(jax.nn.sigmoid(z))

    return pl.pallas_call(
        body,
        grid=(nb,),
        in_specs=[
            pl.BlockSpec((be, hh), lambda i: (i, 0)),
            pl.BlockSpec((be, hh), lambda i: (nb + i, 0)),
            pl.BlockSpec((2, be), lambda i: (0, i)),
            pl.BlockSpec((2, 2 * hh), lambda i: (0, 0)),
            pl.BlockSpec((1, 2 * hh), lambda i: (0, 0)),
            pl.BlockSpec((2 * hh, 32), lambda i: (0, 0)),
            pl.BlockSpec((1, 32), lambda i: (0, 0)),
            pl.BlockSpec((1, 32), lambda i: (0, 0)),
            pl.BlockSpec((1, 1), lambda i: (0, 0)),
        ],
        out_specs=pl.BlockSpec((1, be), lambda i: (0, i)),
        out_shape=jax.ShapeDtypeStruct((1, e), F32),
    )(g, g, ea, w_ea, bc1, wc2_bf16, bc2, wc3_row, bc3)


def kernel(x, edge_attr, W1, b1, W2, b2, Wc1, bc1, Wc2, bc2, Wc3, bc3, edge_index):
    n, _ = x.shape
    e = edge_index.shape[1]
    h = W1.shape[1]
    hh = h // 2
    src = edge_index[0]
    dst = edge_index[1]

    parts = _sc_degree(dst, n)
    dis = _tc_dis(parts.reshape(NC * NS, n).T)
    zeros = jnp.zeros((640, hh), F32)

    ts1 = _tc_mm_scale_split(x, W1, dis)
    acc1 = _sc_scatter(ts1, src, dst, zeros, n)
    h1 = _tc_epilogue(acc1, ts1, dis, b1.reshape(2, 1, hh))

    ts2 = _tc_mm_scale_split(h1, W2, dis)
    acc2 = _sc_scatter(ts2, src, dst, zeros, n)
    h2 = _tc_epilogue(acc2, ts2, dis, b2.reshape(2, 1, hh))

    tab = _tc_mm_ab(h2, Wc1[: 2 * h])
    g = _sc_gather_add(tab, src, dst, n)
    zrow = _tc_edge(
        g, edge_attr.T[0:2], Wc1[2 * h :], bc1.reshape(1, h),
        Wc2.astype(jnp.bfloat16), bc2.reshape(1, -1), Wc3.reshape(1, 32),
        bc3.reshape(1, 1),
    )
    return zrow.T

# --- scband reference (transcript-rebuilt; emitter-appended) ---
"""Pipeline reference for scband-gnnanomaly-detector-39393440039532 (READ-ONLY COPY).

The authoritative reference and input builder live on the scoring server;
editing this copy changes nothing except your own understanding.
"""

import jax, jax.numpy as jnp
import numpy as np

N, E, F, H = 10000, 160000, 256, 256

def _glorot(k, shape):
    fan_in = shape[0]
    return jax.random.normal(k, shape, dtype=jnp.float32) * (1.0 / np.sqrt(fan_in))

def setup_inputs(seed: int = 0):
    key = jax.random.key(seed)
    ks = jax.random.split(key, 10)
    x = jax.random.normal(ks[0], (N, F), dtype=jnp.float32)
    edge_index = jax.random.randint(ks[1], (2, E), 0, N, dtype=jnp.int32)
    edge_attr = jax.random.normal(ks[2], (E, 4), dtype=jnp.float32)
    W1 = _glorot(ks[3], (F, H)); b1 = jnp.zeros((H,), dtype=jnp.float32)
    W2 = _glorot(ks[4], (H, H)); b2 = jnp.zeros((H,), dtype=jnp.float32)
    Wc1 = _glorot(ks[5], (2 * H + 2, H)); bc1 = jnp.zeros((H,), dtype=jnp.float32)
    Wc2 = _glorot(ks[6], (H, 32)); bc2 = jnp.zeros((32,), dtype=jnp.float32)
    Wc3 = _glorot(ks[7], (32, 1)); bc3 = jnp.zeros((1,), dtype=jnp.float32)
    return {"x": x, "edge_attr": edge_attr, "W1": W1, "b1": b1, "W2": W2, "b2": b2,
            "Wc1": Wc1, "bc1": bc1, "Wc2": Wc2, "bc2": bc2, "Wc3": Wc3, "bc3": bc3,
            "edge_index": edge_index}

def _gcn_conv(x, edge_index, W, b):
    n = x.shape[0]
    loop = jnp.arange(n, dtype=edge_index.dtype)
    src = jnp.concatenate([edge_index[0], loop])
    dst = jnp.concatenate([edge_index[1], loop])
    deg = jnp.zeros((n,), dtype=x.dtype).at[dst].add(1.0)
    dis = jnp.where(deg > 0, 1.0 / jnp.sqrt(deg), 0.0)
    norm = dis[src] * dis[dst]
    h = x @ W
    out = jnp.zeros((n, W.shape[1]), dtype=x.dtype).at[dst].add(h[src] * norm[:, None])
    return out + b

def reference(x, edge_attr, W1, b1, W2, b2, Wc1, bc1, Wc2, bc2, Wc3, bc3, edge_index):
    h = jax.nn.relu(_gcn_conv(x, edge_index, W1, b1))
    # dropout p=0.3 is identity in eval mode
    h = jax.nn.relu(_gcn_conv(h, edge_index, W2, b2))
    src_nodes = h[edge_index[0]]
    dst_nodes = h[edge_index[1]]
    edge_features = edge_attr[:, :2]
    edge_input = jnp.concatenate([src_nodes, dst_nodes, edge_features], axis=1)
    z = jax.nn.relu(edge_input @ Wc1 + bc1)
    z = jax.nn.relu(z @ Wc2 + bc2)
    z = jax.nn.sigmoid(z @ Wc3 + bc3)
    return z

if __name__ == "__main__":
    import jax
    _d = setup_inputs()
    print(jax.jit(kernel)(*tuple(_d.values())))

</pallas_src>

<mosaic_0001>
#map = affine_map<(d0, d1) -> (0, 0)>
#map1 = affine_map<(d0, d1) -> (0)>
#map2 = affine_map<(d0, d1) -> (0, 0, 0)>
module attributes {stable_mosaic.version = 14 : i64} {
  func.func @k(%arg0: i32, %arg1: i32, %arg2: memref<20000x128xf32, #tpu.memory_space<hbm>>, %arg3: memref<160000xi32, #tpu.memory_space<hbm>>, %arg4: memref<16x125x80xi32, #tpu.memory_space<hbm>>, %arg5: memref<640x128xf32, #tpu.memory_space<hbm>>, %arg6: memref<20000x128xf32, #tpu.memory_space<hbm>>, %arg7: memref<10000xi32, #tpu.memory_space<vmem>>, %arg8: memref<125x80xi32, #tpu.memory_space<vmem>>, %arg9: memref<80x128xf32, #tpu.memory_space<vmem>>, %arg10: memref<80x128xf32, #tpu.memory_space<vmem>>, %arg11: memref<10000x128xf32, #tpu.memory_space<vmem_shared>>, %arg12: memref<!tpu.dma_semaphore, #tpu.memory_space<semaphore_mem>>, %arg13: memref<!tpu.dma_semaphore, #tpu.memory_space<semaphore_mem>>) attributes {dimension_semantics = [#tpu.dimension_semantics<core_parallel>, #tpu.dimension_semantics<subcore_parallel>], iteration_bounds = array<i64: 2, 16>, scalar_prefetch = 0 : i64, scratch_operands = 7 : i64, tpu.core_type = #tpu.core_type<sc_vector_subcore>, window_params = [{transform_indices = #map}, {transform_indices = #map1}, {transform_indices = #map2}, {transform_indices = #map}, {transform_indices = #map}]} {
    %lt3A = arith.constant 15 : i32
    %lt3A_0 = arith.cmpi slt, %arg1, %lt3A : i32
    %convert_element_type3A = arith.extui %lt3A_0 : i1 to i32
    %cond3A = arith.constant 0 : i32
    %cond3A_1 = arith.cmpi ne, %convert_element_type3A, %cond3A : i32
    scf.if %cond3A_1 {
      %mul3A_39 = arith.constant 640 : i32
      %mul3A_40 = arith.muli %arg1, %mul3A_39 : i32
      "tpu.region"() ({
        %run_scoped3A_41 = tpu.sem_alloc : memref<!tpu.dma_semaphore, #tpu.memory_space<semaphore_mem>>
        %dma_start3A_42 = arith.constant 0 : i32
        %dma_start3A_43 = tpu.memref_slice %arg11[%mul3A_40, %dma_start3A_42] : memref<10000x128xf32, #tpu.memory_space<vmem_shared>> -> memref<640x128xf32, #tpu.memory_space<vmem_shared>>
        tpu.enqueue_dma source(%arg5 : memref<640x128xf32, #tpu.memory_space<hbm>>) target(%dma_start3A_43 : memref<640x128xf32, #tpu.memory_space<vmem_shared>>) target_semaphore(%run_scoped3A_41 : memref<!tpu.dma_semaphore, #tpu.memory_space<semaphore_mem>>)
        %dma_wait3A_44 = arith.constant 0 : i32
        %dma_wait3A_45 = tpu.memref_slice %arg11[%mul3A_40, %dma_wait3A_44] : memref<10000x128xf32, #tpu.memory_space<vmem_shared>> -> memref<640x128xf32, #tpu.memory_space<vmem_shared>>
        tpu.wait_dma2 semaphore(%run_scoped3A_41 : memref<!tpu.dma_semaphore, #tpu.memory_space<semaphore_mem>>) src(%arg5 : memref<640x128xf32, #tpu.memory_space<hbm>>) dst(%dma_wait3A_45 : memref<640x128xf32, #tpu.memory_space<vmem_shared>>)
        tpu.yield
      }) : () -> ()
    } else {
    }
    %eq3A = arith.constant 15 : i32
    %eq3A_2 = arith.cmpi eq, %arg1, %eq3A : i32
    %convert_element_type3A_3 = arith.extui %eq3A_2 : i1 to i32
    %cond3A_4 = arith.constant 0 : i32
    %cond3A_5 = arith.cmpi ne, %convert_element_type3A_3, %cond3A_4 : i32
    scf.if %cond3A_5 {
      "tpu.region"() ({
        %run_scoped3A_39 = tpu.sem_alloc : memref<!tpu.dma_semaphore, #tpu.memory_space<semaphore_mem>>
        %dma_start3A_40 = arith.constant 9600 : i32
        %dma_start3A_41 = arith.constant 0 : i32
        %dma_start3A_42 = tpu.memref_slice %arg11[%dma_start3A_40, %dma_start3A_41] : memref<10000x128xf32, #tpu.memory_space<vmem_shared>> -> memref<400x128xf32, #tpu.memory_space<vmem_shared>>
        %dma_start3A_43 = arith.constant 0 : i32
        %dma_start3A_44 = arith.constant 0 : i32
        %dma_start3A_45 = tpu.memref_slice %arg5[%dma_start3A_43, %dma_start3A_44] : memref<640x128xf32, #tpu.memory_space<hbm>> -> memref<400x128xf32, #tpu.memory_space<hbm>>
        tpu.enqueue_dma source(%dma_start3A_45 : memref<400x128xf32, #tpu.memory_space<hbm>>) target(%dma_start3A_42 : memref<400x128xf32, #tpu.memory_space<vmem_shared>>) target_semaphore(%run_scoped3A_39 : memref<!tpu.dma_semaphore, #tpu.memory_space<semaphore_mem>>)
        %dma_wait3A_46 = arith.constant 9600 : i32
        %dma_wait3A_47 = arith.constant 0 : i32
        %dma_wait3A_48 = tpu.memref_slice %arg11[%dma_wait3A_46, %dma_wait3A_47] : memref<10000x128xf32, #tpu.memory_space<vmem_shared>> -> memref<400x128xf32, #tpu.memory_space<vmem_shared>>
        %dma_wait3A_49 = arith.constant 0 : i32
        %dma_wait3A_50 = arith.constant 0 : i32
        %dma_wait3A_51 = tpu.memref_slice %arg5[%dma_wait3A_49, %dma_wait3A_50] : memref<640x128xf32, #tpu.memory_space<hbm>> -> memref<400x128xf32, #tpu.memory_space<hbm>>
        tpu.wait_dma2 semaphore(%run_scoped3A_39 : memref<!tpu.dma_semaphore, #tpu.memory_space<semaphore_mem>>) src(%dma_wait3A_51 : memref<400x128xf32, #tpu.memory_space<hbm>>) dst(%dma_wait3A_48 : memref<400x128xf32, #tpu.memory_space<vmem_shared>>)
        tpu.yield
      }) : () -> ()
    } else {
    }
    %mul3A = arith.constant 10000 : i32
    %mul3A_6 = arith.muli %arg1, %mul3A : i32
    "tpu.region"() ({
      %run_scoped3A_39 = tpu.sem_alloc : memref<!tpu.dma_semaphore, #tpu.memory_space<semaphore_mem>>
      %dma_start3A_40 = tpu.memref_slice %arg3[%mul3A_6] : memref<160000xi32, #tpu.memory_space<hbm>> -> memref<10000xi32, #tpu.memory_space<hbm>>
      %dma_start3A_41 = tpu.memref_slice %arg3[%mul3A_6] : memref<160000xi32, #tpu.memory_space<hbm>> -> memref<10000xi32, #tpu.memory_space<hbm>>
      tpu.enqueue_dma source(%dma_start3A_41 : memref<10000xi32, #tpu.memory_space<hbm>>) target(%arg7 : memref<10000xi32, #tpu.memory_space<vmem>>) target_semaphore(%run_scoped3A_39 : memref<!tpu.dma_semaphore, #tpu.memory_space<semaphore_mem>>)
      %dma_wait3A_42 = tpu.memref_slice %arg3[%mul3A_6] : memref<160000xi32, #tpu.memory_space<hbm>> -> memref<10000xi32, #tpu.memory_space<hbm>>
      %dma_wait3A_43 = tpu.memref_slice %arg3[%mul3A_6] : memref<160000xi32, #tpu.memory_space<hbm>> -> memref<10000xi32, #tpu.memory_space<hbm>>
      tpu.wait_dma2 semaphore(%run_scoped3A_39 : memref<!tpu.dma_semaphore, #tpu.memory_space<semaphore_mem>>) src(%dma_wait3A_43 : memref<10000xi32, #tpu.memory_space<hbm>>) dst(%arg7 : memref<10000xi32, #tpu.memory_space<vmem>>)
      tpu.yield
    }) : () -> ()
    "tpu.region"() ({
      %run_scoped3A_39 = tpu.sem_alloc : memref<!tpu.dma_semaphore, #tpu.memory_space<semaphore_mem>>
      %dma_start3A_40 = arith.constant 0 : i32
      %dma_start3A_41 = arith.constant 0 : i32
      %dma_start3A_42 = tpu.memref_slice %arg4[%arg1, %dma_start3A_40, %dma_start3A_41] : memref<16x125x80xi32, #tpu.memory_space<hbm>> -> memref<1x125x80xi32, #tpu.memory_space<hbm>>
      %dma_start3A_43 = tpu.memref_squeeze %dma_start3A_42 : memref<1x125x80xi32, #tpu.memory_space<hbm>> -> memref<125x80xi32, #tpu.memory_space<hbm>>
      %dma_start3A_44 = arith.constant 0 : i32
      %dma_start3A_45 = arith.constant 0 : i32
      %dma_start3A_46 = tpu.memref_slice %arg4[%arg1, %dma_start3A_44, %dma_start3A_45] : memref<16x125x80xi32, #tpu.memory_space<hbm>> -> memref<1x125x80xi32, #tpu.memory_space<hbm>>
      %dma_start3A_47 = tpu.memref_squeeze %dma_start3A_46 : memref<1x125x80xi32, #tpu.memory_space<hbm>> -> memref<125x80xi32, #tpu.memory_space<hbm>>
      tpu.enqueue_dma source(%dma_start3A_47 : memref<125x80xi32, #tpu.memory_space<hbm>>) target(%arg8 : memref<125x80xi32, #tpu.memory_space<vmem>>) target_semaphore(%run_scoped3A_39 : memref<!tpu.dma_semaphore, #tpu.memory_space<semaphore_mem>>)
      %dma_wait3A_48 = arith.constant 0 : i32
      %dma_wait3A_49 = arith.constant 0 : i32
      %dma_wait3A_50 = tpu.memref_slice %arg4[%arg1, %dma_wait3A_48, %dma_wait3A_49] : memref<16x125x80xi32, #tpu.memory_space<hbm>> -> memref<1x125x80xi32, #tpu.memory_space<hbm>>
      %dma_wait3A_51 = tpu.memref_squeeze %dma_wait3A_50 : memref<1x125x80xi32, #tpu.memory_space<hbm>> -> memref<125x80xi32, #tpu.memory_space<hbm>>
      %dma_wait3A_52 = arith.constant 0 : i32
      %dma_wait3A_53 = arith.constant 0 : i32
      %dma_wait3A_54 = tpu.memref_slice %arg4[%arg1, %dma_wait3A_52, %dma_wait3A_53] : memref<16x125x80xi32, #tpu.memory_space<hbm>> -> memref<1x125x80xi32, #tpu.memory_space<hbm>>
      %dma_wait3A_55 = tpu.memref_squeeze %dma_wait3A_54 : memref<1x125x80xi32, #tpu.memory_space<hbm>> -> memref<125x80xi32, #tpu.memory_space<hbm>>
      tpu.wait_dma2 semaphore(%run_scoped3A_39 : memref<!tpu.dma_semaphore, #tpu.memory_space<semaphore_mem>>) src(%dma_wait3A_55 : memref<125x80xi32, #tpu.memory_space<hbm>>) dst(%arg8 : memref<125x80xi32, #tpu.memory_space<vmem>>)
      tpu.yield
    }) : () -> ()
    %mul3A_7 = arith.constant 10000 : i32
    %mul3A_8 = arith.muli %arg0, %mul3A_7 : i32
    %broadcast_in_dim3A = vector.broadcast %mul3A_8 : i32 to vector<16xi32>
    %scan3A = arith.constant 0 : i32
    %scan3A_9 = arith.constant 0 : i32
    %scan3A_10 = arith.constant 625 : i32
    %scan3A_11 = arith.addi %scan3A_9, %scan3A_10 : i32
    %scan3A_12 = arith.constant 1 : i32
    scf.for %scan3A_39 = %scan3A_9 to %scan3A_11 step %scan3A_12  : i32 {
      %mul3A_40 = arith.constant 16 : i32
      %mul3A_41 = arith.muli %scan3A_39, %mul3A_40 : i32
      %get3A = arith.index_cast %mul3A_41 : i32 to index
      %get3A_42 = tpu.vector_load %arg7[%get3A] {strides = array<i32>} : memref<10000xi32, #tpu.memory_space<vmem>>, vector<16xi32>,
      %add3A = arith.addi %get3A_42, %broadcast_in_dim3A : vector<16xi32>
      %swap3A = arith.index_cast %mul3A_41 : i32 to index
      %swap3A_43 = tpu.vector_load %arg7[%swap3A] {strides = array<i32>} : memref<10000xi32, #tpu.memory_space<vmem>>, vector<16xi32>,
      tpu.vector_store %arg7[%swap3A], %add3A {strides = array<i32>} : memref<10000xi32, #tpu.memory_space<vmem>>, vector<16xi32>,
    }
    %scan3A_13 = arith.constant 625 : i32
    %barrier3A = arith.constant 0 : index
    tpu.barrier barrier_id(%barrier3A)
    %dma_start3A = arith.constant 0 : i32
    %dma_start3A_14 = tpu.memref_slice %arg7[%dma_start3A] : memref<10000xi32, #tpu.memory_space<vmem>> -> memref<80xi32, #tpu.memory_space<vmem>>
    %dma_start3A_15 = arith.constant 0 : i32
    %dma_start3A_16 = arith.constant 0 : i32
    %dma_start3A_17 = tpu.memref_slice %arg2[%dma_start3A_15, %dma_start3A_16] : memref<20000x128xf32, #tpu.memory_space<hbm>> -> memref<20000x128xf32, #tpu.memory_space<hbm>>
    tpu.enqueue_indirect_dma source(%dma_start3A_17 : memref<20000x128xf32, #tpu.memory_space<hbm>>) target(%arg9 : memref<80x128xf32, #tpu.memory_space<vmem>>) offsets(%dma_start3A_14 : memref<80xi32, #tpu.memory_space<vmem>>) semaphore(%arg12 : memref<!tpu.dma_semaphore, #tpu.memory_space<semaphore_mem>>)
    %scan3A_18 = arith.constant 0 : i32
    %scan3A_19 = arith.constant 0 : i32
    %scan3A_20 = arith.constant 62 : i32
    %scan3A_21 = arith.addi %scan3A_19, %scan3A_20 : i32
    %scan3A_22 = arith.constant 1 : i32
    scf.for %scan3A_39 = %scan3A_19 to %scan3A_21 step %scan3A_22  : i32 {
      %mul3A_40 = arith.constant 2 : i32
      %mul3A_41 = arith.muli %mul3A_40, %scan3A_39 : i32
      %add3A = arith.constant 1 : i32
      %add3A_42 = arith.addi %mul3A_41, %add3A : i32
      %mul3A_43 = arith.constant 80 : i32
      %mul3A_44 = arith.muli %add3A_42, %mul3A_43 : i32
      %dma_start3A_45 = tpu.memref_slice %arg7[%mul3A_44] : memref<10000xi32, #tpu.memory_space<vmem>> -> memref<80xi32, #tpu.memory_space<vmem>>
      %dma_start3A_46 = arith.constant 0 : i32
      %dma_start3A_47 = arith.constant 0 : i32
      %dma_start3A_48 = tpu.memref_slice %arg2[%dma_start3A_46, %dma_start3A_47] : memref<20000x128xf32, #tpu.memory_space<hbm>> -> memref<20000x128xf32, #tpu.memory_space<hbm>>
      tpu.enqueue_indirect_dma source(%dma_start3A_48 : memref<20000x128xf32, #tpu.memory_space<hbm>>) target(%arg10 : memref<80x128xf32, #tpu.memory_space<vmem>>) offsets(%dma_start3A_45 : memref<80xi32, #tpu.memory_space<vmem>>) semaphore(%arg13 : memref<!tpu.dma_semaphore, #tpu.memory_space<semaphore_mem>>)
      %mul3A_49 = arith.constant 80 : i32
      %mul3A_50 = arith.muli %mul3A_41, %mul3A_49 : i32
      %dma_wait3A_51 = tpu.memref_slice %arg7[%mul3A_50] : memref<10000xi32, #tpu.memory_space<vmem>> -> memref<80xi32, #tpu.memory_space<vmem>>
      %dma_wait3A_52 = arith.constant 0 : i32
      %dma_wait3A_53 = arith.constant 0 : i32
      %dma_wait3A_54 = tpu.memref_slice %arg2[%dma_wait3A_52, %dma_wait3A_53] : memref<20000x128xf32, #tpu.memory_space<hbm>> -> memref<20000x128xf32, #tpu.memory_space<hbm>>
      tpu.wait_indirect_dma semaphore(%arg12 : memref<!tpu.dma_semaphore, #tpu.memory_space<semaphore_mem>>) src(%dma_wait3A_54 : memref<20000x128xf32, #tpu.memory_space<hbm>>) dst(%arg9 : memref<80x128xf32, #tpu.memory_space<vmem>>)
      "tpu.region"() ({
        %run_scoped3A_73 = tpu.sem_alloc : memref<!tpu.dma_semaphore, #tpu.memory_space<semaphore_mem>>
        %dma_start3A_74 = arith.constant 0 : i32
        %dma_start3A_75 = tpu.memref_slice %arg8[%mul3A_41, %dma_start3A_74] : memref<125x80xi32, #tpu.memory_space<vmem>> -> memref<1x80xi32, #tpu.memory_space<vmem>>
        %dma_start3A_76 = tpu.memref_squeeze %dma_start3A_75 : memref<1x80xi32, #tpu.memory_space<vmem>> -> memref<80xi32, #tpu.memory_space<vmem>>
        %dma_start3A_77 = arith.constant 0 : i32
        %dma_start3A_78 = arith.constant 0 : i32
        %dma_start3A_79 = tpu.memref_slice %arg11[%dma_start3A_77, %dma_start3A_78] : memref<10000x128xf32, #tpu.memory_space<vmem_shared>> -> memref<10000x128xf32, #tpu.memory_space<vmem_shared>>
        tpu.enqueue_indirect_dma source(%arg9 : memref<80x128xf32, #tpu.memory_space<vmem>>) target(%dma_start3A_79 : memref<10000x128xf32, #tpu.memory_space<vmem_shared>>) offsets(%dma_start3A_76 : memref<80xi32, #tpu.memory_space<vmem>>) semaphore(%run_scoped3A_73 : memref<!tpu.dma_semaphore, #tpu.memory_space<semaphore_mem>>) {add = true}
        %dma_wait3A_80 = arith.constant 0 : i32
        %dma_wait3A_81 = tpu.memref_slice %arg8[%mul3A_41, %dma_wait3A_80] : memref<125x80xi32, #tpu.memory_space<vmem>> -> memref<1x80xi32, #tpu.memory_space<vmem>>
        %dma_wait3A_82 = tpu.memref_squeeze %dma_wait3A_81 : memref<1x80xi32, #tpu.memory_space<vmem>> -> memref<80xi32, #tpu.memory_space<vmem>>
        %dma_wait3A_83 = arith.constant 0 : i32
        %dma_wait3A_84 = arith.constant 0 : i32
        %dma_wait3A_85 = tpu.memref_slice %arg11[%dma_wait3A_83, %dma_wait3A_84] : memref<10000x128xf32, #tpu.memory_space<vmem_shared>> -> memref<10000x128xf32, #tpu.memory_space<vmem_shared>>
        tpu.wait_indirect_dma semaphore(%run_scoped3A_73 : memref<!tpu.dma_semaphore, #tpu.memory_space<semaphore_mem>>) src(%arg9 : memref<80x128xf32, #tpu.memory_space<vmem>>) dst(%dma_wait3A_85 : memref<10000x128xf32, #tpu.memory_space<vmem_shared>>)
        tpu.yield
      }) : () -> ()
      %add3A_55 = arith.constant 2 : i32
      %add3A_56 = arith.addi %mul3A_41, %add3A_55 : i32
      %mul3A_57 = arith.constant 80 : i32
      %mul3A_58 = arith.muli %add3A_56, %mul3A_57 : i32
      %dma_start3A_59 = tpu.memref_slice %arg7[%mul3A_58] : memref<10000xi32, #tpu.memory_space<vmem>> -> memref<80xi32, #tpu.memory_space<vmem>>
      %dma_start3A_60 = arith.constant 0 : i32
      %dma_start3A_61 = arith.constant 0 : i32
      %dma_start3A_62 = tpu.memref_slice %arg2[%dma_start3A_60, %dma_start3A_61] : memref<20000x128xf32, #tpu.memory_space<hbm>> -> memref<20000x128xf32, #tpu.memory_space<hbm>>
      tpu.enqueue_indirect_dma source(%dma_start3A_62 : memref<20000x128xf32, #tpu.memory_space<hbm>>) target(%arg9 : memref<80x128xf32, #tpu.memory_space<vmem>>) offsets(%dma_start3A_59 : memref<80xi32, #tpu.memory_space<vmem>>) semaphore(%arg12 : memref<!tpu.dma_semaphore, #tpu.memory_space<semaphore_mem>>)
      %add3A_63 = arith.constant 1 : i32
      %add3A_64 = arith.addi %mul3A_41, %add3A_63 : i32
      %mul3A_65 = arith.constant 80 : i32
      %mul3A_66 = arith.muli %add3A_64, %mul3A_65 : i32
      %dma_wait3A_67 = tpu.memref_slice %arg7[%mul3A_66] : memref<10000xi32, #tpu.memory_space<vmem>> -> memref<80xi32, #tpu.memory_space<vmem>>
      %dma_wait3A_68 = arith.constant 0 : i32
      %dma_wait3A_69 = arith.constant 0 : i32
      %dma_wait3A_70 = tpu.memref_slice %arg2[%dma_wait3A_68, %dma_wait3A_69] : memref<20000x128xf32, #tpu.memory_space<hbm>> -> memref<20000x128xf32, #tpu.memory_space<hbm>>
      tpu.wait_indirect_dma semaphore(%arg13 : memref<!tpu.dma_semaphore, #tpu.memory_space<semaphore_mem>>) src(%dma_wait3A_70 : memref<20000x128xf32, #tpu.memory_space<hbm>>) dst(%arg10 : memref<80x128xf32, #tpu.memory_space<vmem>>)
      %add3A_71 = arith.constant 1 : i32
      %add3A_72 = arith.addi %mul3A_41, %add3A_71 : i32
      "tpu.region"() ({
        %run_scoped3A_73 = tpu.sem_alloc : memref<!tpu.dma_semaphore, #tpu.memory_space<semaphore_mem>>
        %dma_start3A_74 = arith.constant 0 : i32
        %dma_start3A_75 = tpu.memref_slice %arg8[%add3A_72, %dma_start3A_74] : memref<125x80xi32, #tpu.memory_space<vmem>> -> memref<1x80xi32, #tpu.memory_space<vmem>>
        %dma_start3A_76 = tpu.memref_squeeze %dma_start3A_75 : memref<1x80xi32, #tpu.memory_space<vmem>> -> memref<80xi32, #tpu.memory_space<vmem>>
        %dma_start3A_77 = arith.constant 0 : i32
        %dma_start3A_78 = arith.constant 0 : i32
        %dma_start3A_79 = tpu.memref_slice %arg11[%dma_start3A_77, %dma_start3A_78] : memref<10000x128xf32, #tpu.memory_space<vmem_shared>> -> memref<10000x128xf32, #tpu.memory_space<vmem_shared>>
        tpu.enqueue_indirect_dma source(%arg10 : memref<80x128xf32, #tpu.memory_space<vmem>>) target(%dma_start3A_79 : memref<10000x128xf32, #tpu.memory_space<vmem_shared>>) offsets(%dma_start3A_76 : memref<80xi32, #tpu.memory_space<vmem>>) semaphore(%run_scoped3A_73 : memref<!tpu.dma_semaphore, #tpu.memory_space<semaphore_mem>>) {add = true}
        %dma_wait3A_80 = arith.constant 0 : i32
        %dma_wait3A_81 = tpu.memref_slice %arg8[%add3A_72, %dma_wait3A_80] : memref<125x80xi32, #tpu.memory_space<vmem>> -> memref<1x80xi32, #tpu.memory_space<vmem>>
        %dma_wait3A_82 = tpu.memref_squeeze %dma_wait3A_81 : memref<1x80xi32, #tpu.memory_space<vmem>> -> memref<80xi32, #tpu.memory_space<vmem>>
        %dma_wait3A_83 = arith.constant 0 : i32
        %dma_wait3A_84 = arith.constant 0 : i32
        %dma_wait3A_85 = tpu.memref_slice %arg11[%dma_wait3A_83, %dma_wait3A_84] : memref<10000x128xf32, #tpu.memory_space<vmem_shared>> -> memref<10000x128xf32, #tpu.memory_space<vmem_shared>>
        tpu.wait_indirect_dma semaphore(%run_scoped3A_73 : memref<!tpu.dma_semaphore, #tpu.memory_space<semaphore_mem>>) src(%arg10 : memref<80x128xf32, #tpu.memory_space<vmem>>) dst(%dma_wait3A_85 : memref<10000x128xf32, #tpu.memory_space<vmem_shared>>)
        tpu.yield
      }) : () -> ()
    }
    %scan3A_23 = arith.constant 62 : i32
    %dma_wait3A = arith.constant 9920 : i32
    %dma_wait3A_24 = tpu.memref_slice %arg7[%dma_wait3A] : memref<10000xi32, #tpu.memory_space<vmem>> -> memref<80xi32, #tpu.memory_space<vmem>>
    %dma_wait3A_25 = arith.constant 0 : i32
    %dma_wait3A_26 = arith.constant 0 : i32
    %dma_wait3A_27 = tpu.memref_slice %arg2[%dma_wait3A_25, %dma_wait3A_26] : memref<20000x128xf32, #tpu.memory_space<hbm>> -> memref<20000x128xf32, #tpu.memory_space<hbm>>
    tpu.wait_indirect_dma semaphore(%arg12 : memref<!tpu.dma_semaphore, #tpu.memory_space<semaphore_mem>>) src(%dma_wait3A_27 : memref<20000x128xf32, #tpu.memory_space<hbm>>) dst(%arg9 : memref<80x128xf32, #tpu.memory_space<vmem>>)
    %run_scoped3A = arith.constant 124 : i32
    "tpu.region"() ({
      %run_scoped3A_39 = tpu.sem_alloc : memref<!tpu.dma_semaphore, #tpu.memory_space<semaphore_mem>>
      %dma_start3A_40 = arith.constant 0 : i32
      %dma_start3A_41 = tpu.memref_slice %arg8[%run_scoped3A, %dma_start3A_40] : memref<125x80xi32, #tpu.memory_space<vmem>> -> memref<1x80xi32, #tpu.memory_space<vmem>>
      %dma_start3A_42 = tpu.memref_squeeze %dma_start3A_41 : memref<1x80xi32, #tpu.memory_space<vmem>> -> memref<80xi32, #tpu.memory_space<vmem>>
      %dma_start3A_43 = arith.constant 0 : i32
      %dma_start3A_44 = arith.constant 0 : i32
      %dma_start3A_45 = tpu.memref_slice %arg11[%dma_start3A_43, %dma_start3A_44] : memref<10000x128xf32, #tpu.memory_space<vmem_shared>> -> memref<10000x128xf32, #tpu.memory_space<vmem_shared>>
      tpu.enqueue_indirect_dma source(%arg9 : memref<80x128xf32, #tpu.memory_space<vmem>>) target(%dma_start3A_45 : memref<10000x128xf32, #tpu.memory_space<vmem_shared>>) offsets(%dma_start3A_42 : memref<80xi32, #tpu.memory_space<vmem>>) semaphore(%run_scoped3A_39 : memref<!tpu.dma_semaphore, #tpu.memory_space<semaphore_mem>>) {add = true}
      %dma_wait3A_46 = arith.constant 0 : i32
      %dma_wait3A_47 = tpu.memref_slice %arg8[%run_scoped3A, %dma_wait3A_46] : memref<125x80xi32, #tpu.memory_space<vmem>> -> memref<1x80xi32, #tpu.memory_space<vmem>>
      %dma_wait3A_48 = tpu.memref_squeeze %dma_wait3A_47 : memref<1x80xi32, #tpu.memory_space<vmem>> -> memref<80xi32, #tpu.memory_space<vmem>>
      %dma_wait3A_49 = arith.constant 0 : i32
      %dma_wait3A_50 = arith.constant 0 : i32
      %dma_wait3A_51 = tpu.memref_slice %arg11[%dma_wait3A_49, %dma_wait3A_50] : memref<10000x128xf32, #tpu.memory_space<vmem_shared>> -> memref<10000x128xf32, #tpu.memory_space<vmem_shared>>
      tpu.wait_indirect_dma semaphore(%run_scoped3A_39 : memref<!tpu.dma_semaphore, #tpu.memory_space<semaphore_mem>>) src(%arg9 : memref<80x128xf32, #tpu.memory_space<vmem>>) dst(%dma_wait3A_51 : memref<10000x128xf32, #tpu.memory_space<vmem_shared>>)
      tpu.yield
    }) : () -> ()
    %barrier3A_28 = arith.constant 0 : index
    tpu.barrier barrier_id(%barrier3A_28)
    %lt3A_29 = arith.constant 15 : i32
    %lt3A_30 = arith.cmpi slt, %arg1, %lt3A_29 : i32
    %convert_element_type3A_31 = arith.extui %lt3A_30 : i1 to i32
    %cond3A_32 = arith.constant 0 : i32
    %cond3A_33 = arith.cmpi ne, %convert_element_type3A_31, %cond3A_32 : i32
    scf.if %cond3A_33 {
      %mul3A_39 = arith.constant 640 : i32
      %mul3A_40 = arith.muli %arg1, %mul3A_39 : i32
      %mul3A_41 = arith.constant 10000 : i32
      %mul3A_42 = arith.muli %arg0, %mul3A_41 : i32
      %mul3A_43 = arith.constant 640 : i32
      %mul3A_44 = arith.muli %arg1, %mul3A_43 : i32
      %add3A = arith.addi %mul3A_42, %mul3A_44 : i32
      "tpu.region"() ({
        %run_scoped3A_45 = tpu.sem_alloc : memref<!tpu.dma_semaphore, #tpu.memory_space<semaphore_mem>>
        %dma_start3A_46 = arith.constant 0 : i32
        %dma_start3A_47 = tpu.memref_slice %arg6[%add3A, %dma_start3A_46] : memref<20000x128xf32, #tpu.memory_space<hbm>> -> memref<640x128xf32, #tpu.memory_space<hbm>>
        %dma_start3A_48 = arith.constant 0 : i32
        %dma_start3A_49 = tpu.memref_slice %arg11[%mul3A_40, %dma_start3A_48] : memref<10000x128xf32, #tpu.memory_space<vmem_shared>> -> memref<640x128xf32, #tpu.memory_space<vmem_shared>>
        tpu.enqueue_dma source(%dma_start3A_49 : memref<640x128xf32, #tpu.memory_space<vmem_shared>>) target(%dma_start3A_47 : memref<640x128xf32, #tpu.memory_space<hbm>>) target_semaphore(%run_scoped3A_45 : memref<!tpu.dma_semaphore, #tpu.memory_space<semaphore_mem>>)
        %dma_wait3A_50 = arith.constant 0 : i32
        %dma_wait3A_51 = tpu.memref_slice %arg6[%add3A, %dma_wait3A_50] : memref<20000x128xf32, #tpu.memory_space<hbm>> -> memref<640x128xf32, #tpu.memory_space<hbm>>
        %dma_wait3A_52 = arith.constant 0 : i32
        %dma_wait3A_53 = tpu.memref_slice %arg11[%mul3A_40, %dma_wait3A_52] : memref<10000x128xf32, #tpu.memory_space<vmem_shared>> -> memref<640x128xf32, #tpu.memory_space<vmem_shared>>
        tpu.wait_dma2 semaphore(%run_scoped3A_45 : memref<!tpu.dma_semaphore, #tpu.memory_space<semaphore_mem>>) src(%dma_wait3A_53 : memref<640x128xf32, #tpu.memory_space<vmem_shared>>) dst(%dma_wait3A_51 : memref<640x128xf32, #tpu.memory_space<hbm>>)
        tpu.yield
      }) : () -> ()
    } else {
    }
    %eq3A_34 = arith.constant 15 : i32
    %eq3A_35 = arith.cmpi eq, %arg1, %eq3A_34 : i32
    %convert_element_type3A_36 = arith.extui %eq3A_35 : i1 to i32
    %cond3A_37 = arith.constant 0 : i32
    %cond3A_38 = arith.cmpi ne, %convert_element_type3A_36, %cond3A_37 : i32
    scf.if %cond3A_38 {
      %mul3A_39 = arith.constant 10000 : i32
      %mul3A_40 = arith.muli %arg0, %mul3A_39 : i32
      %add3A = arith.constant 9600 : i32
      %add3A_41 = arith.addi %mul3A_40, %add3A : i32
      "tpu.region"() ({
        %run_scoped3A_42 = tpu.sem_alloc : memref<!tpu.dma_semaphore, #tpu.memory_space<semaphore_mem>>
        %dma_start3A_43 = arith.constant 0 : i32
        %dma_start3A_44 = tpu.memref_slice %arg6[%add3A_41, %dma_start3A_43] : memref<20000x128xf32, #tpu.memory_space<hbm>> -> memref<400x128xf32, #tpu.memory_space<hbm>>
        %dma_start3A_45 = arith.constant 9600 : i32
        %dma_start3A_46 = arith.constant 0 : i32
        %dma_start3A_47 = tpu.memref_slice %arg11[%dma_start3A_45, %dma_start3A_46] : memref<10000x128xf32, #tpu.memory_space<vmem_shared>> -> memref<400x128xf32, #tpu.memory_space<vmem_shared>>
        tpu.enqueue_dma source(%dma_start3A_47 : memref<400x128xf32, #tpu.memory_space<vmem_shared>>) target(%dma_start3A_44 : memref<400x128xf32, #tpu.memory_space<hbm>>) target_semaphore(%run_scoped3A_42 : memref<!tpu.dma_semaphore, #tpu.memory_space<semaphore_mem>>)
        %dma_wait3A_48 = arith.constant 0 : i32
        %dma_wait3A_49 = tpu.memref_slice %arg6[%add3A_41, %dma_wait3A_48] : memref<20000x128xf32, #tpu.memory_space<hbm>> -> memref<400x128xf32, #tpu.memory_space<hbm>>
        %dma_wait3A_50 = arith.constant 9600 : i32
        %dma_wait3A_51 = arith.constant 0 : i32
        %dma_wait3A_52 = tpu.memref_slice %arg11[%dma_wait3A_50, %dma_wait3A_51] : memref<10000x128xf32, #tpu.memory_space<vmem_shared>> -> memref<400x128xf32, #tpu.memory_space<vmem_shared>>
        tpu.wait_dma2 semaphore(%run_scoped3A_42 : memref<!tpu.dma_semaphore, #tpu.memory_space<semaphore_mem>>) src(%dma_wait3A_52 : memref<400x128xf32, #tpu.memory_space<vmem_shared>>) dst(%dma_wait3A_49 : memref<400x128xf32, #tpu.memory_space<hbm>>)
        tpu.yield
      }) : () -> ()
    } else {
    }
    return
  }
}

#map = affine_map<(d0, d1) -> (0)>
module attributes {stable_mosaic.version = 14 : i64} {
  func.func @k(%arg0: i32, %arg1: i32, %arg2: memref<160000xi32, #tpu.memory_space<hbm>>, %arg3: memref<320000xf32, #tpu.memory_space<hbm>>, %arg4: memref<5008xi32, #tpu.memory_space<vmem>>, %arg5: memref<10000xf32, #tpu.memory_space<vmem>>) attributes {dimension_semantics = [#tpu.dimension_semantics<core_parallel>, #tpu.dimension_semantics<subcore_parallel>], iteration_bounds = array<i64: 2, 16>, scalar_prefetch = 0 : i64, scratch_operands = 2 : i64, tpu.core_type = #tpu.core_type<sc_vector_subcore>, window_params = [{transform_indices = #map}, {transform_indices = #map}]} {
    %mul3A = arith.constant 2 : i32
    %mul3A_0 = arith.muli %arg1, %mul3A : i32
    %add3A = arith.addi %mul3A_0, %arg0 : i32
    %broadcast_in_dim3A = arith.constant 0.000000e+00 : f32
    %broadcast_in_dim3A_1 = vector.broadcast %broadcast_in_dim3A : f32 to vector<16xf32>
    %scan3A = arith.constant 0 : i32
    %scan3A_2 = arith.constant 0 : i32
    %scan3A_3 = arith.constant 625 : i32
    %scan3A_4 = arith.addi %scan3A_2, %scan3A_3 : i32
    %scan3A_5 = arith.constant 1 : i32
    scf.for %scan3A_23 = %scan3A_2 to %scan3A_4 step %scan3A_5  : i32 {
      %mul3A_24 = arith.constant 16 : i32
      %mul3A_25 = arith.muli %scan3A_23, %mul3A_24 : i32
      %swap3A = arith.index_cast %mul3A_25 : i32 to index
      %swap3A_26 = tpu.vector_load %arg5[%swap3A] {strides = array<i32>} : memref<10000xf32, #tpu.memory_space<vmem>>, vector<16xf32>,
      tpu.vector_store %arg5[%swap3A], %broadcast_in_dim3A_1 {strides = array<i32>} : memref<10000xf32, #tpu.memory_space<vmem>>, vector<16xf32>,
    }
    %scan3A_6 = arith.constant 625 : i32
    %mul3A_7 = arith.constant 5000 : i32
    %mul3A_8 = arith.muli %add3A, %mul3A_7 : i32
    "tpu.region"() ({
      %run_scoped3A = tpu.sem_alloc : memref<!tpu.dma_semaphore, #tpu.memory_space<semaphore_mem>>
      %dma_start3A = arith.constant 0 : i32
      %dma_start3A_23 = tpu.memref_slice %arg4[%dma_start3A] : memref<5008xi32, #tpu.memory_space<vmem>> -> memref<5000xi32, #tpu.memory_space<vmem>>
      %dma_start3A_24 = tpu.memref_slice %arg2[%mul3A_8] : memref<160000xi32, #tpu.memory_space<hbm>> -> memref<5000xi32, #tpu.memory_space<hbm>>
      %dma_start3A_25 = arith.constant 0 : i32
      %dma_start3A_26 = tpu.memref_slice %arg4[%dma_start3A_25] : memref<5008xi32, #tpu.memory_space<vmem>> -> memref<5000xi32, #tpu.memory_space<vmem>>
      %dma_start3A_27 = tpu.memref_slice %arg2[%mul3A_8] : memref<160000xi32, #tpu.memory_space<hbm>> -> memref<5000xi32, #tpu.memory_space<hbm>>
      tpu.enqueue_dma source(%dma_start3A_27 : memref<5000xi32, #tpu.memory_space<hbm>>) target(%dma_start3A_26 : memref<5000xi32, #tpu.memory_space<vmem>>) target_semaphore(%run_scoped3A : memref<!tpu.dma_semaphore, #tpu.memory_space<semaphore_mem>>)
      %dma_wait3A = arith.constant 0 : i32
      %dma_wait3A_28 = tpu.memref_slice %arg4[%dma_wait3A] : memref<5008xi32, #tpu.memory_space<vmem>> -> memref<5000xi32, #tpu.memory_space<vmem>>
      %dma_wait3A_29 = tpu.memref_slice %arg2[%mul3A_8] : memref<160000xi32, #tpu.memory_space<hbm>> -> memref<5000xi32, #tpu.memory_space<hbm>>
      %dma_wait3A_30 = arith.constant 0 : i32
      %dma_wait3A_31 = tpu.memref_slice %arg4[%dma_wait3A_30] : memref<5008xi32, #tpu.memory_space<vmem>> -> memref<5000xi32, #tpu.memory_space<vmem>>
      %dma_wait3A_32 = tpu.memref_slice %arg2[%mul3A_8] : memref<160000xi32, #tpu.memory_space<hbm>> -> memref<5000xi32, #tpu.memory_space<hbm>>
      tpu.wait_dma2 semaphore(%run_scoped3A : memref<!tpu.dma_semaphore, #tpu.memory_space<semaphore_mem>>) src(%dma_wait3A_32 : memref<5000xi32, #tpu.memory_space<hbm>>) dst(%dma_wait3A_31 : memref<5000xi32, #tpu.memory_space<vmem>>)
      tpu.yield
    }) : () -> ()
    %broadcast_in_dim3A_9 = arith.constant 1.000000e+00 : f32
    %broadcast_in_dim3A_10 = vector.broadcast %broadcast_in_dim3A_9 : f32 to vector<16xf32>
    %scan3A_11 = arith.constant 0 : i32
    %scan3A_12 = arith.constant 0 : i32
    %scan3A_13 = arith.constant 312 : i32
    %scan3A_14 = arith.addi %scan3A_12, %scan3A_13 : i32
    %scan3A_15 = arith.constant 1 : i32
    scf.for %scan3A_23 = %scan3A_12 to %scan3A_14 step %scan3A_15  : i32 {
      %mul3A_24 = arith.constant 16 : i32
      %mul3A_25 = arith.muli %scan3A_23, %mul3A_24 : i32
      %get3A_26 = arith.index_cast %mul3A_25 : i32 to index
      %get3A_27 = tpu.vector_load %arg4[%get3A_26] {strides = array<i32>} : memref<5008xi32, #tpu.memory_space<vmem>>, vector<16xi32>,
      tpu.vector_store_idx %arg5[%get3A_27], %broadcast_in_dim3A_10 {add = true} : memref<10000xf32, #tpu.memory_space<vmem>>[vector<16xi32>], vector<16xf32>,
    }
    %scan3A_16 = arith.constant 312 : i32
    %get3A = arith.constant 4992 : index
    %get3A_17 = tpu.vector_load %arg4[%get3A] {strides = array<i32>} : memref<5008xi32, #tpu.memory_space<vmem>>, vector<16xi32>,
    %iota3A = tpu.iota {dimensions = array<i32: 0>} : vector<16xi32>
    %lt3A = arith.constant 8 : i32
    %lt3A_18 = vector.broadcast %lt3A : i32 to vector<16xi32>
    %lt3A_19 = arith.cmpi slt, %iota3A, %lt3A_18 : vector<16xi32>
    %jit3A = arith.constant 0 : i32
    %broadcast_in_dim3A_20 = vector.broadcast %jit3A : i32 to vector<16xi32>
    %select_n3A = arith.select %lt3A_19, %get3A_17, %broadcast_in_dim3A_20 : vector<16xi1>, vector<16xi32>
    tpu.vector_store_idx %arg5[%select_n3A], %broadcast_in_dim3A_10 masked %lt3A_19 {add = true} : memref<10000xf32, #tpu.memory_space<vmem>>[vector<16xi32>], vector<16xf32>, vector<16xi1>
    %mul3A_21 = arith.constant 10000 : i32
    %mul3A_22 = arith.muli %add3A, %mul3A_21 : i32
    "tpu.region"() ({
      %run_scoped3A = tpu.sem_alloc : memref<!tpu.dma_semaphore, #tpu.memory_space<semaphore_mem>>
      %dma_start3A = tpu.memref_slice %arg3[%mul3A_22] : memref<320000xf32, #tpu.memory_space<hbm>> -> memref<10000xf32, #tpu.memory_space<hbm>>
      %dma_start3A_23 = tpu.memref_slice %arg3[%mul3A_22] : memref<320000xf32, #tpu.memory_space<hbm>> -> memref<10000xf32, #tpu.memory_space<hbm>>
      tpu.enqueue_dma source(%arg5 : memref<10000xf32, #tpu.memory_space<vmem>>) target(%dma_start3A_23 : memref<10000xf32, #tpu.memory_space<hbm>>) target_semaphore(%run_scoped3A : memref<!tpu.dma_semaphore, #tpu.memory_space<semaphore_mem>>)
      %dma_wait3A = tpu.memref_slice %arg3[%mul3A_22] : memref<320000xf32, #tpu.memory_space<hbm>> -> memref<10000xf32, #tpu.memory_space<hbm>>
      %dma_wait3A_24 = tpu.memref_slice %arg3[%mul3A_22] : memref<320000xf32, #tpu.memory_space<hbm>> -> memref<10000xf32, #tpu.memory_space<hbm>>
      tpu.wait_dma2 semaphore(%run_scoped3A : memref<!tpu.dma_semaphore, #tpu.memory_space<semaphore_mem>>) src(%arg5 : memref<10000xf32, #tpu.memory_space<vmem>>) dst(%dma_wait3A_24 : memref<10000xf32, #tpu.memory_space<hbm>>)
      tpu.yield
    }) : () -> ()
    return
  }
}

#map = affine_map<(d0, d1) -> (0, 0)>
#map1 = affine_map<(d0, d1) -> (0)>
module attributes {stable_mosaic.version = 14 : i64} {
  func.func @k(%arg0: i32, %arg1: i32, %arg2: memref<40000x128xf32, #tpu.memory_space<hbm>>, %arg3: memref<160000xi32, #tpu.memory_space<hbm>>, %arg4: memref<160000xi32, #tpu.memory_space<hbm>>, %arg5: memref<320000x128xf32, #tpu.memory_space<hbm>>, %arg6: memref<10000xi32, #tpu.memory_space<vmem>>, %arg7: memref<10000xi32, #tpu.memory_space<vmem>>, %arg8: memref<80x128xf32, #tpu.memory_space<vmem>>, %arg9: memref<80x128xf32, #tpu.memory_space<vmem>>, %arg10: memref<80x128xf32, #tpu.memory_space<vmem>>, %arg11: memref<80x128xf32, #tpu.memory_space<vmem>>, %arg12: memref<!tpu.dma_semaphore, #tpu.memory_space<semaphore_mem>>, %arg13: memref<!tpu.dma_semaphore, #tpu.memory_space<semaphore_mem>>, %arg14: memref<!tpu.dma_semaphore, #tpu.memory_space<semaphore_mem>>, %arg15: memref<!tpu.dma_semaphore, #tpu.memory_space<semaphore_mem>>) attributes {dimension_semantics = [#tpu.dimension_semantics<core_parallel>, #tpu.dimension_semantics<subcore_parallel>], iteration_bounds = array<i64: 2, 16>, scalar_prefetch = 0 : i64, scratch_operands = 10 : i64, tpu.core_type = #tpu.core_type<sc_vector_subcore>, window_params = [{transform_indices = #map}, {transform_indices = #map1}, {transform_indices = #map1}, {transform_indices = #map}]} {
    %mul3A = arith.constant 10000 : i32
    %mul3A_0 = arith.muli %arg1, %mul3A : i32
    "tpu.region"() ({
      %run_scoped3A = tpu.sem_alloc : memref<!tpu.dma_semaphore, #tpu.memory_space<semaphore_mem>>
      %dma_start3A_47 = tpu.memref_slice %arg3[%mul3A_0] : memref<160000xi32, #tpu.memory_space<hbm>> -> memref<10000xi32, #tpu.memory_space<hbm>>
      %dma_start3A_48 = tpu.memref_slice %arg3[%mul3A_0] : memref<160000xi32, #tpu.memory_space<hbm>> -> memref<10000xi32, #tpu.memory_space<hbm>>
      tpu.enqueue_dma source(%dma_start3A_48 : memref<10000xi32, #tpu.memory_space<hbm>>) target(%arg6 : memref<10000xi32, #tpu.memory_space<vmem>>) target_semaphore(%run_scoped3A : memref<!tpu.dma_semaphore, #tpu.memory_space<semaphore_mem>>)
      %dma_wait3A_49 = tpu.memref_slice %arg3[%mul3A_0] : memref<160000xi32, #tpu.memory_space<hbm>> -> memref<10000xi32, #tpu.memory_space<hbm>>
      %dma_wait3A_50 = tpu.memref_slice %arg3[%mul3A_0] : memref<160000xi32, #tpu.memory_space<hbm>> -> memref<10000xi32, #tpu.memory_space<hbm>>
      tpu.wait_dma2 semaphore(%run_scoped3A : memref<!tpu.dma_semaphore, #tpu.memory_space<semaphore_mem>>) src(%dma_wait3A_50 : memref<10000xi32, #tpu.memory_space<hbm>>) dst(%arg6 : memref<10000xi32, #tpu.memory_space<vmem>>)
      tpu.yield
    }) : () -> ()
    "tpu.region"() ({
      %run_scoped3A = tpu.sem_alloc : memref<!tpu.dma_semaphore, #tpu.memory_space<semaphore_mem>>
      %dma_start3A_47 = tpu.memref_slice %arg4[%mul3A_0] : memref<160000xi32, #tpu.memory_space<hbm>> -> memref<10000xi32, #tpu.memory_space<hbm>>
      %dma_start3A_48 = tpu.memref_slice %arg4[%mul3A_0] : memref<160000xi32, #tpu.memory_space<hbm>> -> memref<10000xi32, #tpu.memory_space<hbm>>
      tpu.enqueue_dma source(%dma_start3A_48 : memref<10000xi32, #tpu.memory_space<hbm>>) target(%arg7 : memref<10000xi32, #tpu.memory_space<vmem>>) target_semaphore(%run_scoped3A : memref<!tpu.dma_semaphore, #tpu.memory_space<semaphore_mem>>)
      %dma_wait3A_49 = tpu.memref_slice %arg4[%mul3A_0] : memref<160000xi32, #tpu.memory_space<hbm>> -> memref<10000xi32, #tpu.memory_space<hbm>>
      %dma_wait3A_50 = tpu.memref_slice %arg4[%mul3A_0] : memref<160000xi32, #tpu.memory_space<hbm>> -> memref<10000xi32, #tpu.memory_space<hbm>>
      tpu.wait_dma2 semaphore(%run_scoped3A : memref<!tpu.dma_semaphore, #tpu.memory_space<semaphore_mem>>) src(%dma_wait3A_50 : memref<10000xi32, #tpu.memory_space<hbm>>) dst(%arg7 : memref<10000xi32, #tpu.memory_space<vmem>>)
      tpu.yield
    }) : () -> ()
    %mul3A_1 = arith.constant 10000 : i32
    %mul3A_2 = arith.muli %arg0, %mul3A_1 : i32
    %broadcast_in_dim3A = vector.broadcast %mul3A_2 : i32 to vector<16xi32>
    %add3A = arith.constant 2 : i32
    %add3A_3 = arith.addi %add3A, %arg0 : i32
    %mul3A_4 = arith.constant 10000 : i32
    %mul3A_5 = arith.muli %add3A_3, %mul3A_4 : i32
    %broadcast_in_dim3A_6 = vector.broadcast %mul3A_5 : i32 to vector<16xi32>
    %scan3A = arith.constant 0 : i32
    %scan3A_7 = arith.constant 0 : i32
    %scan3A_8 = arith.constant 625 : i32
    %scan3A_9 = arith.addi %scan3A_7, %scan3A_8 : i32
    %scan3A_10 = arith.constant 1 : i32
    scf.for %scan3A_47 = %scan3A_7 to %scan3A_9 step %scan3A_10  : i32 {
      %mul3A_48 = arith.constant 16 : i32
      %mul3A_49 = arith.muli %scan3A_47, %mul3A_48 : i32
      %get3A = arith.index_cast %mul3A_49 : i32 to index
      %get3A_50 = tpu.vector_load %arg6[%get3A] {strides = array<i32>} : memref<10000xi32, #tpu.memory_space<vmem>>, vector<16xi32>,
      %add3A_51 = arith.addi %get3A_50, %broadcast_in_dim3A : vector<16xi32>
      %swap3A = arith.index_cast %mul3A_49 : i32 to index
      %swap3A_52 = tpu.vector_load %arg6[%swap3A] {strides = array<i32>} : memref<10000xi32, #tpu.memory_space<vmem>>, vector<16xi32>,
      tpu.vector_store %arg6[%swap3A], %add3A_51 {strides = array<i32>} : memref<10000xi32, #tpu.memory_space<vmem>>, vector<16xi32>,
      %get3A_53 = arith.index_cast %mul3A_49 : i32 to index
      %get3A_54 = tpu.vector_load %arg7[%get3A_53] {strides = array<i32>} : memref<10000xi32, #tpu.memory_space<vmem>>, vector<16xi32>,
      %add3A_55 = arith.addi %get3A_54, %broadcast_in_dim3A_6 : vector<16xi32>
      %swap3A_56 = arith.index_cast %mul3A_49 : i32 to index
      %swap3A_57 = tpu.vector_load %arg7[%swap3A_56] {strides = array<i32>} : memref<10000xi32, #tpu.memory_space<vmem>>, vector<16xi32>,
      tpu.vector_store %arg7[%swap3A_56], %add3A_55 {strides = array<i32>} : memref<10000xi32, #tpu.memory_space<vmem>>, vector<16xi32>,
    }
    %scan3A_11 = arith.constant 625 : i32
    %dma_start3A = arith.constant 0 : i32
    %dma_start3A_12 = tpu.memref_slice %arg6[%dma_start3A] : memref<10000xi32, #tpu.memory_space<vmem>> -> memref<80xi32, #tpu.memory_space<vmem>>
    %dma_start3A_13 = arith.constant 0 : i32
    %dma_start3A_14 = arith.constant 0 : i32
    %dma_start3A_15 = tpu.memref_slice %arg2[%dma_start3A_13, %dma_start3A_14] : memref<40000x128xf32, #tpu.memory_space<hbm>> -> memref<40000x128xf32, #tpu.memory_space<hbm>>
    tpu.enqueue_indirect_dma source(%dma_start3A_15 : memref<40000x128xf32, #tpu.memory_space<hbm>>) target(%arg8 : memref<80x128xf32, #tpu.memory_space<vmem>>) offsets(%dma_start3A_12 : memref<80xi32, #tpu.memory_space<vmem>>) semaphore(%arg12 : memref<!tpu.dma_semaphore, #tpu.memory_space<semaphore_mem>>)
    %dma_start3A_16 = arith.constant 0 : i32
    %dma_start3A_17 = tpu.memref_slice %arg7[%dma_start3A_16] : memref<10000xi32, #tpu.memory_space<vmem>> -> memref<80xi32, #tpu.memory_space<vmem>>
    %dma_start3A_18 = arith.constant 0 : i32
    %dma_start3A_19 = arith.constant 0 : i32
    %dma_start3A_20 = tpu.memref_slice %arg2[%dma_start3A_18, %dma_start3A_19] : memref<40000x128xf32, #tpu.memory_space<hbm>> -> memref<40000x128xf32, #tpu.memory_space<hbm>>
    tpu.enqueue_indirect_dma source(%dma_start3A_20 : memref<40000x128xf32, #tpu.memory_space<hbm>>) target(%arg9 : memref<80x128xf32, #tpu.memory_space<vmem>>) offsets(%dma_start3A_17 : memref<80xi32, #tpu.memory_space<vmem>>) semaphore(%arg13 : memref<!tpu.dma_semaphore, #tpu.memory_space<semaphore_mem>>)
    %scan3A_21 = arith.constant 0 : i32
    %scan3A_22 = arith.constant 0 : i32
    %scan3A_23 = arith.constant 62 : i32
    %scan3A_24 = arith.addi %scan3A_22, %scan3A_23 : i32
    %scan3A_25 = arith.constant 1 : i32
    scf.for %scan3A_47 = %scan3A_22 to %scan3A_24 step %scan3A_25  : i32 {
      %mul3A_48 = arith.constant 2 : i32
      %mul3A_49 = arith.muli %mul3A_48, %scan3A_47 : i32
      %add3A_50 = arith.constant 1 : i32
      %add3A_51 = arith.addi %mul3A_49, %add3A_50 : i32
      %mul3A_52 = arith.constant 80 : i32
      %mul3A_53 = arith.muli %add3A_51, %mul3A_52 : i32
      %dma_start3A_54 = tpu.memref_slice %arg6[%mul3A_53] : memref<10000xi32, #tpu.memory_space<vmem>> -> memref<80xi32, #tpu.memory_space<vmem>>
      %dma_start3A_55 = arith.constant 0 : i32
      %dma_start3A_56 = arith.constant 0 : i32
      %dma_start3A_57 = tpu.memref_slice %arg2[%dma_start3A_55, %dma_start3A_56] : memref<40000x128xf32, #tpu.memory_space<hbm>> -> memref<40000x128xf32, #tpu.memory_space<hbm>>
      tpu.enqueue_indirect_dma source(%dma_start3A_57 : memref<40000x128xf32, #tpu.memory_space<hbm>>) target(%arg10 : memref<80x128xf32, #tpu.memory_space<vmem>>) offsets(%dma_start3A_54 : memref<80xi32, #tpu.memory_space<vmem>>) semaphore(%arg14 : memref<!tpu.dma_semaphore, #tpu.memory_space<semaphore_mem>>)
      %dma_start3A_58 = tpu.memref_slice %arg7[%mul3A_53] : memref<10000xi32, #tpu.memory_space<vmem>> -> memref<80xi32, #tpu.memory_space<vmem>>
      %dma_start3A_59 = arith.constant 0 : i32
      %dma_start3A_60 = arith.constant 0 : i32
      %dma_start3A_61 = tpu.memref_slice %arg2[%dma_start3A_59, %dma_start3A_60] : memref<40000x128xf32, #tpu.memory_space<hbm>> -> memref<40000x128xf32, #tpu.memory_space<hbm>>
      tpu.enqueue_indirect_dma source(%dma_start3A_61 : memref<40000x128xf32, #tpu.memory_space<hbm>>) target(%arg11 : memref<80x128xf32, #tpu.memory_space<vmem>>) offsets(%dma_start3A_58 : memref<80xi32, #tpu.memory_space<vmem>>) semaphore(%arg15 : memref<!tpu.dma_semaphore, #tpu.memory_space<semaphore_mem>>)
      %mul3A_62 = arith.constant 80 : i32
      %mul3A_63 = arith.muli %mul3A_49, %mul3A_62 : i32
      %dma_wait3A_64 = tpu.memref_slice %arg6[%mul3A_63] : memref<10000xi32, #tpu.memory_space<vmem>> -> memref<80xi32, #tpu.memory_space<vmem>>
      %dma_wait3A_65 = arith.constant 0 : i32
      %dma_wait3A_66 = arith.constant 0 : i32
      %dma_wait3A_67 = tpu.memref_slice %arg2[%dma_wait3A_65, %dma_wait3A_66] : memref<40000x128xf32, #tpu.memory_space<hbm>> -> memref<40000x128xf32, #tpu.memory_space<hbm>>
      tpu.wait_indirect_dma semaphore(%arg12 : memref<!tpu.dma_semaphore, #tpu.memory_space<semaphore_mem>>) src(%dma_wait3A_67 : memref<40000x128xf32, #tpu.memory_space<hbm>>) dst(%arg8 : memref<80x128xf32, #tpu.memory_space<vmem>>)
      %dma_wait3A_68 = tpu.memref_slice %arg7[%mul3A_63] : memref<10000xi32, #tpu.memory_space<vmem>> -> memref<80xi32, #tpu.memory_space<vmem>>
      %dma_wait3A_69 = arith.constant 0 : i32
      %dma_wait3A_70 = arith.constant 0 : i32
      %dma_wait3A_71 = tpu.memref_slice %arg2[%dma_wait3A_69, %dma_wait3A_70] : memref<40000x128xf32, #tpu.memory_space<hbm>> -> memref<40000x128xf32, #tpu.memory_space<hbm>>
      tpu.wait_indirect_dma semaphore(%arg13 : memref<!tpu.dma_semaphore, #tpu.memory_space<semaphore_mem>>) src(%dma_wait3A_71 : memref<40000x128xf32, #tpu.memory_space<hbm>>) dst(%arg9 : memref<80x128xf32, #tpu.memory_space<vmem>>)
      %scan3A_72 = arith.constant 0 : i32
      %scan3A_73 = arith.constant 0 : i32
      %scan3A_74 = arith.constant 80 : i32
      %scan3A_75 = arith.addi %scan3A_73, %scan3A_74 : i32
      %scan3A_76 = arith.constant 1 : i32
      scf.for %scan3A_120 = %scan3A_73 to %scan3A_75 step %scan3A_76  : i32 {
        %get3A = arith.index_cast %scan3A_120 : i32 to index
        %get3A_121 = arith.constant 0 : index
        %get3A_122 = tpu.vector_load %arg8[%get3A, %get3A_121] {strides = array<i32>} : memref<80x128xf32, #tpu.memory_space<vmem>>, vector<16xf32>,
        %get3A_123 = arith.index_cast %scan3A_120 : i32 to index
        %get3A_124 = arith.constant 0 : index
        %get3A_125 = tpu.vector_load %arg9[%get3A_123, %get3A_124] {strides = array<i32>} : memref<80x128xf32, #tpu.memory_space<vmem>>, vector<16xf32>,
        %add3A_126 = arith.addf %get3A_122, %get3A_125 : vector<16xf32>
        %swap3A = arith.index_cast %scan3A_120 : i32 to index
        %swap3A_127 = arith.constant 0 : index
        %swap3A_128 = tpu.vector_load %arg8[%swap3A, %swap3A_127] {strides = array<i32>} : memref<80x128xf32, #tpu.memory_space<vmem>>, vector<16xf32>,
        tpu.vector_store %arg8[%swap3A, %swap3A_127], %add3A_126 {strides = array<i32>} : memref<80x128xf32, #tpu.memory_space<vmem>>, vector<16xf32>,
        %get3A_129 = arith.index_cast %scan3A_120 : i32 to index
        %get3A_130 = arith.constant 16 : index
        %get3A_131 = tpu.vector_load %arg8[%get3A_129, %get3A_130] {strides = array<i32>} : memref<80x128xf32, #tpu.memory_space<vmem>>, vector<16xf32>,
        %get3A_132 = arith.index_cast %scan3A_120 : i32 to index
        %get3A_133 = arith.constant 16 : index
        %get3A_134 = tpu.vector_load %arg9[%get3A_132, %get3A_133] {strides = array<i32>} : memref<80x128xf32, #tpu.memory_space<vmem>>, vector<16xf32>,
        %add3A_135 = arith.addf %get3A_131, %get3A_134 : vector<16xf32>
        %swap3A_136 = arith.index_cast %scan3A_120 : i32 to index
        %swap3A_137 = arith.constant 16 : index
        %swap3A_138 = tpu.vector_load %arg8[%swap3A_136, %swap3A_137] {strides = array<i32>} : memref<80x128xf32, #tpu.memory_space<vmem>>, vector<16xf32>,
        tpu.vector_store %arg8[%swap3A_136, %swap3A_137], %add3A_135 {strides = array<i32>} : memref<80x128xf32, #tpu.memory_space<vmem>>, vector<16xf32>,
        %get3A_139 = arith.index_cast %scan3A_120 : i32 to index
        %get3A_140 = arith.constant 32 : index
        %get3A_141 = tpu.vector_load %arg8[%get3A_139, %get3A_140] {strides = array<i32>} : memref<80x128xf32, #tpu.memory_space<vmem>>, vector<16xf32>,
        %get3A_142 = arith.index_cast %scan3A_120 : i32 to index
        %get3A_143 = arith.constant 32 : index
        %get3A_144 = tpu.vector_load %arg9[%get3A_142, %get3A_143] {strides = array<i32>} : memref<80x128xf32, #tpu.memory_space<vmem>>, vector<16xf32>,
        %add3A_145 = arith.addf %get3A_141, %get3A_144 : vector<16xf32>
        %swap3A_146 = arith.index_cast %scan3A_120 : i32 to index
        %swap3A_147 = arith.constant 32 : index
        %swap3A_148 = tpu.vector_load %arg8[%swap3A_146, %swap3A_147] {strides = array<i32>} : memref<80x128xf32, #tpu.memory_space<vmem>>, vector<16xf32>,
        tpu.vector_store %arg8[%swap3A_146, %swap3A_147], %add3A_145 {strides = array<i32>} : memref<80x128xf32, #tpu.memory_space<vmem>>, vector<16xf32>,
        %get3A_149 = arith.index_cast %scan3A_120 : i32 to index
        %get3A_150 = arith.constant 48 : index
        %get3A_151 = tpu.vector_load %arg8[%get3A_149, %get3A_150] {strides = array<i32>} : memref<80x128xf32, #tpu.memory_space<vmem>>, vector<16xf32>,
        %get3A_152 = arith.index_cast %scan3A_120 : i32 to index
        %get3A_153 = arith.constant 48 : index
        %get3A_154 = tpu.vector_load %arg9[%get3A_152, %get3A_153] {strides = array<i32>} : memref<80x128xf32, #tpu.memory_space<vmem>>, vector<16xf32>,
        %add3A_155 = arith.addf %get3A_151, %get3A_154 : vector<16xf32>
        %swap3A_156 = arith.index_cast %scan3A_120 : i32 to index
        %swap3A_157 = arith.constant 48 : index
        %swap3A_158 = tpu.vector_load %arg8[%swap3A_156, %swap3A_157] {strides = array<i32>} : memref<80x128xf32, #tpu.memory_space<vmem>>, vector<16xf32>,
        tpu.vector_store %arg8[%swap3A_156, %swap3A_157], %add3A_155 {strides = array<i32>} : memref<80x128xf32, #tpu.memory_space<vmem>>, vector<16xf32>,
        %get3A_159 = arith.index_cast %scan3A_120 : i32 to index
        %get3A_160 = arith.constant 64 : index
        %get3A_161 = tpu.vector_load %arg8[%get3A_159, %get3A_160] {strides = array<i32>} : memref<80x128xf32, #tpu.memory_space<vmem>>, vector<16xf32>,
        %get3A_162 = arith.index_cast %scan3A_120 : i32 to index
        %get3A_163 = arith.constant 64 : index
        %get3A_164 = tpu.vector_load %arg9[%get3A_162, %get3A_163] {strides = array<i32>} : memref<80x128xf32, #tpu.memory_space<vmem>>, vector<16xf32>,
        %add3A_165 = arith.addf %get3A_161, %get3A_164 : vector<16xf32>
        %swap3A_166 = arith.index_cast %scan3A_120 : i32 to index
        %swap3A_167 = arith.constant 64 : index
        %swap3A_168 = tpu.vector_load %arg8[%swap3A_166, %swap3A_167] {strides = array<i32>} : memref<80x128xf32, #tpu.memory_space<vmem>>, vector<16xf32>,
        tpu.vector_store %arg8[%swap3A_166, %swap3A_167], %add3A_165 {strides = array<i32>} : memref<80x128xf32, #tpu.memory_space<vmem>>, vector<16xf32>,
        %get3A_169 = arith.index_cast %scan3A_120 : i32 to index
        %get3A_170 = arith.constant 80 : index
        %get3A_171 = tpu.vector_load %arg8[%get3A_169, %get3A_170] {strides = array<i32>} : memref<80x128xf32, #tpu.memory_space<vmem>>, vector<16xf32>,
        %get3A_172 = arith.index_cast %scan3A_120 : i32 to index
        %get3A_173 = arith.constant 80 : index
        %get3A_174 = tpu.vector_load %arg9[%get3A_172, %get3A_173] {strides = array<i32>} : memref<80x128xf32, #tpu.memory_space<vmem>>, vector<16xf32>,
        %add3A_175 = arith.addf %get3A_171, %get3A_174 : vector<16xf32>
        %swap3A_176 = arith.index_cast %scan3A_120 : i32 to index
        %swap3A_177 = arith.constant 80 : index
        %swap3A_178 = tpu.vector_load %arg8[%swap3A_176, %swap3A_177] {strides = array<i32>} : memref<80x128xf32, #tpu.memory_space<vmem>>, vector<16xf32>,
        tpu.vector_store %arg8[%swap3A_176, %swap3A_177], %add3A_175 {strides = array<i32>} : memref<80x128xf32, #tpu.memory_space<vmem>>, vector<16xf32>,
        %get3A_179 = arith.index_cast %scan3A_120 : i32 to index
        %get3A_180 = arith.constant 96 : index
        %get3A_181 = tpu.vector_load %arg8[%get3A_179, %get3A_180] {strides = array<i32>} : memref<80x128xf32, #tpu.memory_space<vmem>>, vector<16xf32>,
        %get3A_182 = arith.index_cast %scan3A_120 : i32 to index
        %get3A_183 = arith.constant 96 : index
        %get3A_184 = tpu.vector_load %arg9[%get3A_182, %get3A_183] {strides = array<i32>} : memref<80x128xf32, #tpu.memory_space<vmem>>, vector<16xf32>,
        %add3A_185 = arith.addf %get3A_181, %get3A_184 : vector<16xf32>
        %swap3A_186 = arith.index_cast %scan3A_120 : i32 to index
        %swap3A_187 = arith.constant 96 : index
        %swap3A_188 = tpu.vector_load %arg8[%swap3A_186, %swap3A_187] {strides = array<i32>} : memref<80x128xf32, #tpu.memory_space<vmem>>, vector<16xf32>,
        tpu.vector_store %arg8[%swap3A_186, %swap3A_187], %add3A_185 {strides = array<i32>} : memref<80x128xf32, #tpu.memory_space<vmem>>, vector<16xf32>,
        %get3A_189 = arith.index_cast %scan3A_120 : i32 to index
        %get3A_190 = arith.constant 112 : index
        %get3A_191 = tpu.vector_load %arg8[%get3A_189, %get3A_190] {strides = array<i32>} : memref<80x128xf32, #tpu.memory_space<vmem>>, vector<16xf32>,
        %get3A_192 = arith.index_cast %scan3A_120 : i32 to index
        %get3A_193 = arith.constant 112 : index
        %get3A_194 = tpu.vector_load %arg9[%get3A_192, %get3A_193] {strides = array<i32>} : memref<80x128xf32, #tpu.memory_space<vmem>>, vector<16xf32>,
        %add3A_195 = arith.addf %get3A_191, %get3A_194 : vector<16xf32>
        %swap3A_196 = arith.index_cast %scan3A_120 : i32 to index
        %swap3A_197 = arith.constant 112 : index
        %swap3A_198 = tpu.vector_load %arg8[%swap3A_196, %swap3A_197] {strides = array<i32>} : memref<80x128xf32, #tpu.memory_space<vmem>>, vector<16xf32>,
        tpu.vector_store %arg8[%swap3A_196, %swap3A_197], %add3A_195 {strides = array<i32>} : memref<80x128xf32, #tpu.memory_space<vmem>>, vector<16xf32>,
      }
      %scan3A_77 = arith.constant 80 : i32
      %mul3A_78 = arith.constant 160000 : i32
      %mul3A_79 = arith.muli %arg0, %mul3A_78 : i32
      %add3A_80 = arith.addi %mul3A_79, %mul3A_0 : i32
      %mul3A_81 = arith.constant 80 : i32
      %mul3A_82 = arith.muli %mul3A_49, %mul3A_81 : i32
      %add3A_83 = arith.addi %add3A_80, %mul3A_82 : i32
      "tpu.region"() ({
        %run_scoped3A = tpu.sem_alloc : memref<!tpu.dma_semaphore, #tpu.memory_space<semaphore_mem>>
        %dma_start3A_120 = arith.constant 0 : i32
        %dma_start3A_121 = tpu.memref_slice %arg5[%add3A_83, %dma_start3A_120] : memref<320000x128xf32, #tpu.memory_space<hbm>> -> memref<80x128xf32, #tpu.memory_space<hbm>>
        %dma_start3A_122 = arith.constant 0 : i32
        %dma_start3A_123 = tpu.memref_slice %arg5[%add3A_83, %dma_start3A_122] : memref<320000x128xf32, #tpu.memory_space<hbm>> -> memref<80x128xf32, #tpu.memory_space<hbm>>
        tpu.enqueue_dma source(%arg8 : memref<80x128xf32, #tpu.memory_space<vmem>>) target(%dma_start3A_123 : memref<80x128xf32, #tpu.memory_space<hbm>>) target_semaphore(%run_scoped3A : memref<!tpu.dma_semaphore, #tpu.memory_space<semaphore_mem>>)
        %dma_wait3A_124 = arith.constant 0 : i32
        %dma_wait3A_125 = tpu.memref_slice %arg5[%add3A_83, %dma_wait3A_124] : memref<320000x128xf32, #tpu.memory_space<hbm>> -> memref<80x128xf32, #tpu.memory_space<hbm>>
        %dma_wait3A_126 = arith.constant 0 : i32
        %dma_wait3A_127 = tpu.memref_slice %arg5[%add3A_83, %dma_wait3A_126] : memref<320000x128xf32, #tpu.memory_space<hbm>> -> memref<80x128xf32, #tpu.memory_space<hbm>>
        tpu.wait_dma2 semaphore(%run_scoped3A : memref<!tpu.dma_semaphore, #tpu.memory_space<semaphore_mem>>) src(%arg8 : memref<80x128xf32, #tpu.memory_space<vmem>>) dst(%dma_wait3A_127 : memref<80x128xf32, #tpu.memory_space<hbm>>)
        tpu.yield
      }) : () -> ()
      %add3A_84 = arith.constant 2 : i32
      %add3A_85 = arith.addi %mul3A_49, %add3A_84 : i32
      %mul3A_86 = arith.constant 80 : i32
      %mul3A_87 = arith.muli %add3A_85, %mul3A_86 : i32
      %dma_start3A_88 = tpu.memref_slice %arg6[%mul3A_87] : memref<10000xi32, #tpu.memory_space<vmem>> -> memref<80xi32, #tpu.memory_space<vmem>>
      %dma_start3A_89 = arith.constant 0 : i32
      %dma_start3A_90 = arith.constant 0 : i32
      %dma_start3A_91 = tpu.memref_slice %arg2[%dma_start3A_89, %dma_start3A_90] : memref<40000x128xf32, #tpu.memory_space<hbm>> -> memref<40000x128xf32, #tpu.memory_space<hbm>>
      tpu.enqueue_indirect_dma source(%dma_start3A_91 : memref<40000x128xf32, #tpu.memory_space<hbm>>) target(%arg8 : memref<80x128xf32, #tpu.memory_space<vmem>>) offsets(%dma_start3A_88 : memref<80xi32, #tpu.memory_space<vmem>>) semaphore(%arg12 : memref<!tpu.dma_semaphore, #tpu.memory_space<semaphore_mem>>)
      %dma_start3A_92 = tpu.memref_slice %arg7[%mul3A_87] : memref<10000xi32, #tpu.memory_space<vmem>> -> memref<80xi32, #tpu.memory_space<vmem>>
      %dma_start3A_93 = arith.constant 0 : i32
      %dma_start3A_94 = arith.constant 0 : i32
      %dma_start3A_95 = tpu.memref_slice %arg2[%dma_start3A_93, %dma_start3A_94] : memref<40000x128xf32, #tpu.memory_space<hbm>> -> memref<40000x128xf32, #tpu.memory_space<hbm>>
      tpu.enqueue_indirect_dma source(%dma_start3A_95 : memref<40000x128xf32, #tpu.memory_space<hbm>>) target(%arg9 : memref<80x128xf32, #tpu.memory_space<vmem>>) offsets(%dma_start3A_92 : memref<80xi32, #tpu.memory_space<vmem>>) semaphore(%arg13 : memref<!tpu.dma_semaphore, #tpu.memory_space<semaphore_mem>>)
      %add3A_96 = arith.constant 1 : i32
      %add3A_97 = arith.addi %mul3A_49, %add3A_96 : i32
      %mul3A_98 = arith.constant 80 : i32
      %mul3A_99 = arith.muli %add3A_97, %mul3A_98 : i32
      %dma_wait3A_100 = tpu.memref_slice %arg6[%mul3A_99] : memref<10000xi32, #tpu.memory_space<vmem>> -> memref<80xi32, #tpu.memory_space<vmem>>
      %dma_wait3A_101 = arith.constant 0 : i32
      %dma_wait3A_102 = arith.constant 0 : i32
      %dma_wait3A_103 = tpu.memref_slice %arg2[%dma_wait3A_101, %dma_wait3A_102] : memref<40000x128xf32, #tpu.memory_space<hbm>> -> memref<40000x128xf32, #tpu.memory_space<hbm>>
      tpu.wait_indirect_dma semaphore(%arg14 : memref<!tpu.dma_semaphore, #tpu.memory_space<semaphore_mem>>) src(%dma_wait3A_103 : memref<40000x128xf32, #tpu.memory_space<hbm>>) dst(%arg10 : memref<80x128xf32, #tpu.memory_space<vmem>>)
      %dma_wait3A_104 = tpu.memref_slice %arg7[%mul3A_99] : memref<10000xi32, #tpu.memory_space<vmem>> -> memref<80xi32, #tpu.memory_space<vmem>>
      %dma_wait3A_105 = arith.constant 0 : i32
      %dma_wait3A_106 = arith.constant 0 : i32
      %dma_wait3A_107 = tpu.memref_slice %arg2[%dma_wait3A_105, %dma_wait3A_106] : memref<40000x128xf32, #tpu.memory_space<hbm>> -> memref<40000x128xf32, #tpu.memory_space<hbm>>
      tpu.wait_indirect_dma semaphore(%arg15 : memref<!tpu.dma_semaphore, #tpu.memory_space<semaphore_mem>>) src(%dma_wait3A_107 : memref<40000x128xf32, #tpu.memory_space<hbm>>) dst(%arg11 : memref<80x128xf32, #tpu.memory_space<vmem>>)
      %scan3A_108 = arith.constant 0 : i32
      %scan3A_109 = arith.constant 0 : i32
      %scan3A_110 = arith.constant 80 : i32
      %scan3A_111 = arith.addi %scan3A_109, %scan3A_110 : i32
      %scan3A_112 = arith.constant 1 : i32
      scf.for %scan3A_120 = %scan3A_109 to %scan3A_111 step %scan3A_112  : i32 {
        %get3A = arith.index_cast %scan3A_120 : i32 to index
        %get3A_121 = arith.constant 0 : index
        %get3A_122 = tpu.vector_load %arg10[%get3A, %get3A_121] {strides = array<i32>} : memref<80x128xf32, #tpu.memory_space<vmem>>, vector<16xf32>,
        %get3A_123 = arith.index_cast %scan3A_120 : i32 to index
        %get3A_124 = arith.constant 0 : index
        %get3A_125 = tpu.vector_load %arg11[%get3A_123, %get3A_124] {strides = array<i32>} : memref<80x128xf32, #tpu.memory_space<vmem>>, vector<16xf32>,
        %add3A_126 = arith.addf %get3A_122, %get3A_125 : vector<16xf32>
        %swap3A = arith.index_cast %scan3A_120 : i32 to index
        %swap3A_127 = arith.constant 0 : index
        %swap3A_128 = tpu.vector_load %arg10[%swap3A, %swap3A_127] {strides = array<i32>} : memref<80x128xf32, #tpu.memory_space<vmem>>, vector<16xf32>,
        tpu.vector_store %arg10[%swap3A, %swap3A_127], %add3A_126 {strides = array<i32>} : memref<80x128xf32, #tpu.memory_space<vmem>>, vector<16xf32>,
        %get3A_129 = arith.index_cast %scan3A_120 : i32 to index
        %get3A_130 = arith.constant 16 : index
        %get3A_131 = tpu.vector_load %arg10[%get3A_129, %get3A_130] {strides = array<i32>} : memref<80x128xf32, #tpu.memory_space<vmem>>, vector<16xf32>,
        %get3A_132 = arith.index_cast %scan3A_120 : i32 to index
        %get3A_133 = arith.constant 16 : index
        %get3A_134 = tpu.vector_load %arg11[%get3A_132, %get3A_133] {strides = array<i32>} : memref<80x128xf32, #tpu.memory_space<vmem>>, vector<16xf32>,
        %add3A_135 = arith.addf %get3A_131, %get3A_134 : vector<16xf32>
        %swap3A_136 = arith.index_cast %scan3A_120 : i32 to index
        %swap3A_137 = arith.constant 16 : index
        %swap3A_138 = tpu.vector_load %arg10[%swap3A_136, %swap3A_137] {strides = array<i32>} : memref<80x128xf32, #tpu.memory_space<vmem>>, vector<16xf32>,
        tpu.vector_store %arg10[%swap3A_136, %swap3A_137], %add3A_135 {strides = array<i32>} : memref<80x128xf32, #tpu.memory_space<vmem>>, vector<16xf32>,
        %get3A_139 = arith.index_cast %scan3A_120 : i32 to index
        %get3A_140 = arith.constant 32 : index
        %get3A_141 = tpu.vector_load %arg10[%get3A_139, %get3A_140] {strides = array<i32>} : memref<80x128xf32, #tpu.memory_space<vmem>>, vector<16xf32>,
        %get3A_142 = arith.index_cast %scan3A_120 : i32 to index
        %get3A_143 = arith.constant 32 : index
        %get3A_144 = tpu.vector_load %arg11[%get3A_142, %get3A_143] {strides = array<i32>} : memref<80x128xf32, #tpu.memory_space<vmem>>, vector<16xf32>,
        %add3A_145 = arith.addf %get3A_141, %get3A_144 : vector<16xf32>
        %swap3A_146 = arith.index_cast %scan3A_120 : i32 to index
        %swap3A_147 = arith.constant 32 : index
        %swap3A_148 = tpu.vector_load %arg10[%swap3A_146, %swap3A_147] {strides = array<i32>} : memref<80x128xf32, #tpu.memory_space<vmem>>, vector<16xf32>,
        tpu.vector_store %arg10[%swap3A_146, %swap3A_147], %add3A_145 {strides = array<i32>} : memref<80x128xf32, #tpu.memory_space<vmem>>, vector<16xf32>,
        %get3A_149 = arith.index_cast %scan3A_120 : i32 to index
        %get3A_150 = arith.constant 48 : index
        %get3A_151 = tpu.vector_load %arg10[%get3A_149, %get3A_150] {strides = array<i32>} : memref<80x128xf32, #tpu.memory_space<vmem>>, vector<16xf32>,
        %get3A_152 = arith.index_cast %scan3A_120 : i32 to index
        %get3A_153 = arith.constant 48 : index
        %get3A_154 = tpu.vector_load %arg11[%get3A_152, %get3A_153] {strides = array<i32>} : memref<80x128xf32, #tpu.memory_space<vmem>>, vector<16xf32>,
        %add3A_155 = arith.addf %get3A_151, %get3A_154 : vector<16xf32>
        %swap3A_156 = arith.index_cast %scan3A_120 : i32 to index
        %swap3A_157 = arith.constant 48 : index
        %swap3A_158 = tpu.vector_load %arg10[%swap3A_156, %swap3A_157] {strides = array<i32>} : memref<80x128xf32, #tpu.memory_space<vmem>>, vector<16xf32>,
        tpu.vector_store %arg10[%swap3A_156, %swap3A_157], %add3A_155 {strides = array<i32>} : memref<80x128xf32, #tpu.memory_space<vmem>>, vector<16xf32>,
        %get3A_159 = arith.index_cast %scan3A_120 : i32 to index
        %get3A_160 = arith.constant 64 : index
        %get3A_161 = tpu.vector_load %arg10[%get3A_159, %get3A_160] {strides = array<i32>} : memref<80x128xf32, #tpu.memory_space<vmem>>, vector<16xf32>,
        %get3A_162 = arith.index_cast %scan3A_120 : i32 to index
        %get3A_163 = arith.constant 64 : index
        %get3A_164 = tpu.vector_load %arg11[%get3A_162, %get3A_163] {strides = array<i32>} : memref<80x128xf32, #tpu.memory_space<vmem>>, vector<16xf32>,
        %add3A_165 = arith.addf %get3A_161, %get3A_164 : vector<16xf32>
        %swap3A_166 = arith.index_cast %scan3A_120 : i32 to index
        %swap3A_167 = arith.constant 64 : index
        %swap3A_168 = tpu.vector_load %arg10[%swap3A_166, %swap3A_167] {strides = array<i32>} : memref<80x128xf32, #tpu.memory_space<vmem>>, vector<16xf32>,
        tpu.vector_store %arg10[%swap3A_166, %swap3A_167], %add3A_165 {strides = array<i32>} : memref<80x128xf32, #tpu.memory_space<vmem>>, vector<16xf32>,
        %get3A_169 = arith.index_cast %scan3A_120 : i32 to index
        %get3A_170 = arith.constant 80 : index
        %get3A_171 = tpu.vector_load %arg10[%get3A_169, %get3A_170] {strides = array<i32>} : memref<80x128xf32, #tpu.memory_space<vmem>>, vector<16xf32>,
        %get3A_172 = arith.index_cast %scan3A_120 : i32 to index
        %get3A_173 = arith.constant 80 : index
        %get3A_174 = tpu.vector_load %arg11[%get3A_172, %get3A_173] {strides = array<i32>} : memref<80x128xf32, #tpu.memory_space<vmem>>, vector<16xf32>,
        %add3A_175 = arith.addf %get3A_171, %get3A_174 : vector<16xf32>
        %swap3A_176 = arith.index_cast %scan3A_120 : i32 to index
        %swap3A_177 = arith.constant 80 : index
        %swap3A_178 = tpu.vector_load %arg10[%swap3A_176, %swap3A_177] {strides = array<i32>} : memref<80x128xf32, #tpu.memory_space<vmem>>, vector<16xf32>,
        tpu.vector_store %arg10[%swap3A_176, %swap3A_177], %add3A_175 {strides = array<i32>} : memref<80x128xf32, #tpu.memory_space<vmem>>, vector<16xf32>,
        %get3A_179 = arith.index_cast %scan3A_120 : i32 to index
        %get3A_180 = arith.constant 96 : index
        %get3A_181 = tpu.vector_load %arg10[%get3A_179, %get3A_180] {strides = array<i32>} : memref<80x128xf32, #tpu.memory_space<vmem>>, vector<16xf32>,
        %get3A_182 = arith.index_cast %scan3A_120 : i32 to index
        %get3A_183 = arith.constant 96 : index
        %get3A_184 = tpu.vector_load %arg11[%get3A_182, %get3A_183] {strides = array<i32>} : memref<80x128xf32, #tpu.memory_space<vmem>>, vector<16xf32>,
        %add3A_185 = arith.addf %get3A_181, %get3A_184 : vector<16xf32>
        %swap3A_186 = arith.index_cast %scan3A_120 : i32 to index
        %swap3A_187 = arith.constant 96 : index
        %swap3A_188 = tpu.vector_load %arg10[%swap3A_186, %swap3A_187] {strides = array<i32>} : memref<80x128xf32, #tpu.memory_space<vmem>>, vector<16xf32>,
        tpu.vector_store %arg10[%swap3A_186, %swap3A_187], %add3A_185 {strides = array<i32>} : memref<80x128xf32, #tpu.memory_space<vmem>>, vector<16xf32>,
        %get3A_189 = arith.index_cast %scan3A_120 : i32 to index
        %get3A_190 = arith.constant 112 : index
        %get3A_191 = tpu.vector_load %arg10[%get3A_189, %get3A_190] {strides = array<i32>} : memref<80x128xf32, #tpu.memory_space<vmem>>, vector<16xf32>,
        %get3A_192 = arith.index_cast %scan3A_120 : i32 to index
        %get3A_193 = arith.constant 112 : index
        %get3A_194 = tpu.vector_load %arg11[%get3A_192, %get3A_193] {strides = array<i32>} : memref<80x128xf32, #tpu.memory_space<vmem>>, vector<16xf32>,
        %add3A_195 = arith.addf %get3A_191, %get3A_194 : vector<16xf32>
        %swap3A_196 = arith.index_cast %scan3A_120 : i32 to index
        %swap3A_197 = arith.constant 112 : index
        %swap3A_198 = tpu.vector_load %arg10[%swap3A_196, %swap3A_197] {strides = array<i32>} : memref<80x128xf32, #tpu.memory_space<vmem>>, vector<16xf32>,
        tpu.vector_store %arg10[%swap3A_196, %swap3A_197], %add3A_195 {strides = array<i32>} : memref<80x128xf32, #tpu.memory_space<vmem>>, vector<16xf32>,
      }
      %scan3A_113 = arith.constant 80 : i32
      %mul3A_114 = arith.constant 160000 : i32
      %mul3A_115 = arith.muli %arg0, %mul3A_114 : i32
      %add3A_116 = arith.addi %mul3A_115, %mul3A_0 : i32
      %mul3A_117 = arith.constant 80 : i32
      %mul3A_118 = arith.muli %add3A_97, %mul3A_117 : i32
      %add3A_119 = arith.addi %add3A_116, %mul3A_118 : i32
      "tpu.region"() ({
        %run_scoped3A = tpu.sem_alloc : memref<!tpu.dma_semaphore, #tpu.memory_space<semaphore_mem>>
        %dma_start3A_120 = arith.constant 0 : i32
        %dma_start3A_121 = tpu.memref_slice %arg5[%add3A_119, %dma_start3A_120] : memref<320000x128xf32, #tpu.memory_space<hbm>> -> memref<80x128xf32, #tpu.memory_space<hbm>>
        %dma_start3A_122 = arith.constant 0 : i32
        %dma_start3A_123 = tpu.memref_slice %arg5[%add3A_119, %dma_start3A_122] : memref<320000x128xf32, #tpu.memory_space<hbm>> -> memref<80x128xf32, #tpu.memory_space<hbm>>
        tpu.enqueue_dma source(%arg10 : memref<80x128xf32, #tpu.memory_space<vmem>>) target(%dma_start3A_123 : memref<80x128xf32, #tpu.memory_space<hbm>>) target_semaphore(%run_scoped3A : memref<!tpu.dma_semaphore, #tpu.memory_space<semaphore_mem>>)
        %dma_wait3A_124 = arith.constant 0 : i32
        %dma_wait3A_125 = tpu.memref_slice %arg5[%add3A_119, %dma_wait3A_124] : memref<320000x128xf32, #tpu.memory_space<hbm>> -> memref<80x128xf32, #tpu.memory_space<hbm>>
        %dma_wait3A_126 = arith.constant 0 : i32
        %dma_wait3A_127 = tpu.memref_slice %arg5[%add3A_119, %dma_wait3A_126] : memref<320000x128xf32, #tpu.memory_space<hbm>> -> memref<80x128xf32, #tpu.memory_space<hbm>>
        tpu.wait_dma2 semaphore(%run_scoped3A : memref<!tpu.dma_semaphore, #tpu.memory_space<semaphore_mem>>) src(%arg10 : memref<80x128xf32, #tpu.memory_space<vmem>>) dst(%dma_wait3A_127 : memref<80x128xf32, #tpu.memory_space<hbm>>)
        tpu.yield
      }) : () -> ()
    }
    %scan3A_26 = arith.constant 62 : i32
    %dma_wait3A = arith.constant 9920 : i32
    %dma_wait3A_27 = tpu.memref_slice %arg6[%dma_wait3A] : memref<10000xi32, #tpu.memory_space<vmem>> -> memref<80xi32, #tpu.memory_space<vmem>>
    %dma_wait3A_28 = arith.constant 0 : i32
    %dma_wait3A_29 = arith.constant 0 : i32
    %dma_wait3A_30 = tpu.memref_slice %arg2[%dma_wait3A_28, %dma_wait3A_29] : memref<40000x128xf32, #tpu.memory_space<hbm>> -> memref<40000x128xf32, #tpu.memory_space<hbm>>
    tpu.wait_indirect_dma semaphore(%arg12 : memref<!tpu.dma_semaphore, #tpu.memory_space<semaphore_mem>>) src(%dma_wait3A_30 : memref<40000x128xf32, #tpu.memory_space<hbm>>) dst(%arg8 : memref<80x128xf32, #tpu.memory_space<vmem>>)
    %dma_wait3A_31 = arith.constant 9920 : i32
    %dma_wait3A_32 = tpu.memref_slice %arg7[%dma_wait3A_31] : memref<10000xi32, #tpu.memory_space<vmem>> -> memref<80xi32, #tpu.memory_space<vmem>>
    %dma_wait3A_33 = arith.constant 0 : i32
    %dma_wait3A_34 = arith.constant 0 : i32
    %dma_wait3A_35 = tpu.memref_slice %arg2[%dma_wait3A_33, %dma_wait3A_34] : memref<40000x128xf32, #tpu.memory_space<hbm>> -> memref<40000x128xf32, #tpu.memory_space<hbm>>
    tpu.wait_indirect_dma semaphore(%arg13 : memref<!tpu.dma_semaphore, #tpu.memory_space<semaphore_mem>>) src(%dma_wait3A_35 : memref<40000x128xf32, #tpu.memory_space<hbm>>) dst(%arg9 : memref<80x128xf32, #tpu.memory_space<vmem>>)
    %scan3A_36 = arith.constant 0 : i32
    %scan3A_37 = arith.constant 0 : i32
    %scan3A_38 = arith.constant 80 : i32
    %scan3A_39 = arith.addi %scan3A_37, %scan3A_38 : i32
    %scan3A_40 = arith.constant 1 : i32
    scf.for %scan3A_47 = %scan3A_37 to %scan3A_39 step %scan3A_40  : i32 {
      %get3A = arith.index_cast %scan3A_47 : i32 to index
      %get3A_48 = arith.constant 0 : index
      %get3A_49 = tpu.vector_load %arg8[%get3A, %get3A_48] {strides = array<i32>} : memref<80x128xf32, #tpu.memory_space<vmem>>, vector<16xf32>,
      %get3A_50 = arith.index_cast %scan3A_47 : i32 to index
      %get3A_51 = arith.constant 0 : index
      %get3A_52 = tpu.vector_load %arg9[%get3A_50, %get3A_51] {strides = array<i32>} : memref<80x128xf32, #tpu.memory_space<vmem>>, vector<16xf32>,
      %add3A_53 = arith.addf %get3A_49, %get3A_52 : vector<16xf32>
      %swap3A = arith.index_cast %scan3A_47 : i32 to index
      %swap3A_54 = arith.constant 0 : index
      %swap3A_55 = tpu.vector_load %arg8[%swap3A, %swap3A_54] {strides = array<i32>} : memref<80x128xf32, #tpu.memory_space<vmem>>, vector<16xf32>,
      tpu.vector_store %arg8[%swap3A, %swap3A_54], %add3A_53 {strides = array<i32>} : memref<80x128xf32, #tpu.memory_space<vmem>>, vector<16xf32>,
      %get3A_56 = arith.index_cast %scan3A_47 : i32 to index
      %get3A_57 = arith.constant 16 : index
      %get3A_58 = tpu.vector_load %arg8[%get3A_56, %get3A_57] {strides = array<i32>} : memref<80x128xf32, #tpu.memory_space<vmem>>, vector<16xf32>,
      %get3A_59 = arith.index_cast %scan3A_47 : i32 to index
      %get3A_60 = arith.constant 16 : index
      %get3A_61 = tpu.vector_load %arg9[%get3A_59, %get3A_60] {strides = array<i32>} : memref<80x128xf32, #tpu.memory_space<vmem>>, vector<16xf32>,
      %add3A_62 = arith.addf %get3A_58, %get3A_61 : vector<16xf32>
      %swap3A_63 = arith.index_cast %scan3A_47 : i32 to index
      %swap3A_64 = arith.constant 16 : index
      %swap3A_65 = tpu.vector_load %arg8[%swap3A_63, %swap3A_64] {strides = array<i32>} : memref<80x128xf32, #tpu.memory_space<vmem>>, vector<16xf32>,
      tpu.vector_store %arg8[%swap3A_63, %swap3A_64], %add3A_62 {strides = array<i32>} : memref<80x128xf32, #tpu.memory_space<vmem>>, vector<16xf32>,
      %get3A_66 = arith.index_cast %scan3A_47 : i32 to index
      %get3A_67 = arith.constant 32 : index
      %get3A_68 = tpu.vector_load %arg8[%get3A_66, %get3A_67] {strides = array<i32>} : memref<80x128xf32, #tpu.memory_space<vmem>>, vector<16xf32>,
      %get3A_69 = arith.index_cast %scan3A_47 : i32 to index
      %get3A_70 = arith.constant 32 : index
      %get3A_71 = tpu.vector_load %arg9[%get3A_69, %get3A_70] {strides = array<i32>} : memref<80x128xf32, #tpu.memory_space<vmem>>, vector<16xf32>,
      %add3A_72 = arith.addf %get3A_68, %get3A_71 : vector<16xf32>
      %swap3A_73 = arith.index_cast %scan3A_47 : i32 to index
      %swap3A_74 = arith.constant 32 : index
      %swap3A_75 = tpu.vector_load %arg8[%swap3A_73, %swap3A_74] {strides = array<i32>} : memref<80x128xf32, #tpu.memory_space<vmem>>, vector<16xf32>,
      tpu.vector_store %arg8[%swap3A_73, %swap3A_74], %add3A_72 {strides = array<i32>} : memref<80x128xf32, #tpu.memory_space<vmem>>, vector<16xf32>,
      %get3A_76 = arith.index_cast %scan3A_47 : i32 to index
      %get3A_77 = arith.constant 48 : index
      %get3A_78 = tpu.vector_load %arg8[%get3A_76, %get3A_77] {strides = array<i32>} : memref<80x128xf32, #tpu.memory_space<vmem>>, vector<16xf32>,
      %get3A_79 = arith.index_cast %scan3A_47 : i32 to index
      %get3A_80 = arith.constant 48 : index
      %get3A_81 = tpu.vector_load %arg9[%get3A_79, %get3A_80] {strides = array<i32>} : memref<80x128xf32, #tpu.memory_space<vmem>>, vector<16xf32>,
      %add3A_82 = arith.addf %get3A_78, %get3A_81 : vector<16xf32>
      %swap3A_83 = arith.index_cast %scan3A_47 : i32 to index
      %swap3A_84 = arith.constant 48 : index
      %swap3A_85 = tpu.vector_load %arg8[%swap3A_83, %swap3A_84] {strides = array<i32>} : memref<80x128xf32, #tpu.memory_space<vmem>>, vector<16xf32>,
      tpu.vector_store %arg8[%swap3A_83, %swap3A_84], %add3A_82 {strides = array<i32>} : memref<80x128xf32, #tpu.memory_space<vmem>>, vector<16xf32>,
      %get3A_86 = arith.index_cast %scan3A_47 : i32 to index
      %get3A_87 = arith.constant 64 : index
      %get3A_88 = tpu.vector_load %arg8[%get3A_86, %get3A_87] {strides = array<i32>} : memref<80x128xf32, #tpu.memory_space<vmem>>, vector<16xf32>,
      %get3A_89 = arith.index_cast %scan3A_47 : i32 to index
      %get3A_90 = arith.constant 64 : index
      %get3A_91 = tpu.vector_load %arg9[%get3A_89, %get3A_90] {strides = array<i32>} : memref<80x128xf32, #tpu.memory_space<vmem>>, vector<16xf32>,
      %add3A_92 = arith.addf %get3A_88, %get3A_91 : vector<16xf32>
      %swap3A_93 = arith.index_cast %scan3A_47 : i32 to index
      %swap3A_94 = arith.constant 64 : index
      %swap3A_95 = tpu.vector_load %arg8[%swap3A_93, %swap3A_94] {strides = array<i32>} : memref<80x128xf32, #tpu.memory_space<vmem>>, vector<16xf32>,
      tpu.vector_store %arg8[%swap3A_93, %swap3A_94], %add3A_92 {strides = array<i32>} : memref<80x128xf32, #tpu.memory_space<vmem>>, vector<16xf32>,
      %get3A_96 = arith.index_cast %scan3A_47 : i32 to index
      %get3A_97 = arith.constant 80 : index
      %get3A_98 = tpu.vector_load %arg8[%get3A_96, %get3A_97] {strides = array<i32>} : memref<80x128xf32, #tpu.memory_space<vmem>>, vector<16xf32>,
      %get3A_99 = arith.index_cast %scan3A_47 : i32 to index
      %get3A_100 = arith.constant 80 : index
      %get3A_101 = tpu.vector_load %arg9[%get3A_99, %get3A_100] {strides = array<i32>} : memref<80x128xf32, #tpu.memory_space<vmem>>, vector<16xf32>,
      %add3A_102 = arith.addf %get3A_98, %get3A_101 : vector<16xf32>
      %swap3A_103 = arith.index_cast %scan3A_47 : i32 to index
      %swap3A_104 = arith.constant 80 : index
      %swap3A_105 = tpu.vector_load %arg8[%swap3A_103, %swap3A_104] {strides = array<i32>} : memref<80x128xf32, #tpu.memory_space<vmem>>, vector<16xf32>,
      tpu.vector_store %arg8[%swap3A_103, %swap3A_104], %add3A_102 {strides = array<i32>} : memref<80x128xf32, #tpu.memory_space<vmem>>, vector<16xf32>,
      %get3A_106 = arith.index_cast %scan3A_47 : i32 to index
      %get3A_107 = arith.constant 96 : index
      %get3A_108 = tpu.vector_load %arg8[%get3A_106, %get3A_107] {strides = array<i32>} : memref<80x128xf32, #tpu.memory_space<vmem>>, vector<16xf32>,
      %get3A_109 = arith.index_cast %scan3A_47 : i32 to index
      %get3A_110 = arith.constant 96 : index
      %get3A_111 = tpu.vector_load %arg9[%get3A_109, %get3A_110] {strides = array<i32>} : memref<80x128xf32, #tpu.memory_space<vmem>>, vector<16xf32>,
      %add3A_112 = arith.addf %get3A_108, %get3A_111 : vector<16xf32>
      %swap3A_113 = arith.index_cast %scan3A_47 : i32 to index
      %swap3A_114 = arith.constant 96 : index
      %swap3A_115 = tpu.vector_load %arg8[%swap3A_113, %swap3A_114] {strides = array<i32>} : memref<80x128xf32, #tpu.memory_space<vmem>>, vector<16xf32>,
      tpu.vector_store %arg8[%swap3A_113, %swap3A_114], %add3A_112 {strides = array<i32>} : memref<80x128xf32, #tpu.memory_space<vmem>>, vector<16xf32>,
      %get3A_116 = arith.index_cast %scan3A_47 : i32 to index
      %get3A_117 = arith.constant 112 : index
      %get3A_118 = tpu.vector_load %arg8[%get3A_116, %get3A_117] {strides = array<i32>} : memref<80x128xf32, #tpu.memory_space<vmem>>, vector<16xf32>,
      %get3A_119 = arith.index_cast %scan3A_47 : i32 to index
      %get3A_120 = arith.constant 112 : index
      %get3A_121 = tpu.vector_load %arg9[%get3A_119, %get3A_120] {strides = array<i32>} : memref<80x128xf32, #tpu.memory_space<vmem>>, vector<16xf32>,
      %add3A_122 = arith.addf %get3A_118, %get3A_121 : vector<16xf32>
      %swap3A_123 = arith.index_cast %scan3A_47 : i32 to index
      %swap3A_124 = arith.constant 112 : index
      %swap3A_125 = tpu.vector_load %arg8[%swap3A_123, %swap3A_124] {strides = array<i32>} : memref<80x128xf32, #tpu.memory_space<vmem>>, vector<16xf32>,
      tpu.vector_store %arg8[%swap3A_123, %swap3A_124], %add3A_122 {strides = array<i32>} : memref<80x128xf32, #tpu.memory_space<vmem>>, vector<16xf32>,
    }
    %scan3A_41 = arith.constant 80 : i32
    %mul3A_42 = arith.constant 160000 : i32
    %mul3A_43 = arith.muli %arg0, %mul3A_42 : i32
    %add3A_44 = arith.addi %mul3A_43, %mul3A_0 : i32
    %add3A_45 = arith.constant 9920 : i32
    %add3A_46 = arith.addi %add3A_44, %add3A_45 : i32
    "tpu.region"() ({
      %run_scoped3A = tpu.sem_alloc : memref<!tpu.dma_semaphore, #tpu.memory_space<semaphore_mem>>
      %dma_start3A_47 = arith.constant 0 : i32
      %dma_start3A_48 = tpu.memref_slice %arg5[%add3A_46, %dma_start3A_47] : memref<320000x128xf32, #tpu.memory_space<hbm>> -> memref<80x128xf32, #tpu.memory_space<hbm>>
      %dma_start3A_49 = arith.constant 0 : i32
      %dma_start3A_50 = tpu.memref_slice %arg5[%add3A_46, %dma_start3A_49] : memref<320000x128xf32, #tpu.memory_space<hbm>> -> memref<80x128xf32, #tpu.memory_space<hbm>>
      tpu.enqueue_dma source(%arg8 : memref<80x128xf32, #tpu.memory_space<vmem>>) target(%dma_start3A_50 : memref<80x128xf32, #tpu.memory_space<hbm>>) target_semaphore(%run_scoped3A : memref<!tpu.dma_semaphore, #tpu.memory_space<semaphore_mem>>)
      %dma_wait3A_51 = arith.constant 0 : i32
      %dma_wait3A_52 = tpu.memref_slice %arg5[%add3A_46, %dma_wait3A_51] : memref<320000x128xf32, #tpu.memory_space<hbm>> -> memref<80x128xf32, #tpu.memory_space<hbm>>
      %dma_wait3A_53 = arith.constant 0 : i32
      %dma_wait3A_54 = tpu.memref_slice %arg5[%add3A_46, %dma_wait3A_53] : memref<320000x128xf32, #tpu.memory_space<hbm>> -> memref<80x128xf32, #tpu.memory_space<hbm>>
      tpu.wait_dma2 semaphore(%run_scoped3A : memref<!tpu.dma_semaphore, #tpu.memory_space<semaphore_mem>>) src(%arg8 : memref<80x128xf32, #tpu.memory_space<vmem>>) dst(%dma_wait3A_54 : memref<80x128xf32, #tpu.memory_space<hbm>>)
      tpu.yield
    }) : () -> ()
    return
  }
}

#map = affine_map<(d0, d1) -> (0, 0)>
#map1 = affine_map<(d0, d1) -> (0)>
#map2 = affine_map<(d0, d1) -> (0, 0, 0)>
module attributes {stable_mosaic.version = 14 : i64} {
  func.func @k(%arg0: i32, %arg1: i32, %arg2: memref<20000x128xf32, #tpu.memory_space<hbm>>, %arg3: memref<160000xi32, #tpu.memory_space<hbm>>, %arg4: memref<16x125x80xi32, #tpu.memory_space<hbm>>, %arg5: memref<640x128xf32, #tpu.memory_space<hbm>>, %arg6: memref<20000x128xf32, #tpu.memory_space<hbm>>, %arg7: memref<10000xi32, #tpu.memory_space<vmem>>, %arg8: memref<125x80xi32, #tpu.memory_space<vmem>>, %arg9: memref<80x128xf32, #tpu.memory_space<vmem>>, %arg10: memref<80x128xf32, #tpu.memory_space<vmem>>, %arg11: memref<10000x128xf32, #tpu.memory_space<vmem_shared>>, %arg12: memref<!tpu.dma_semaphore, #tpu.memory_space<semaphore_mem>>, %arg13: memref<!tpu.dma_semaphore, #tpu.memory_space<semaphore_mem>>) attributes {dimension_semantics = [#tpu.dimension_semantics<core_parallel>, #tpu.dimension_semantics<subcore_parallel>], iteration_bounds = array<i64: 2, 16>, scalar_prefetch = 0 : i64, scratch_operands = 7 : i64, tpu.core_type = #tpu.core_type<sc_vector_subcore>, window_params = [{transform_indices = #map}, {transform_indices = #map1}, {transform_indices = #map2}, {transform_indices = #map}, {transform_indices = #map}]} {
    %lt3A = arith.constant 15 : i32
    %lt3A_0 = arith.cmpi slt, %arg1, %lt3A : i32
    %convert_element_type3A = arith.extui %lt3A_0 : i1 to i32
    %cond3A = arith.constant 0 : i32
    %cond3A_1 = arith.cmpi ne, %convert_element_type3A, %cond3A : i32
    scf.if %cond3A_1 {
      %mul3A_39 = arith.constant 640 : i32
      %mul3A_40 = arith.muli %arg1, %mul3A_39 : i32
      "tpu.region"() ({
        %run_scoped3A_41 = tpu.sem_alloc : memref<!tpu.dma_semaphore, #tpu.memory_space<semaphore_mem>>
        %dma_start3A_42 = arith.constant 0 : i32
        %dma_start3A_43 = tpu.memref_slice %arg11[%mul3A_40, %dma_start3A_42] : memref<10000x128xf32, #tpu.memory_space<vmem_shared>> -> memref<640x128xf32, #tpu.memory_space<vmem_shared>>
        tpu.enqueue_dma source(%arg5 : memref<640x128xf32, #tpu.memory_space<hbm>>) target(%dma_start3A_43 : memref<640x128xf32, #tpu.memory_space<vmem_shared>>) target_semaphore(%run_scoped3A_41 : memref<!tpu.dma_semaphore, #tpu.memory_space<semaphore_mem>>)
        %dma_wait3A_44 = arith.constant 0 : i32
        %dma_wait3A_45 = tpu.memref_slice %arg11[%mul3A_40, %dma_wait3A_44] : memref<10000x128xf32, #tpu.memory_space<vmem_shared>> -> memref<640x128xf32, #tpu.memory_space<vmem_shared>>
        tpu.wait_dma2 semaphore(%run_scoped3A_41 : memref<!tpu.dma_semaphore, #tpu.memory_space<semaphore_mem>>) src(%arg5 : memref<640x128xf32, #tpu.memory_space<hbm>>) dst(%dma_wait3A_45 : memref<640x128xf32, #tpu.memory_space<vmem_shared>>)
        tpu.yield
      }) : () -> ()
    } else {
    }
    %eq3A = arith.constant 15 : i32
    %eq3A_2 = arith.cmpi eq, %arg1, %eq3A : i32
    %convert_element_type3A_3 = arith.extui %eq3A_2 : i1 to i32
    %cond3A_4 = arith.constant 0 : i32
    %cond3A_5 = arith.cmpi ne, %convert_element_type3A_3, %cond3A_4 : i32
    scf.if %cond3A_5 {
      "tpu.region"() ({
        %run_scoped3A_39 = tpu.sem_alloc : memref<!tpu.dma_semaphore, #tpu.memory_space<semaphore_mem>>
        %dma_start3A_40 = arith.constant 9600 : i32
        %dma_start3A_41 = arith.constant 0 : i32
        %dma_start3A_42 = tpu.memref_slice %arg11[%dma_start3A_40, %dma_start3A_41] : memref<10000x128xf32, #tpu.memory_space<vmem_shared>> -> memref<400x128xf32, #tpu.memory_space<vmem_shared>>
        %dma_start3A_43 = arith.constant 0 : i32
        %dma_start3A_44 = arith.constant 0 : i32
        %dma_start3A_45 = tpu.memref_slice %arg5[%dma_start3A_43, %dma_start3A_44] : memref<640x128xf32, #tpu.memory_space<hbm>> -> memref<400x128xf32, #tpu.memory_space<hbm>>
        tpu.enqueue_dma source(%dma_start3A_45 : memref<400x128xf32, #tpu.memory_space<hbm>>) target(%dma_start3A_42 : memref<400x128xf32, #tpu.memory_space<vmem_shared>>) target_semaphore(%run_scoped3A_39 : memref<!tpu.dma_semaphore, #tpu.memory_space<semaphore_mem>>)
        %dma_wait3A_46 = arith.constant 9600 : i32
        %dma_wait3A_47 = arith.constant 0 : i32
        %dma_wait3A_48 = tpu.memref_slice %arg11[%dma_wait3A_46, %dma_wait3A_47] : memref<10000x128xf32, #tpu.memory_space<vmem_shared>> -> memref<400x128xf32, #tpu.memory_space<vmem_shared>>
        %dma_wait3A_49 = arith.constant 0 : i32
        %dma_wait3A_50 = arith.constant 0 : i32
        %dma_wait3A_51 = tpu.memref_slice %arg5[%dma_wait3A_49, %dma_wait3A_50] : memref<640x128xf32, #tpu.memory_space<hbm>> -> memref<400x128xf32, #tpu.memory_space<hbm>>
        tpu.wait_dma2 semaphore(%run_scoped3A_39 : memref<!tpu.dma_semaphore, #tpu.memory_space<semaphore_mem>>) src(%dma_wait3A_51 : memref<400x128xf32, #tpu.memory_space<hbm>>) dst(%dma_wait3A_48 : memref<400x128xf32, #tpu.memory_space<vmem_shared>>)
        tpu.yield
      }) : () -> ()
    } else {
    }
    %mul3A = arith.constant 10000 : i32
    %mul3A_6 = arith.muli %arg1, %mul3A : i32
    "tpu.region"() ({
      %run_scoped3A_39 = tpu.sem_alloc : memref<!tpu.dma_semaphore, #tpu.memory_space<semaphore_mem>>
      %dma_start3A_40 = tpu.memref_slice %arg3[%mul3A_6] : memref<160000xi32, #tpu.memory_space<hbm>> -> memref<10000xi32, #tpu.memory_space<hbm>>
      %dma_start3A_41 = tpu.memref_slice %arg3[%mul3A_6] : memref<160000xi32, #tpu.memory_space<hbm>> -> memref<10000xi32, #tpu.memory_space<hbm>>
      tpu.enqueue_dma source(%dma_start3A_41 : memref<10000xi32, #tpu.memory_space<hbm>>) target(%arg7 : memref<10000xi32, #tpu.memory_space<vmem>>) target_semaphore(%run_scoped3A_39 : memref<!tpu.dma_semaphore, #tpu.memory_space<semaphore_mem>>)
      %dma_wait3A_42 = tpu.memref_slice %arg3[%mul3A_6] : memref<160000xi32, #tpu.memory_space<hbm>> -> memref<10000xi32, #tpu.memory_space<hbm>>
      %dma_wait3A_43 = tpu.memref_slice %arg3[%mul3A_6] : memref<160000xi32, #tpu.memory_space<hbm>> -> memref<10000xi32, #tpu.memory_space<hbm>>
      tpu.wait_dma2 semaphore(%run_scoped3A_39 : memref<!tpu.dma_semaphore, #tpu.memory_space<semaphore_mem>>) src(%dma_wait3A_43 : memref<10000xi32, #tpu.memory_space<hbm>>) dst(%arg7 : memref<10000xi32, #tpu.memory_space<vmem>>)
      tpu.yield
    }) : () -> ()
    "tpu.region"() ({
      %run_scoped3A_39 = tpu.sem_alloc : memref<!tpu.dma_semaphore, #tpu.memory_space<semaphore_mem>>
      %dma_start3A_40 = arith.constant 0 : i32
      %dma_start3A_41 = arith.constant 0 : i32
      %dma_start3A_42 = tpu.memref_slice %arg4[%arg1, %dma_start3A_40, %dma_start3A_41] : memref<16x125x80xi32, #tpu.memory_space<hbm>> -> memref<1x125x80xi32, #tpu.memory_space<hbm>>
      %dma_start3A_43 = tpu.memref_squeeze %dma_start3A_42 : memref<1x125x80xi32, #tpu.memory_space<hbm>> -> memref<125x80xi32, #tpu.memory_space<hbm>>
      %dma_start3A_44 = arith.constant 0 : i32
      %dma_start3A_45 = arith.constant 0 : i32
      %dma_start3A_46 = tpu.memref_slice %arg4[%arg1, %dma_start3A_44, %dma_start3A_45] : memref<16x125x80xi32, #tpu.memory_space<hbm>> -> memref<1x125x80xi32, #tpu.memory_space<hbm>>
      %dma_start3A_47 = tpu.memref_squeeze %dma_start3A_46 : memref<1x125x80xi32, #tpu.memory_space<hbm>> -> memref<125x80xi32, #tpu.memory_space<hbm>>
      tpu.enqueue_dma source(%dma_start3A_47 : memref<125x80xi32, #tpu.memory_space<hbm>>) target(%arg8 : memref<125x80xi32, #tpu.memory_space<vmem>>) target_semaphore(%run_scoped3A_39 : memref<!tpu.dma_semaphore, #tpu.memory_space<semaphore_mem>>)
      %dma_wait3A_48 = arith.constant 0 : i32
      %dma_wait3A_49 = arith.constant 0 : i32
      %dma_wait3A_50 = tpu.memref_slice %arg4[%arg1, %dma_wait3A_48, %dma_wait3A_49] : memref<16x125x80xi32, #tpu.memory_space<hbm>> -> memref<1x125x80xi32, #tpu.memory_space<hbm>>
      %dma_wait3A_51 = tpu.memref_squeeze %dma_wait3A_50 : memref<1x125x80xi32, #tpu.memory_space<hbm>> -> memref<125x80xi32, #tpu.memory_space<hbm>>
      %dma_wait3A_52 = arith.constant 0 : i32
      %dma_wait3A_53 = arith.constant 0 : i32
      %dma_wait3A_54 = tpu.memref_slice %arg4[%arg1, %dma_wait3A_52, %dma_wait3A_53] : memref<16x125x80xi32, #tpu.memory_space<hbm>> -> memref<1x125x80xi32, #tpu.memory_space<hbm>>
      %dma_wait3A_55 = tpu.memref_squeeze %dma_wait3A_54 : memref<1x125x80xi32, #tpu.memory_space<hbm>> -> memref<125x80xi32, #tpu.memory_space<hbm>>
      tpu.wait_dma2 semaphore(%run_scoped3A_39 : memref<!tpu.dma_semaphore, #tpu.memory_space<semaphore_mem>>) src(%dma_wait3A_55 : memref<125x80xi32, #tpu.memory_space<hbm>>) dst(%arg8 : memref<125x80xi32, #tpu.memory_space<vmem>>)
      tpu.yield
    }) : () -> ()
    %mul3A_7 = arith.constant 10000 : i32
    %mul3A_8 = arith.muli %arg0, %mul3A_7 : i32
    %broadcast_in_dim3A = vector.broadcast %mul3A_8 : i32 to vector<16xi32>
    %scan3A = arith.constant 0 : i32
    %scan3A_9 = arith.constant 0 : i32
    %scan3A_10 = arith.constant 625 : i32
    %scan3A_11 = arith.addi %scan3A_9, %scan3A_10 : i32
    %scan3A_12 = arith.constant 1 : i32
    scf.for %scan3A_39 = %scan3A_9 to %scan3A_11 step %scan3A_12  : i32 {
      %mul3A_40 = arith.constant 16 : i32
      %mul3A_41 = arith.muli %scan3A_39, %mul3A_40 : i32
      %get3A = arith.index_cast %mul3A_41 : i32 to index
      %get3A_42 = tpu.vector_load %arg7[%get3A] {strides = array<i32>} : memref<10000xi32, #tpu.memory_space<vmem>>, vector<16xi32>,
      %add3A = arith.addi %get3A_42, %broadcast_in_dim3A : vector<16xi32>
      %swap3A = arith.index_cast %mul3A_41 : i32 to index
      %swap3A_43 = tpu.vector_load %arg7[%swap3A] {strides = array<i32>} : memref<10000xi32, #tpu.memory_space<vmem>>, vector<16xi32>,
      tpu.vector_store %arg7[%swap3A], %add3A {strides = array<i32>} : memref<10000xi32, #tpu.memory_space<vmem>>, vector<16xi32>,
    }
    %scan3A_13 = arith.constant 625 : i32
    %barrier3A = arith.constant 0 : index
    tpu.barrier barrier_id(%barrier3A)
    %dma_start3A = arith.constant 0 : i32
    %dma_start3A_14 = tpu.memref_slice %arg7[%dma_start3A] : memref<10000xi32, #tpu.memory_space<vmem>> -> memref<80xi32, #tpu.memory_space<vmem>>
    %dma_start3A_15 = arith.constant 0 : i32
    %dma_start3A_16 = arith.constant 0 : i32
    %dma_start3A_17 = tpu.memref_slice %arg2[%dma_start3A_15, %dma_start3A_16] : memref<20000x128xf32, #tpu.memory_space<hbm>> -> memref<20000x128xf32, #tpu.memory_space<hbm>>
    tpu.enqueue_indirect_dma source(%dma_start3A_17 : memref<20000x128xf32, #tpu.memory_space<hbm>>) target(%arg9 : memref<80x128xf32, #tpu.memory_space<vmem>>) offsets(%dma_start3A_14 : memref<80xi32, #tpu.memory_space<vmem>>) semaphore(%arg12 : memref<!tpu.dma_semaphore, #tpu.memory_space<semaphore_mem>>)
    %scan3A_18 = arith.constant 0 : i32
    %scan3A_19 = arith.constant 0 : i32
    %scan3A_20 = arith.constant 62 : i32
    %scan3A_21 = arith.addi %scan3A_19, %scan3A_20 : i32
    %scan3A_22 = arith.constant 1 : i32
    scf.for %scan3A_39 = %scan3A_19 to %scan3A_21 step %scan3A_22  : i32 {
      %mul3A_40 = arith.constant 2 : i32
      %mul3A_41 = arith.muli %mul3A_40, %scan3A_39 : i32
      %add3A = arith.constant 1 : i32
      %add3A_42 = arith.addi %mul3A_41, %add3A : i32
      %mul3A_43 = arith.constant 80 : i32
      %mul3A_44 = arith.muli %add3A_42, %mul3A_43 : i32
      %dma_start3A_45 = tpu.memref_slice %arg7[%mul3A_44] : memref<10000xi32, #tpu.memory_space<vmem>> -> memref<80xi32, #tpu.memory_space<vmem>>
      %dma_start3A_46 = arith.constant 0 : i32
      %dma_start3A_47 = arith.constant 0 : i32
      %dma_start3A_48 = tpu.memref_slice %arg2[%dma_start3A_46, %dma_start3A_47] : memref<20000x128xf32, #tpu.memory_space<hbm>> -> memref<20000x128xf32, #tpu.memory_space<hbm>>
      tpu.enqueue_indirect_dma source(%dma_start3A_48 : memref<20000x128xf32, #tpu.memory_space<hbm>>) target(%arg10 : memref<80x128xf32, #tpu.memory_space<vmem>>) offsets(%dma_start3A_45 : memref<80xi32, #tpu.memory_space<vmem>>) semaphore(%arg13 : memref<!tpu.dma_semaphore, #tpu.memory_space<semaphore_mem>>)
      %mul3A_49 = arith.constant 80 : i32
      %mul3A_50 = arith.muli %mul3A_41, %mul3A_49 : i32
      %dma_wait3A_51 = tpu.memref_slice %arg7[%mul3A_50] : memref<10000xi32, #tpu.memory_space<vmem>> -> memref<80xi32, #tpu.memory_space<vmem>>
      %dma_wait3A_52 = arith.constant 0 : i32
      %dma_wait3A_53 = arith.constant 0 : i32
      %dma_wait3A_54 = tpu.memref_slice %arg2[%dma_wait3A_52, %dma_wait3A_53] : memref<20000x128xf32, #tpu.memory_space<hbm>> -> memref<20000x128xf32, #tpu.memory_space<hbm>>
      tpu.wait_indirect_dma semaphore(%arg12 : memref<!tpu.dma_semaphore, #tpu.memory_space<semaphore_mem>>) src(%dma_wait3A_54 : memref<20000x128xf32, #tpu.memory_space<hbm>>) dst(%arg9 : memref<80x128xf32, #tpu.memory_space<vmem>>)
      "tpu.region"() ({
        %run_scoped3A_73 = tpu.sem_alloc : memref<!tpu.dma_semaphore, #tpu.memory_space<semaphore_mem>>
        %dma_start3A_74 = arith.constant 0 : i32
        %dma_start3A_75 = tpu.memref_slice %arg8[%mul3A_41, %dma_start3A_74] : memref<125x80xi32, #tpu.memory_space<vmem>> -> memref<1x80xi32, #tpu.memory_space<vmem>>
        %dma_start3A_76 = tpu.memref_squeeze %dma_start3A_75 : memref<1x80xi32, #tpu.memory_space<vmem>> -> memref<80xi32, #tpu.memory_space<vmem>>
        %dma_start3A_77 = arith.constant 0 : i32
        %dma_start3A_78 = arith.constant 0 : i32
        %dma_start3A_79 = tpu.memref_slice %arg11[%dma_start3A_77, %dma_start3A_78] : memref<10000x128xf32, #tpu.memory_space<vmem_shared>> -> memref<10000x128xf32, #tpu.memory_space<vmem_shared>>
        tpu.enqueue_indirect_dma source(%arg9 : memref<80x128xf32, #tpu.memory_space<vmem>>) target(%dma_start3A_79 : memref<10000x128xf32, #tpu.memory_space<vmem_shared>>) offsets(%dma_start3A_76 : memref<80xi32, #tpu.memory_space<vmem>>) semaphore(%run_scoped3A_73 : memref<!tpu.dma_semaphore, #tpu.memory_space<semaphore_mem>>) {add = true}
        %dma_wait3A_80 = arith.constant 0 : i32
        %dma_wait3A_81 = tpu.memref_slice %arg8[%mul3A_41, %dma_wait3A_80] : memref<125x80xi32, #tpu.memory_space<vmem>> -> memref<1x80xi32, #tpu.memory_space<vmem>>
        %dma_wait3A_82 = tpu.memref_squeeze %dma_wait3A_81 : memref<1x80xi32, #tpu.memory_space<vmem>> -> memref<80xi32, #tpu.memory_space<vmem>>
        %dma_wait3A_83 = arith.constant 0 : i32
        %dma_wait3A_84 = arith.constant 0 : i32
        %dma_wait3A_85 = tpu.memref_slice %arg11[%dma_wait3A_83, %dma_wait3A_84] : memref<10000x128xf32, #tpu.memory_space<vmem_shared>> -> memref<10000x128xf32, #tpu.memory_space<vmem_shared>>
        tpu.wait_indirect_dma semaphore(%run_scoped3A_73 : memref<!tpu.dma_semaphore, #tpu.memory_space<semaphore_mem>>) src(%arg9 : memref<80x128xf32, #tpu.memory_space<vmem>>) dst(%dma_wait3A_85 : memref<10000x128xf32, #tpu.memory_space<vmem_shared>>)
        tpu.yield
      }) : () -> ()
      %add3A_55 = arith.constant 2 : i32
      %add3A_56 = arith.addi %mul3A_41, %add3A_55 : i32
      %mul3A_57 = arith.constant 80 : i32
      %mul3A_58 = arith.muli %add3A_56, %mul3A_57 : i32
      %dma_start3A_59 = tpu.memref_slice %arg7[%mul3A_58] : memref<10000xi32, #tpu.memory_space<vmem>> -> memref<80xi32, #tpu.memory_space<vmem>>
      %dma_start3A_60 = arith.constant 0 : i32
      %dma_start3A_61 = arith.constant 0 : i32
      %dma_start3A_62 = tpu.memref_slice %arg2[%dma_start3A_60, %dma_start3A_61] : memref<20000x128xf32, #tpu.memory_space<hbm>> -> memref<20000x128xf32, #tpu.memory_space<hbm>>
      tpu.enqueue_indirect_dma source(%dma_start3A_62 : memref<20000x128xf32, #tpu.memory_space<hbm>>) target(%arg9 : memref<80x128xf32, #tpu.memory_space<vmem>>) offsets(%dma_start3A_59 : memref<80xi32, #tpu.memory_space<vmem>>) semaphore(%arg12 : memref<!tpu.dma_semaphore, #tpu.memory_space<semaphore_mem>>)
      %add3A_63 = arith.constant 1 : i32
      %add3A_64 = arith.addi %mul3A_41, %add3A_63 : i32
      %mul3A_65 = arith.constant 80 : i32
      %mul3A_66 = arith.muli %add3A_64, %mul3A_65 : i32
      %dma_wait3A_67 = tpu.memref_slice %arg7[%mul3A_66] : memref<10000xi32, #tpu.memory_space<vmem>> -> memref<80xi32, #tpu.memory_space<vmem>>
      %dma_wait3A_68 = arith.constant 0 : i32
      %dma_wait3A_69 = arith.constant 0 : i32
      %dma_wait3A_70 = tpu.memref_slice %arg2[%dma_wait3A_68, %dma_wait3A_69] : memref<20000x128xf32, #tpu.memory_space<hbm>> -> memref<20000x128xf32, #tpu.memory_space<hbm>>
      tpu.wait_indirect_dma semaphore(%arg13 : memref<!tpu.dma_semaphore, #tpu.memory_space<semaphore_mem>>) src(%dma_wait3A_70 : memref<20000x128xf32, #tpu.memory_space<hbm>>) dst(%arg10 : memref<80x128xf32, #tpu.memory_space<vmem>>)
      %add3A_71 = arith.constant 1 : i32
      %add3A_72 = arith.addi %mul3A_41, %add3A_71 : i32
      "tpu.region"() ({
        %run_scoped3A_73 = tpu.sem_alloc : memref<!tpu.dma_semaphore, #tpu.memory_space<semaphore_mem>>
        %dma_start3A_74 = arith.constant 0 : i32
        %dma_start3A_75 = tpu.memref_slice %arg8[%add3A_72, %dma_start3A_74] : memref<125x80xi32, #tpu.memory_space<vmem>> -> memref<1x80xi32, #tpu.memory_space<vmem>>
        %dma_start3A_76 = tpu.memref_squeeze %dma_start3A_75 : memref<1x80xi32, #tpu.memory_space<vmem>> -> memref<80xi32, #tpu.memory_space<vmem>>
        %dma_start3A_77 = arith.constant 0 : i32
        %dma_start3A_78 = arith.constant 0 : i32
        %dma_start3A_79 = tpu.memref_slice %arg11[%dma_start3A_77, %dma_start3A_78] : memref<10000x128xf32, #tpu.memory_space<vmem_shared>> -> memref<10000x128xf32, #tpu.memory_space<vmem_shared>>
        tpu.enqueue_indirect_dma source(%arg10 : memref<80x128xf32, #tpu.memory_space<vmem>>) target(%dma_start3A_79 : memref<10000x128xf32, #tpu.memory_space<vmem_shared>>) offsets(%dma_start3A_76 : memref<80xi32, #tpu.memory_space<vmem>>) semaphore(%run_scoped3A_73 : memref<!tpu.dma_semaphore, #tpu.memory_space<semaphore_mem>>) {add = true}
        %dma_wait3A_80 = arith.constant 0 : i32
        %dma_wait3A_81 = tpu.memref_slice %arg8[%add3A_72, %dma_wait3A_80] : memref<125x80xi32, #tpu.memory_space<vmem>> -> memref<1x80xi32, #tpu.memory_space<vmem>>
        %dma_wait3A_82 = tpu.memref_squeeze %dma_wait3A_81 : memref<1x80xi32, #tpu.memory_space<vmem>> -> memref<80xi32, #tpu.memory_space<vmem>>
        %dma_wait3A_83 = arith.constant 0 : i32
        %dma_wait3A_84 = arith.constant 0 : i32
        %dma_wait3A_85 = tpu.memref_slice %arg11[%dma_wait3A_83, %dma_wait3A_84] : memref<10000x128xf32, #tpu.memory_space<vmem_shared>> -> memref<10000x128xf32, #tpu.memory_space<vmem_shared>>
        tpu.wait_indirect_dma semaphore(%run_scoped3A_73 : memref<!tpu.dma_semaphore, #tpu.memory_space<semaphore_mem>>) src(%arg10 : memref<80x128xf32, #tpu.memory_space<vmem>>) dst(%dma_wait3A_85 : memref<10000x128xf32, #tpu.memory_space<vmem_shared>>)
        tpu.yield
      }) : () -> ()
    }
    %scan3A_23 = arith.constant 62 : i32
    %dma_wait3A = arith.constant 9920 : i32
    %dma_wait3A_24 = tpu.memref_slice %arg7[%dma_wait3A] : memref<10000xi32, #tpu.memory_space<vmem>> -> memref<80xi32, #tpu.memory_space<vmem>>
    %dma_wait3A_25 = arith.constant 0 : i32
    %dma_wait3A_26 = arith.constant 0 : i32
    %dma_wait3A_27 = tpu.memref_slice %arg2[%dma_wait3A_25, %dma_wait3A_26] : memref<20000x128xf32, #tpu.memory_space<hbm>> -> memref<20000x128xf32, #tpu.memory_space<hbm>>
    tpu.wait_indirect_dma semaphore(%arg12 : memref<!tpu.dma_semaphore, #tpu.memory_space<semaphore_mem>>) src(%dma_wait3A_27 : memref<20000x128xf32, #tpu.memory_space<hbm>>) dst(%arg9 : memref<80x128xf32, #tpu.memory_space<vmem>>)
    %run_scoped3A = arith.constant 124 : i32
    "tpu.region"() ({
      %run_scoped3A_39 = tpu.sem_alloc : memref<!tpu.dma_semaphore, #tpu.memory_space<semaphore_mem>>
      %dma_start3A_40 = arith.constant 0 : i32
      %dma_start3A_41 = tpu.memref_slice %arg8[%run_scoped3A, %dma_start3A_40] : memref<125x80xi32, #tpu.memory_space<vmem>> -> memref<1x80xi32, #tpu.memory_space<vmem>>
      %dma_start3A_42 = tpu.memref_squeeze %dma_start3A_41 : memref<1x80xi32, #tpu.memory_space<vmem>> -> memref<80xi32, #tpu.memory_space<vmem>>
      %dma_start3A_43 = arith.constant 0 : i32
      %dma_start3A_44 = arith.constant 0 : i32
      %dma_start3A_45 = tpu.memref_slice %arg11[%dma_start3A_43, %dma_start3A_44] : memref<10000x128xf32, #tpu.memory_space<vmem_shared>> -> memref<10000x128xf32, #tpu.memory_space<vmem_shared>>
      tpu.enqueue_indirect_dma source(%arg9 : memref<80x128xf32, #tpu.memory_space<vmem>>) target(%dma_start3A_45 : memref<10000x128xf32, #tpu.memory_space<vmem_shared>>) offsets(%dma_start3A_42 : memref<80xi32, #tpu.memory_space<vmem>>) semaphore(%run_scoped3A_39 : memref<!tpu.dma_semaphore, #tpu.memory_space<semaphore_mem>>) {add = true}
      %dma_wait3A_46 = arith.constant 0 : i32
      %dma_wait3A_47 = tpu.memref_slice %arg8[%run_scoped3A, %dma_wait3A_46] : memref<125x80xi32, #tpu.memory_space<vmem>> -> memref<1x80xi32, #tpu.memory_space<vmem>>
      %dma_wait3A_48 = tpu.memref_squeeze %dma_wait3A_47 : memref<1x80xi32, #tpu.memory_space<vmem>> -> memref<80xi32, #tpu.memory_space<vmem>>
      %dma_wait3A_49 = arith.constant 0 : i32
      %dma_wait3A_50 = arith.constant 0 : i32
      %dma_wait3A_51 = tpu.memref_slice %arg11[%dma_wait3A_49, %dma_wait3A_50] : memref<10000x128xf32, #tpu.memory_space<vmem_shared>> -> memref<10000x128xf32, #tpu.memory_space<vmem_shared>>
      tpu.wait_indirect_dma semaphore(%run_scoped3A_39 : memref<!tpu.dma_semaphore, #tpu.memory_space<semaphore_mem>>) src(%arg9 : memref<80x128xf32, #tpu.memory_space<vmem>>) dst(%dma_wait3A_51 : memref<10000x128xf32, #tpu.memory_space<vmem_shared>>)
      tpu.yield
    }) : () -> ()
    %barrier3A_28 = arith.constant 0 : index
    tpu.barrier barrier_id(%barrier3A_28)
    %lt3A_29 = arith.constant 15 : i32
    %lt3A_30 = arith.cmpi slt, %arg1, %lt3A_29 : i32
    %convert_element_type3A_31 = arith.extui %lt3A_30 : i1 to i32
    %cond3A_32 = arith.constant 0 : i32
    %cond3A_33 = arith.cmpi ne, %convert_element_type3A_31, %cond3A_32 : i32
    scf.if %cond3A_33 {
      %mul3A_39 = arith.constant 640 : i32
      %mul3A_40 = arith.muli %arg1, %mul3A_39 : i32
      %mul3A_41 = arith.constant 10000 : i32
      %mul3A_42 = arith.muli %arg0, %mul3A_41 : i32
      %mul3A_43 = arith.constant 640 : i32
      %mul3A_44 = arith.muli %arg1, %mul3A_43 : i32
      %add3A = arith.addi %mul3A_42, %mul3A_44 : i32
      "tpu.region"() ({
        %run_scoped3A_45 = tpu.sem_alloc : memref<!tpu.dma_semaphore, #tpu.memory_space<semaphore_mem>>
        %dma_start3A_46 = arith.constant 0 : i32
        %dma_start3A_47 = tpu.memref_slice %arg6[%add3A, %dma_start3A_46] : memref<20000x128xf32, #tpu.memory_space<hbm>> -> memref<640x128xf32, #tpu.memory_space<hbm>>
        %dma_start3A_48 = arith.constant 0 : i32
        %dma_start3A_49 = tpu.memref_slice %arg11[%mul3A_40, %dma_start3A_48] : memref<10000x128xf32, #tpu.memory_space<vmem_shared>> -> memref<640x128xf32, #tpu.memory_space<vmem_shared>>
        tpu.enqueue_dma source(%dma_start3A_49 : memref<640x128xf32, #tpu.memory_space<vmem_shared>>) target(%dma_start3A_47 : memref<640x128xf32, #tpu.memory_space<hbm>>) target_semaphore(%run_scoped3A_45 : memref<!tpu.dma_semaphore, #tpu.memory_space<semaphore_mem>>)
        %dma_wait3A_50 = arith.constant 0 : i32
        %dma_wait3A_51 = tpu.memref_slice %arg6[%add3A, %dma_wait3A_50] : memref<20000x128xf32, #tpu.memory_space<hbm>> -> memref<640x128xf32, #tpu.memory_space<hbm>>
        %dma_wait3A_52 = arith.constant 0 : i32
        %dma_wait3A_53 = tpu.memref_slice %arg11[%mul3A_40, %dma_wait3A_52] : memref<10000x128xf32, #tpu.memory_space<vmem_shared>> -> memref<640x128xf32, #tpu.memory_space<vmem_shared>>
        tpu.wait_dma2 semaphore(%run_scoped3A_45 : memref<!tpu.dma_semaphore, #tpu.memory_space<semaphore_mem>>) src(%dma_wait3A_53 : memref<640x128xf32, #tpu.memory_space<vmem_shared>>) dst(%dma_wait3A_51 : memref<640x128xf32, #tpu.memory_space<hbm>>)
        tpu.yield
      }) : () -> ()
    } else {
    }
    %eq3A_34 = arith.constant 15 : i32
    %eq3A_35 = arith.cmpi eq, %arg1, %eq3A_34 : i32
    %convert_element_type3A_36 = arith.extui %eq3A_35 : i1 to i32
    %cond3A_37 = arith.constant 0 : i32
    %cond3A_38 = arith.cmpi ne, %convert_element_type3A_36, %cond3A_37 : i32
    scf.if %cond3A_38 {
      %mul3A_39 = arith.constant 10000 : i32
      %mul3A_40 = arith.muli %arg0, %mul3A_39 : i32
      %add3A = arith.constant 9600 : i32
      %add3A_41 = arith.addi %mul3A_40, %add3A : i32
      "tpu.region"() ({
        %run_scoped3A_42 = tpu.sem_alloc : memref<!tpu.dma_semaphore, #tpu.memory_space<semaphore_mem>>
        %dma_start3A_43 = arith.constant 0 : i32
        %dma_start3A_44 = tpu.memref_slice %arg6[%add3A_41, %dma_start3A_43] : memref<20000x128xf32, #tpu.memory_space<hbm>> -> memref<400x128xf32, #tpu.memory_space<hbm>>
        %dma_start3A_45 = arith.constant 9600 : i32
        %dma_start3A_46 = arith.constant 0 : i32
        %dma_start3A_47 = tpu.memref_slice %arg11[%dma_start3A_45, %dma_start3A_46] : memref<10000x128xf32, #tpu.memory_space<vmem_shared>> -> memref<400x128xf32, #tpu.memory_space<vmem_shared>>
        tpu.enqueue_dma source(%dma_start3A_47 : memref<400x128xf32, #tpu.memory_space<vmem_shared>>) target(%dma_start3A_44 : memref<400x128xf32, #tpu.memory_space<hbm>>) target_semaphore(%run_scoped3A_42 : memref<!tpu.dma_semaphore, #tpu.memory_space<semaphore_mem>>)
        %dma_wait3A_48 = arith.constant 0 : i32
        %dma_wait3A_49 = tpu.memref_slice %arg6[%add3A_41, %dma_wait3A_48] : memref<20000x128xf32, #tpu.memory_space<hbm>> -> memref<400x128xf32, #tpu.memory_space<hbm>>
        %dma_wait3A_50 = arith.constant 9600 : i32
        %dma_wait3A_51 = arith.constant 0 : i32
        %dma_wait3A_52 = tpu.memref_slice %arg11[%dma_wait3A_50, %dma_wait3A_51] : memref<10000x128xf32, #tpu.memory_space<vmem_shared>> -> memref<400x128xf32, #tpu.memory_space<vmem_shared>>
        tpu.wait_dma2 semaphore(%run_scoped3A_42 : memref<!tpu.dma_semaphore, #tpu.memory_space<semaphore_mem>>) src(%dma_wait3A_52 : memref<400x128xf32, #tpu.memory_space<vmem_shared>>) dst(%dma_wait3A_49 : memref<400x128xf32, #tpu.memory_space<hbm>>)
        tpu.yield
      }) : () -> ()
    } else {
    }
    return
  }
}

module attributes {stable_mosaic.version = 14 : i64} {
  func.func @body(%arg0: i32, %arg1: memref<400x32xf32, #tpu.memory_space<vmem>>, %arg2: memref<400x1xf32, #tpu.memory_space<vmem>>) attributes {dimension_semantics = [#tpu.dimension_semantics<arbitrary>], iteration_bounds = array<i64: 25>, scalar_prefetch = 0 : i64, scratch_operands = 0 : i64, tpu.core_type = #tpu.core_type<tc>, window_params = [{transform_indices = @transform_0, window_bounds = array<i64: 400, 32>}, {transform_indices = @transform_1, window_bounds = array<i64: 400, 1>}]} {
    %get3A = arith.constant 0 : index
    %get3A_0 = arith.constant 0 : index
    %get3A_1 = vector.load %arg1[%get3A, %get3A_0] : memref<400x32xf32, #tpu.memory_space<vmem>>, vector<400x32xf32>
    %reduce_sum3A = arith.constant dense<0.000000e+00> : vector<400xf32>
    %reduce_sum3A_2 = vector.multi_reduction <add>, %get3A_1, %reduce_sum3A [1] : vector<400x32xf32> to vector<400xf32>
    %broadcast_in_dim3A = vector.shape_cast %reduce_sum3A_2 : vector<400xf32> to vector<400x1xf32>
    %add3A = arith.constant 1.000000e+00 : f32
    %add3A_3 = vector.broadcast %add3A : f32 to vector<400x1xf32>
    %add3A_4 = arith.addf %broadcast_in_dim3A, %add3A_3 : vector<400x1xf32>
    %rsqrt3A = math.rsqrt %add3A_4 : vector<400x1xf32>
    %swap3A = arith.constant 0 : index
    %swap3A_5 = arith.constant 0 : index
    %swap3A_6 = vector.load %arg2[%swap3A, %swap3A_5] : memref<400x1xf32, #tpu.memory_space<vmem>>, vector<400x1xf32>
    tpu.vector_store %arg2[%swap3A, %swap3A_5], %rsqrt3A {strides = array<i32>} : memref<400x1xf32, #tpu.memory_space<vmem>>, vector<400x1xf32>,
    return
  }
  func.func @transform_0(%arg0: i32) -> (i32, i32) {
    %c0_i32 = arith.constant 0 : i32
    %c0_i32_0 = arith.constant 0 : i32
    return %arg0, %c0_i32 : i32, i32
  }
  func.func @transform_1(%arg0: i32) -> (i32, i32) {
    %c0_i32 = arith.constant 0 : i32
    %c0_i32_0 = arith.constant 0 : i32
    return %arg0, %c0_i32 : i32, i32
  }
}

module attributes {stable_mosaic.version = 14 : i64} {
  func.func @body(%arg0: i32, %arg1: i32, %arg2: memref<1000x256xf32, #tpu.memory_space<vmem>>, %arg3: memref<256x128xf32, #tpu.memory_space<vmem>>, %arg4: memref<1000x1xf32, #tpu.memory_space<vmem>>, %arg5: memref<1000x128xf32, #tpu.memory_space<vmem>>) attributes {dimension_semantics = [#tpu.dimension_semantics<arbitrary>, #tpu.dimension_semantics<arbitrary>], iteration_bounds = array<i64: 2, 10>, scalar_prefetch = 0 : i64, scratch_operands = 0 : i64, tpu.core_type = #tpu.core_type<tc>, window_params = [{transform_indices = @transform_0, window_bounds = array<i64: 1000, 256>}, {transform_indices = @transform_1, window_bounds = array<i64: 256, 128>}, {transform_indices = @transform_2, window_bounds = array<i64: 1000, 1>}, {transform_indices = @transform_3, window_bounds = array<i64: 1000, 128>}]} {
    %get3A = arith.constant 0 : index
    %get3A_0 = arith.constant 0 : index
    %get3A_1 = vector.load %arg2[%get3A, %get3A_0] : memref<1000x256xf32, #tpu.memory_space<vmem>>, vector<1000x256xf32>
    %get3A_2 = arith.constant 0 : index
    %get3A_3 = arith.constant 0 : index
    %get3A_4 = vector.load %arg3[%get3A_2, %get3A_3] : memref<256x128xf32, #tpu.memory_space<vmem>>, vector<256x128xf32>
    %convert_element_type3A = arith.truncf %get3A_1 : vector<1000x256xf32> to vector<1000x256xbf16>
    %convert_element_type3A_5 = arith.extf %convert_element_type3A : vector<1000x256xbf16> to vector<1000x256xf32>
    %sub3A = arith.subf %get3A_1, %convert_element_type3A_5 : vector<1000x256xf32>
    %convert_element_type3A_6 = arith.truncf %sub3A : vector<1000x256xf32> to vector<1000x256xbf16>
    %convert_element_type3A_7 = arith.truncf %get3A_4 : vector<256x128xf32> to vector<256x128xbf16>
    %convert_element_type3A_8 = arith.extf %convert_element_type3A_7 : vector<256x128xbf16> to vector<256x128xf32>
    %sub3A_9 = arith.subf %get3A_4, %convert_element_type3A_8 : vector<256x128xf32>
    %convert_element_type3A_10 = arith.truncf %sub3A_9 : vector<256x128xf32> to vector<256x128xbf16>
    %dot_general3A = arith.constant dense<0.000000e+00> : vector<1000x128xf32>
    %dot_general3A_11 = tpu.matmul %convert_element_type3A, %convert_element_type3A_7, %dot_general3A {dimension_numbers = #tpu.dot_dimension_numbers<[1], [0], [0], [1], [0, 0, 1, 1], [], []>, transpose_lhs_hint = false} : vector<1000x256xbf16>, vector<256x128xbf16>, vector<1000x128xf32> -> vector<1000x128xf32>
    %dot_general3A_12 = arith.constant dense<0.000000e+00> : vector<1000x128xf32>
    %dot_general3A_13 = tpu.matmul %convert_element_type3A, %convert_element_type3A_10, %dot_general3A_12 {dimension_numbers = #tpu.dot_dimension_numbers<[1], [0], [0], [1], [0, 0, 1, 1], [], []>, transpose_lhs_hint = false} : vector<1000x256xbf16>, vector<256x128xbf16>, vector<1000x128xf32> -> vector<1000x128xf32>
    %add3A = arith.addf %dot_general3A_11, %dot_general3A_13 : vector<1000x128xf32>
    %dot_general3A_14 = arith.constant dense<0.000000e+00> : vector<1000x128xf32>
    %dot_general3A_15 = tpu.matmul %convert_element_type3A_6, %convert_element_type3A_7, %dot_general3A_14 {dimension_numbers = #tpu.dot_dimension_numbers<[1], [0], [0], [1], [0, 0, 1, 1], [], []>, transpose_lhs_hint = false} : vector<1000x256xbf16>, vector<256x128xbf16>, vector<1000x128xf32> -> vector<1000x128xf32>
    %add3A_16 = arith.addf %add3A, %dot_general3A_15 : vector<1000x128xf32>
    %get3A_17 = arith.constant 0 : index
    %get3A_18 = arith.constant 0 : index
    %get3A_19 = vector.load %arg4[%get3A_17, %get3A_18] : memref<1000x1xf32, #tpu.memory_space<vmem>>, vector<1000x1xf32>
    %mul3A = vector.broadcast %get3A_19 : vector<1000x1xf32> to vector<1000x128xf32>
    %mul3A_20 = arith.mulf %add3A_16, %mul3A : vector<1000x128xf32>
    %swap3A = arith.constant 0 : index
    %swap3A_21 = arith.constant 0 : index
    %swap3A_22 = vector.load %arg5[%swap3A, %swap3A_21] : memref<1000x128xf32, #tpu.memory_space<vmem>>, vector<1000x128xf32>
    tpu.vector_store %arg5[%swap3A, %swap3A_21], %mul3A_20 {strides = array<i32>} : memref<1000x128xf32, #tpu.memory_space<vmem>>, vector<1000x128xf32>,
    return
  }
  func.func @transform_0(%arg0: i32, %arg1: i32) -> (i32, i32) {
    %c0_i32 = arith.constant 0 : i32
    %c0_i32_0 = arith.constant 0 : i32
    return %arg1, %c0_i32 : i32, i32
  }
  func.func @transform_1(%arg0: i32, %arg1: i32) -> (i32, i32) {
    %c0_i32 = arith.constant 0 : i32
    %c0_i32_0 = arith.constant 0 : i32
    return %c0_i32, %arg0 : i32, i32
  }
  func.func @transform_2(%arg0: i32, %arg1: i32) -> (i32, i32) {
    %c0_i32 = arith.constant 0 : i32
    %c0_i32_0 = arith.constant 0 : i32
    return %arg1, %c0_i32 : i32, i32
  }
  func.func @transform_3(%arg0: i32, %arg1: i32) -> (i32, i32) {
    %mul3A = arith.constant 10 : i32
    %mul3A_0 = arith.muli %arg0, %mul3A : i32
    %add3A = arith.addi %mul3A_0, %arg1 : i32
    %c0_i32 = arith.constant 0 : i32
    %c0_i32_1 = arith.constant 0 : i32
    return %add3A, %c0_i32 : i32, i32
  }
}

module attributes {stable_mosaic.version = 14 : i64} {
  func.func @body(%arg0: i32, %arg1: i32, %arg2: memref<1000x128xf32, #tpu.memory_space<vmem>>, %arg3: memref<1000x128xf32, #tpu.memory_space<vmem>>, %arg4: memref<1000x1xf32, #tpu.memory_space<vmem>>, %arg5: memref<1x1x128xf32, #tpu.memory_space<vmem>>, %arg6: memref<1000x128xf32, #tpu.memory_space<vmem>>) attributes {dimension_semantics = [#tpu.dimension_semantics<arbitrary>, #tpu.dimension_semantics<arbitrary>], iteration_bounds = array<i64: 2, 10>, scalar_prefetch = 0 : i64, scratch_operands = 0 : i64, tpu.core_type = #tpu.core_type<tc>, window_params = [{transform_indices = @transform_0, window_bounds = array<i64: 1000, 128>}, {transform_indices = @transform_1, window_bounds = array<i64: 1000, 128>}, {transform_indices = @transform_2, window_bounds = array<i64: 1000, 1>}, {transform_indices = @transform_3, window_bounds = array<i64: 1, 1, 128>}, {transform_indices = @transform_4, window_bounds = array<i64: 1000, 128>}]} {
    %get3A = arith.constant 0 : index
    %get3A_0 = arith.constant 0 : index
    %get3A_1 = vector.load %arg2[%get3A, %get3A_0] : memref<1000x128xf32, #tpu.memory_space<vmem>>, vector<1000x128xf32>
    %get3A_2 = arith.constant 0 : index
    %get3A_3 = arith.constant 0 : index
    %get3A_4 = vector.load %arg3[%get3A_2, %get3A_3] : memref<1000x128xf32, #tpu.memory_space<vmem>>, vector<1000x128xf32>
    %add3A = arith.addf %get3A_1, %get3A_4 : vector<1000x128xf32>
    %get3A_5 = arith.constant 0 : index
    %get3A_6 = arith.constant 0 : index
    %get3A_7 = vector.load %arg4[%get3A_5, %get3A_6] : memref<1000x1xf32, #tpu.memory_space<vmem>>, vector<1000x1xf32>
    %mul3A = vector.broadcast %get3A_7 : vector<1000x1xf32> to vector<1000x128xf32>
    %mul3A_8 = arith.mulf %add3A, %mul3A : vector<1000x128xf32>
    %get3A_9 = arith.constant 0 : index
    %get3A_10 = arith.constant 0 : index
    %get3A_11 = arith.constant 0 : index
    %get3A_12 = vector.load %arg5[%get3A_9, %get3A_10, %get3A_11] : memref<1x1x128xf32, #tpu.memory_space<vmem>>, vector<1x1x128xf32>
    %get3A_13 = vector.shape_cast %get3A_12 : vector<1x1x128xf32> to vector<1x128xf32>
    %add3A_14 = vector.broadcast %get3A_13 : vector<1x128xf32> to vector<1000x128xf32>
    %add3A_15 = arith.addf %mul3A_8, %add3A_14 : vector<1000x128xf32>
    %max3A = arith.constant 0.000000e+00 : f32
    %max3A_16 = vector.broadcast %max3A : f32 to vector<1000x128xf32>
    %max3A_17 = arith.maximumf %add3A_15, %max3A_16 : vector<1000x128xf32>
    %swap3A = arith.constant 0 : index
    %swap3A_18 = arith.constant 0 : index
    %swap3A_19 = vector.load %arg6[%swap3A, %swap3A_18] : memref<1000x128xf32, #tpu.memory_space<vmem>>, vector<1000x128xf32>
    tpu.vector_store %arg6[%swap3A, %swap3A_18], %max3A_17 {strides = array<i32>} : memref<1000x128xf32, #tpu.memory_space<vmem>>, vector<1000x128xf32>,
    return
  }
  func.func @transform_0(%arg0: i32, %arg1: i32) -> (i32, i32) {
    %mul3A = arith.constant 10 : i32
    %mul3A_0 = arith.muli %arg0, %mul3A : i32
    %add3A = arith.addi %mul3A_0, %arg1 : i32
    %c0_i32 = arith.constant 0 : i32
    %c0_i32_1 = arith.constant 0 : i32
    return %add3A, %c0_i32 : i32, i32
  }
  func.func @transform_1(%arg0: i32, %arg1: i32) -> (i32, i32) {
    %mul3A = arith.constant 10 : i32
    %mul3A_0 = arith.muli %arg0, %mul3A : i32
    %add3A = arith.addi %mul3A_0, %arg1 : i32
    %c0_i32 = arith.constant 0 : i32
    %c0_i32_1 = arith.constant 0 : i32
    return %add3A, %c0_i32 : i32, i32
  }
  func.func @transform_2(%arg0: i32, %arg1: i32) -> (i32, i32) {
    %c0_i32 = arith.constant 0 : i32
    %c0_i32_0 = arith.constant 0 : i32
    return %arg1, %c0_i32 : i32, i32
  }
  func.func @transform_3(%arg0: i32, %arg1: i32) -> (i32, i32, i32) {
    %c0_i32 = arith.constant 0 : i32
    %c0_i32_0 = arith.constant 0 : i32
    %c0_i32_1 = arith.constant 0 : i32
    return %arg0, %c0_i32, %c0_i32_0 : i32, i32, i32
  }
  func.func @transform_4(%arg0: i32, %arg1: i32) -> (i32, i32) {
    %c0_i32 = arith.constant 0 : i32
    return %arg1, %arg0 : i32, i32
  }
}

module attributes {stable_mosaic.version = 14 : i64} {
  func.func @body(%arg0: i32, %arg1: i32, %arg2: i32, %arg3: memref<1000x256xf32, #tpu.memory_space<vmem>>, %arg4: memref<256x128xf32, #tpu.memory_space<vmem>>, %arg5: memref<1000x128xf32, #tpu.memory_space<vmem>>) attributes {dimension_semantics = [#tpu.dimension_semantics<arbitrary>, #tpu.dimension_semantics<arbitrary>, #tpu.dimension_semantics<arbitrary>], iteration_bounds = array<i64: 2, 2, 10>, scalar_prefetch = 0 : i64, scratch_operands = 0 : i64, tpu.core_type = #tpu.core_type<tc>, window_params = [{transform_indices = @transform_0, window_bounds = array<i64: 1000, 256>}, {transform_indices = @transform_1, window_bounds = array<i64: 256, 128>}, {transform_indices = @transform_2, window_bounds = array<i64: 1000, 128>}]} {
    %get3A = arith.constant 0 : index
    %get3A_0 = arith.constant 0 : index
    %get3A_1 = vector.load %arg3[%get3A, %get3A_0] : memref<1000x256xf32, #tpu.memory_space<vmem>>, vector<1000x256xf32>
    %get3A_2 = arith.constant 0 : index
    %get3A_3 = arith.constant 0 : index
    %get3A_4 = vector.load %arg4[%get3A_2, %get3A_3] : memref<256x128xf32, #tpu.memory_space<vmem>>, vector<256x128xf32>
    %convert_element_type3A = arith.truncf %get3A_1 : vector<1000x256xf32> to vector<1000x256xbf16>
    %convert_element_type3A_5 = arith.extf %convert_element_type3A : vector<1000x256xbf16> to vector<1000x256xf32>
    %sub3A = arith.subf %get3A_1, %convert_element_type3A_5 : vector<1000x256xf32>
    %convert_element_type3A_6 = arith.truncf %sub3A : vector<1000x256xf32> to vector<1000x256xbf16>
    %convert_element_type3A_7 = arith.truncf %get3A_4 : vector<256x128xf32> to vector<256x128xbf16>
    %convert_element_type3A_8 = arith.extf %convert_element_type3A_7 : vector<256x128xbf16> to vector<256x128xf32>
    %sub3A_9 = arith.subf %get3A_4, %convert_element_type3A_8 : vector<256x128xf32>
    %convert_element_type3A_10 = arith.truncf %sub3A_9 : vector<256x128xf32> to vector<256x128xbf16>
    %dot_general3A = arith.constant dense<0.000000e+00> : vector<1000x128xf32>
    %dot_general3A_11 = tpu.matmul %convert_element_type3A, %convert_element_type3A_7, %dot_general3A {dimension_numbers = #tpu.dot_dimension_numbers<[1], [0], [0], [1], [0, 0, 1, 1], [], []>, transpose_lhs_hint = false} : vector<1000x256xbf16>, vector<256x128xbf16>, vector<1000x128xf32> -> vector<1000x128xf32>
    %dot_general3A_12 = arith.constant dense<0.000000e+00> : vector<1000x128xf32>
    %dot_general3A_13 = tpu.matmul %convert_element_type3A, %convert_element_type3A_10, %dot_general3A_12 {dimension_numbers = #tpu.dot_dimension_numbers<[1], [0], [0], [1], [0, 0, 1, 1], [], []>, transpose_lhs_hint = false} : vector<1000x256xbf16>, vector<256x128xbf16>, vector<1000x128xf32> -> vector<1000x128xf32>
    %add3A = arith.addf %dot_general3A_11, %dot_general3A_13 : vector<1000x128xf32>
    %dot_general3A_14 = arith.constant dense<0.000000e+00> : vector<1000x128xf32>
    %dot_general3A_15 = tpu.matmul %convert_element_type3A_6, %convert_element_type3A_7, %dot_general3A_14 {dimension_numbers = #tpu.dot_dimension_numbers<[1], [0], [0], [1], [0, 0, 1, 1], [], []>, transpose_lhs_hint = false} : vector<1000x256xbf16>, vector<256x128xbf16>, vector<1000x128xf32> -> vector<1000x128xf32>
    %add3A_16 = arith.addf %add3A, %dot_general3A_15 : vector<1000x128xf32>
    %swap3A = arith.constant 0 : index
    %swap3A_17 = arith.constant 0 : index
    %swap3A_18 = vector.load %arg5[%swap3A, %swap3A_17] : memref<1000x128xf32, #tpu.memory_space<vmem>>, vector<1000x128xf32>
    tpu.vector_store %arg5[%swap3A, %swap3A_17], %add3A_16 {strides = array<i32>} : memref<1000x128xf32, #tpu.memory_space<vmem>>, vector<1000x128xf32>,
    return
  }
  func.func @transform_0(%arg0: i32, %arg1: i32, %arg2: i32) -> (i32, i32) {
    %c0_i32 = arith.constant 0 : i32
    %c0_i32_0 = arith.constant 0 : i32
    return %arg2, %c0_i32 : i32, i32
  }
  func.func @transform_1(%arg0: i32, %arg1: i32, %arg2: i32) -> (i32, i32) {
    %c0_i32 = arith.constant 0 : i32
    return %arg0, %arg1 : i32, i32
  }
  func.func @transform_2(%arg0: i32, %arg1: i32, %arg2: i32) -> (i32, i32) {
    %mul3A = arith.constant 2 : i32
    %mul3A_0 = arith.muli %arg0, %mul3A : i32
    %add3A = arith.addi %mul3A_0, %arg1 : i32
    %mul3A_1 = arith.constant 10 : i32
    %mul3A_2 = arith.muli %add3A, %mul3A_1 : i32
    %add3A_3 = arith.addi %mul3A_2, %arg2 : i32
    %c0_i32 = arith.constant 0 : i32
    %c0_i32_4 = arith.constant 0 : i32
    return %add3A_3, %c0_i32 : i32, i32
  }
}

module attributes {stable_mosaic.version = 14 : i64} {
  func.func @body(%arg0: i32, %arg1: memref<6400x128xf32, #tpu.memory_space<vmem>>, %arg2: memref<6400x128xf32, #tpu.memory_space<vmem>>, %arg3: memref<2x6400xf32, #tpu.memory_space<vmem>>, %arg4: memref<2x256xf32, #tpu.memory_space<vmem>>, %arg5: memref<1x256xf32, #tpu.memory_space<vmem>>, %arg6: memref<256x32xbf16, #tpu.memory_space<vmem>>, %arg7: memref<1x32xf32, #tpu.memory_space<vmem>>, %arg8: memref<1x32xf32, #tpu.memory_space<vmem>>, %arg9: memref<1x1xf32, #tpu.memory_space<vmem>>, %arg10: memref<1x6400xf32, #tpu.memory_space<vmem>>) attributes {dimension_semantics = [#tpu.dimension_semantics<arbitrary>], iteration_bounds = array<i64: 25>, scalar_prefetch = 0 : i64, scratch_operands = 0 : i64, tpu.core_type = #tpu.core_type<tc>, window_params = [{transform_indices = @transform_0, window_bounds = array<i64: 6400, 128>}, {transform_indices = @transform_1, window_bounds = array<i64: 6400, 128>}, {transform_indices = @transform_2, window_bounds = array<i64: 2, 6400>}, {pipeline_mode = #tpu.pipeline_mode<synchronous>, transform_indices = @transform_3, window_bounds = array<i64: 2, 256>}, {pipeline_mode = #tpu.pipeline_mode<synchronous>, transform_indices = @transform_4, window_bounds = array<i64: 1, 256>}, {pipeline_mode = #tpu.pipeline_mode<synchronous>, transform_indices = @transform_5, window_bounds = array<i64: 256, 32>}, {pipeline_mode = #tpu.pipeline_mode<synchronous>, transform_indices = @transform_6, window_bounds = array<i64: 1, 32>}, {pipeline_mode = #tpu.pipeline_mode<synchronous>, transform_indices = @transform_7, window_bounds = array<i64: 1, 32>}, {pipeline_mode = #tpu.pipeline_mode<synchronous>, transform_indices = @transform_8, window_bounds = array<i64: 1, 1>}, {transform_indices = @transform_9, window_bounds = array<i64: 1, 6400>}]} {
    %get3A = arith.constant 0 : index
    %get3A_0 = arith.constant 0 : index
    %get3A_1 = vector.load %arg1[%get3A, %get3A_0] : memref<6400x128xf32, #tpu.memory_space<vmem>>, vector<6400x128xf32>
    %get3A_2 = arith.constant 0 : index
    %get3A_3 = arith.constant 0 : index
    %get3A_4 = vector.load %arg2[%get3A_2, %get3A_3] : memref<6400x128xf32, #tpu.memory_space<vmem>>, vector<6400x128xf32>
    %concatenate3A = tpu.concatenate %get3A_1, %get3A_4 in 1 : vector<6400x128xf32>, vector<6400x128xf32> -> vector<6400x256xf32>
    %get3A_5 = arith.constant 0 : index
    %get3A_6 = arith.constant 0 : index
    %get3A_7 = vector.load %arg3[%get3A_5, %get3A_6] : memref<2x6400xf32, #tpu.memory_space<vmem>>, vector<2x6400xf32>
    %transpose3A = tpu.transpose %get3A_7, [1, 0] : vector<2x6400xf32> -> vector<6400x2xf32>
    %slice3A = vector.extract_strided_slice %transpose3A {offsets = [0, 0], sizes = [6400, 1], strides = [1, 1]} : vector<6400x2xf32> to vector<6400x1xf32>
    %get3A_8 = arith.constant 0 : index
    %get3A_9 = arith.constant 0 : index
    %get3A_10 = vector.load %arg4[%get3A_8, %get3A_9] : memref<2x256xf32, #tpu.memory_space<vmem>>, vector<1x256xf32>
    %mul3A = vector.broadcast %slice3A : vector<6400x1xf32> to vector<6400x256xf32>
    %mul3A_11 = vector.broadcast %get3A_10 : vector<1x256xf32> to vector<6400x256xf32>
    %mul3A_12 = arith.mulf %mul3A, %mul3A_11 : vector<6400x256xf32>
    %add3A = arith.addf %concatenate3A, %mul3A_12 : vector<6400x256xf32>
    %slice3A_13 = vector.extract_strided_slice %transpose3A {offsets = [0, 1], sizes = [6400, 1], strides = [1, 1]} : vector<6400x2xf32> to vector<6400x1xf32>
    %get3A_14 = arith.constant 1 : index
    %get3A_15 = arith.constant 0 : index
    %get3A_16 = vector.load %arg4[%get3A_14, %get3A_15] : memref<2x256xf32, #tpu.memory_space<vmem>>, vector<1x256xf32>
    %mul3A_17 = vector.broadcast %slice3A_13 : vector<6400x1xf32> to vector<6400x256xf32>
    %mul3A_18 = vector.broadcast %get3A_16 : vector<1x256xf32> to vector<6400x256xf32>
    %mul3A_19 = arith.mulf %mul3A_17, %mul3A_18 : vector<6400x256xf32>
    %add3A_20 = arith.addf %add3A, %mul3A_19 : vector<6400x256xf32>
    %get3A_21 = arith.constant 0 : index
    %get3A_22 = arith.constant 0 : index
    %get3A_23 = vector.load %arg5[%get3A_21, %get3A_22] : memref<1x256xf32, #tpu.memory_space<vmem>>, vector<1x256xf32>
    %add3A_24 = vector.broadcast %get3A_23 : vector<1x256xf32> to vector<6400x256xf32>
    %add3A_25 = arith.addf %add3A_20, %add3A_24 : vector<6400x256xf32>
    %max3A = arith.constant 0.000000e+00 : f32
    %max3A_26 = vector.broadcast %max3A : f32 to vector<6400x256xf32>
    %max3A_27 = arith.maximumf %add3A_25, %max3A_26 : vector<6400x256xf32>
    %convert_element_type3A = arith.truncf %max3A_27 : vector<6400x256xf32> to vector<6400x256xbf16>
    %get3A_28 = arith.constant 0 : index
    %get3A_29 = arith.constant 0 : index
    %get3A_30 = vector.load %arg6[%get3A_28, %get3A_29] : memref<256x32xbf16, #tpu.memory_space<vmem>>, vector<256x32xbf16>
    %dot_general3A = arith.constant dense<0.000000e+00> : vector<6400x32xf32>
    %dot_general3A_31 = tpu.matmul %convert_element_type3A, %get3A_30, %dot_general3A {dimension_numbers = #tpu.dot_dimension_numbers<[1], [0], [0], [1], [0, 0, 1, 1], [], []>, transpose_lhs_hint = false} : vector<6400x256xbf16>, vector<256x32xbf16>, vector<6400x32xf32> -> vector<6400x32xf32>
    %get3A_32 = arith.constant 0 : index
    %get3A_33 = arith.constant 0 : index
    %get3A_34 = vector.load %arg7[%get3A_32, %get3A_33] : memref<1x32xf32, #tpu.memory_space<vmem>>, vector<1x32xf32>
    %add3A_35 = vector.broadcast %get3A_34 : vector<1x32xf32> to vector<6400x32xf32>
    %add3A_36 = arith.addf %dot_general3A_31, %add3A_35 : vector<6400x32xf32>
    %max3A_37 = arith.constant 0.000000e+00 : f32
    %max3A_38 = vector.broadcast %max3A_37 : f32 to vector<6400x32xf32>
    %max3A_39 = arith.maximumf %add3A_36, %max3A_38 : vector<6400x32xf32>
    %get3A_40 = arith.constant 0 : index
    %get3A_41 = arith.constant 0 : index
    %get3A_42 = vector.load %arg8[%get3A_40, %get3A_41] : memref<1x32xf32, #tpu.memory_space<vmem>>, vector<1x32xf32>
    %mul3A_43 = vector.broadcast %get3A_42 : vector<1x32xf32> to vector<6400x32xf32>
    %mul3A_44 = arith.mulf %max3A_39, %mul3A_43 : vector<6400x32xf32>
    %reduce_sum3A = arith.constant dense<0.000000e+00> : vector<6400xf32>
    %reduce_sum3A_45 = vector.multi_reduction <add>, %mul3A_44, %reduce_sum3A [1] : vector<6400x32xf32> to vector<6400xf32>
    %broadcast_in_dim3A = vector.shape_cast %reduce_sum3A_45 : vector<6400xf32> to vector<6400x1xf32>
    %get3A_46 = arith.constant 0 : index
    %get3A_47 = arith.constant 0 : index
    %get3A_48 = vector.load %arg9[%get3A_46, %get3A_47] : memref<1x1xf32, #tpu.memory_space<vmem>>, vector<1x1xf32>
    %add3A_49 = vector.broadcast %get3A_48 : vector<1x1xf32> to vector<6400x1xf32>
    %add3A_50 = arith.addf %broadcast_in_dim3A, %add3A_49 : vector<6400x1xf32>
    %logistic3A = arith.negf %add3A_50 : vector<6400x1xf32>
    %logistic3A_51 = math.exp %logistic3A : vector<6400x1xf32>
    %logistic3A_52 = arith.constant 1.000000e+00 : f32
    %logistic3A_53 = vector.broadcast %logistic3A_52 : f32 to vector<6400x1xf32>
    %logistic3A_54 = arith.addf %logistic3A_53, %logistic3A_51 : vector<6400x1xf32>
    %logistic3A_55 = arith.divf %logistic3A_53, %logistic3A_54 : vector<6400x1xf32>
    %transpose3A_56 = tpu.transpose %logistic3A_55, [1, 0] : vector<6400x1xf32> -> vector<1x6400xf32>
    %swap3A = arith.constant 0 : index
    %swap3A_57 = arith.constant 0 : index
    %swap3A_58 = vector.load %arg10[%swap3A, %swap3A_57] : memref<1x6400xf32, #tpu.memory_space<vmem>>, vector<1x6400xf32>
    tpu.vector_store %arg10[%swap3A, %swap3A_57], %transpose3A_56 {strides = array<i32>} : memref<1x6400xf32, #tpu.memory_space<vmem>>, vector<1x6400xf32>,
    return
  }
  func.func @transform_0(%arg0: i32) -> (i32, i32) {
    %c0_i32 = arith.constant 0 : i32
    %c0_i32_0 = arith.constant 0 : i32
    return %arg0, %c0_i32 : i32, i32
  }
  func.func @transform_1(%arg0: i32) -> (i32, i32) {
    %add3A = arith.constant 25 : i32
    %add3A_0 = arith.addi %add3A, %arg0 : i32
    %c0_i32 = arith.constant 0 : i32
    %c0_i32_1 = arith.constant 0 : i32
    return %add3A_0, %c0_i32 : i32, i32
  }
  func.func @transform_2(%arg0: i32) -> (i32, i32) {
    %c0_i32 = arith.constant 0 : i32
    %c0_i32_0 = arith.constant 0 : i32
    return %c0_i32, %arg0 : i32, i32
  }
  func.func @transform_3(%arg0: i32) -> (i32, i32) {
    %c0_i32 = arith.constant 0 : i32
    %c0_i32_0 = arith.constant 0 : i32
    %c0_i32_1 = arith.constant 0 : i32
    return %c0_i32, %c0_i32_0 : i32, i32
  }
  func.func @transform_4(%arg0: i32) -> (i32, i32) {
    %c0_i32 = arith.constant 0 : i32
    %c0_i32_0 = arith.constant 0 : i32
    %c0_i32_1 = arith.constant 0 : i32
    return %c0_i32, %c0_i32_0 : i32, i32
  }
  func.func @transform_5(%arg0: i32) -> (i32, i32) {
    %c0_i32 = arith.constant 0 : i32
    %c0_i32_0 = arith.constant 0 : i32
    %c0_i32_1 = arith.constant 0 : i32
    return %c0_i32, %c0_i32_0 : i32, i32
  }
  func.func @transform_6(%arg0: i32) -> (i32, i32) {
    %c0_i32 = arith.constant 0 : i32
    %c0_i32_0 = arith.constant 0 : i32
    %c0_i32_1 = arith.constant 0 : i32
    return %c0_i32, %c0_i32_0 : i32, i32
  }
  func.func @transform_7(%arg0: i32) -> (i32, i32) {
    %c0_i32 = arith.constant 0 : i32
    %c0_i32_0 = arith.constant 0 : i32
    %c0_i32_1 = arith.constant 0 : i32
    return %c0_i32, %c0_i32_0 : i32, i32
  }
  func.func @transform_8(%arg0: i32) -> (i32, i32) {
    %c0_i32 = arith.constant 0 : i32
    %c0_i32_0 = arith.constant 0 : i32
    %c0_i32_1 = arith.constant 0 : i32
    return %c0_i32, %c0_i32_0 : i32, i32
  }
  func.func @transform_9(%arg0: i32) -> (i32, i32) {
    %c0_i32 = arith.constant 0 : i32
    %c0_i32_0 = arith.constant 0 : i32
    return %c0_i32, %arg0 : i32, i32
  }
}

</mosaic_0001>

<sc_bundles>
// kernel: kernel.13.cloned.1.call-start
scs
__scs_entry_jumppad:
0x0: {  	(pc) =	sbr.rel $0x88, $3  }
0x1: {  	(tag) =	ssettag $0x0;
	lr =	simm.s32 $0x1  }
0x2: {  	[smem:$0x3F94] =	sst lr;
	_ =	strace $0xD0000000  }
0x3: {  	_ = 	snop  }
0x4: {  	_ = 	snop  }
0x5: {  	_ = 	snop  }
0x6: {  	_ = 	snop  }
0x7: {  	_ = 	snop  }
__scs_overlays_trampoline_lowered:
0x8: {  	[smem:$0x3FA3] =	sst s0  }
0x9: {  	[smem:$0x3FA4] =	sst s1  }
0xa: {  	[smem:$0x3FA5] =	sst s2  }
0xb: {  	[smem:$0x3FA6] =	sst s3  }
0xc: {  	[smem:$0x3FA7] =	sst s4  }
0xd: {  	[smem:$0x3FA8] =	sst s5  }
0xe: {  	[smem:$0x3FA9] =	sst s6  }
0xf: {  	[smem:$0x3FAA] =	sst s7  }
0x10: {  	[smem:$0x3FAB] =	sst s8  }
0x11: {  	[smem:$0x3FAC] =	sst s9;
	s0 =	simm.s32 @!p0 $0x0  }
0x12: {  	s1 =	sld [smem:$0x3F92];
	s0 =	simm.s32 @p0 $0x1  }
0x13: {  	[smem:$0x3FAD] =	sst s0;
	s0 =	simm.s32 @!p1 $0x0  }
0x14: {  	s2 =	sld [smem:$0x3F91];
	s0 =	simm.s32 @p1 $0x1  }
0x15: {  	[smem:$0x3FAE] =	sst s0;
	s0 =	simm.s32 @!p2 $0x0  }
0x16: {  	s3 =	sld [smem:$0x3FDB];
	s0 =	simm.s32 @p2 $0x1  }
0x17: {  	s4 =	simm.s32 $0x1BF5;
	[smem:$0x3FB0] =	sst s0  }
0x18: {  	s0 =	sld [smem:$0x3F93];
	_ =	swait.ge [sflag:s4], $0x0  }
0x19: {  	s7 =	sld [smem:$0x3F94]  }
0x1a: {  	s8 =	sadd.s32 $0xFFFFE003, lr  }
0x1b: {  	s9 =	sadd.s32 $0xFFFFFEF7, lr;
	s5 =	simm.s32 $0xFFFFFFFF;
	p2 =	slt.u32 s8, $0xFFFFF086  }
0x1c: {  	p1 =	slt.u32 s9, $0xF7A;
	s5 =	simm.s32 @!p2 $0x0  }
0x1d: {  	s5 =	simm.s32 @p1 $0x1;
	p0 =	seq.s32 s7, s2  }
0x1e: {  	s7 =	smul.u32 @!p0 $0xF7A, s2;
	p2 =	seq.s32 @!p0 s5, $0x0  }
0x1f: {  	s9 =	smul.u32 $0xF7A, s1;
	s8 =	simm.s32 @!p0 $0x1BF5;
	p2 =	por !p2, p0  }
0x20: {  	[sflag:s8] =	ssyncset.s32 @!p0 $0xFFFFF086;
	s6 =	sadd.s32 @!p0 s3, s7;
	s7 =	simm.s32 @!p0 $0x108  }
0x21: {  	s3 =	sadd.s32 s3, s9;
	s6 =	sadd.s32 @!p0 $0x88, s6;
	s7 =	simm.s32 @p2 $0x1082  }
0x22: {  	[simem:s7], [sflag:s8] =	dma.local @!p0 [hbm:s6], $0xF7A  }
0x23: {  	s9 =	sor.u32 $0xD0000000, s2;
	s6 =	simm.s32 $0x108;
	_ =	swait.ge @!p0 [sflag:s8], $0x0  }
0x24: {  	s3 =	sadd.s32 $0x88, s3;
	s6 =	simm.s32 @!p1 $0x1082;
	[sflag:s4] =	ssyncset.s32 $0xFFFFF086  }
0x25: {  	[simem:s6], [sflag:s4] =	dma.local [hbm:s3], $0xF7A  }
0x26: {  	[smem:$0x3F94] =	sst s1;
	(tag) =	ssettag s2;
	_ =	strace s9  }
0x27: {  	s1 =	sld [smem:$0x3FA4]  }
0x28: {  	s2 =	sld [smem:$0x3FA5]  }
0x29: {  	s4 =	sld [smem:$0x3FA7]  }
0x2a: {  	p0 =	seq.s32 s5, $0x0;
	s5 =	sld [smem:$0x3FA8]  }
0x2b: {  	s6 =	sld [smem:$0x3FA9]  }
0x2c: {  	s7 =	sld [smem:$0x3FAA]  }
0x2d: {  	s3 =	simm.s32 $0x108;
	s8 =	sld [smem:$0x3FAB]  }
0x2e: {  	s3 =	simm.s32 @!p0 $0x1082;
	s9 =	sld [smem:$0x3FAC]  }
0x2f: {  	lr =	sadd.s32 s0, s3;
	s0 =	sld [smem:$0x3FA3]  }
0x30: {  	s3 =	sld [smem:$0x3FA6]  }
0x31: {  	[smem:$0x3FAF] =	sst s10  }
0x32: {  	s10 =	sld [smem:$0x3FAD];
	_ =	sdelay $0x3  }
0x33: {  	p0 =	seq.s32 s10, $0x1;
	s10 =	sld [smem:$0x3FAF];
	_ =	sdelay $0x3  }
0x34: {  	[smem:$0x3FAF] =	sst s10  }
0x35: {  	s10 =	sld [smem:$0x3FAE];
	_ =	sdelay $0x3  }
0x36: {  	p1 =	seq.s32 s10, $0x1;
	s10 =	sld [smem:$0x3FAF];
	_ =	sdelay $0x3  }
0x37: {  	[smem:$0x3FAF] =	sst s10  }
0x38: {  	s10 =	sld [smem:$0x3FB0]  }
0x39: {  	_ = 	snop;
	(pc) =	sbr.ind lr, $3  }
0x3a: {  	_ = 	snop  }
0x3b: {  	_ = 	snop  }
0x3c: {  	p2 =	seq.s32 s10, $0x1;
	s10 =	sld [smem:$0x3FAF]  }
0x3d: {  	_ =	shalt  }
0x3e: {  	_ =	shalt  }
0x3f: {  	_ =	shalt  }
0x40: {  	_ =	shalt  }
0x41: {  	_ =	shalt  }
0x42: {  	_ =	shalt  }
0x43: {  	_ =	shalt  }
0x44: {  	_ =	shalt  }
0x45: {  	_ =	shalt  }
0x46: {  	_ =	shalt  }
0x47: {  	_ =	shalt  }
0x48: {  	_ =	shalt  }
0x49: {  	_ =	shalt  }
0x4a: {  	_ =	shalt  }
0x4b: {  	_ =	shalt  }
0x4c: {  	_ =	shalt  }
0x4d: {  	_ =	shalt  }
0x4e: {  	_ =	shalt  }
0x4f: {  	_ =	shalt  }
0x50: {  	_ =	shalt  }
0x51: {  	_ =	shalt  }
0x52: {  	_ =	shalt  }
0x53: {  	_ =	shalt  }
0x54: {  	_ =	shalt  }
0x55: {  	_ =	shalt  }
0x56: {  	_ =	shalt  }
0x57: {  	_ =	shalt  }
0x58: {  	_ =	shalt  }
0x59: {  	_ =	shalt  }
0x5a: {  	_ =	shalt  }
0x5b: {  	_ =	shalt  }
0x5c: {  	_ =	shalt  }
0x5d: {  	_ =	shalt  }
0x5e: {  	_ =	shalt  }
0x5f: {  	_ =	shalt  }
0x60: {  	_ =	shalt  }
0x61: {  	_ =	shalt  }
0x62: {  	_ =	shalt  }
0x63: {  	_ =	shalt  }
0x64: {  	_ =	shalt  }
0x65: {  	_ =	shalt  }
0x66: {  	_ =	shalt  }
0x67: {  	_ =	shalt  }
0x68: {  	_ =	shalt  }
0x69: {  	_ =	shalt  }
0x6a: {  	_ =	shalt  }
0x6b: {  	_ =	shalt  }
0x6c: {  	_ =	shalt  }
0x6d: {  	_ =	shalt  }
0x6e: {  	_ =	shalt  }
0x6f: {  	_ =	shalt  }
0x70: {  	_ =	shalt  }
0x71: {  	_ =	shalt  }
0x72: {  	_ =	shalt  }
0x73: {  	_ =	shalt  }
0x74: {  	_ =	shalt  }
0x75: {  	_ =	shalt  }
0x76: {  	_ =	shalt  }
0x77: {  	_ =	shalt  }
0x78: {  	_ =	shalt  }
0x79: {  	_ =	shalt  }
0x7a: {  	_ =	shalt  }
0x7b: {  	_ =	shalt  }
0x7c: {  	_ =	shalt  }
0x7d: {  	_ =	shalt  }
0x7e: {  	_ =	shalt  }
0x7f: {  	_ =	shalt  }
0x80: {  	_ =	shalt  }
0x81: {  	_ =	shalt  }
0x82: {  	_ =	shalt  }
0x83: {  	_ =	shalt  }
0x84: {  	_ =	shalt  }
0x85: {  	_ =	shalt  }
0x86: {  	_ =	shalt  }
0x87: {  	_ =	shalt  }
.Lfunc_end0:
.L_simem_size_0:
called_computation_lowered:
.L_overlay_start_0:
0x88: {  	s2 =	sld [smem:$0x3FD9]  }
0x89: {  	s3 =	sld [smem:$0x3FFE];
	_ =	sdelay $0x1  }
0x8a: {  	s1 =	srdreg.scid  }
0x8b: {  	s0 =	sand.u32 $0x1, s1  }
0x8c: {  	s16 =	sshll.u32 s0, $0xA;
	s2 =	sadd.s32 s3, s2  }
0x8d: {  	s2 =	sadd.s32 s2, s16  }
0x8e: {  	[smem:$0x3FBB] =	sst s2  }
0x8f: {  	_ = 	snop  }
0x90: {  	(tm) =	ssettm $0x1  }
0x91: {  	s17 =	sld [smem:$0x3FFB];
	_ =	sdelay $0x3  }
0x92: {  	_ =	strace s17  }
0x93: {  	s2 =	sld [smem:$0x3FFC];
	_ =	sdelay $0x3  }
0x94: {  	_ =	strace s2  }
0x95: {  	s2 =	sld [smem:$0x3FFD];
	_ =	sdelay $0x3  }
0x96: {  	_ =	strace s2  }
0x97: {  	_ =	strace $0x8FFFFFFF  }
0x98: {  	s18 =	sld [smem:$0x3FDB];
	_ =	sdelay $0x1  }
0x99: {  	s19 =	simm.s32 $_scs_section_size  }
0x9a: {  	s4 =	simm.s32 $_size__tile_overlayer_lowered;
	s5 =	simm.s32 $_tile_overlayer_lowered  }
0x9b: {  	s22 =	simm.s32 $0x1BFF;
	s21 =	sshll.u32 s5, $0x1;
	s2 =	sadd.s32 s19, s18  }
0x9c: {  	s6 =	simm.s32 $0x0;
	s20 =	sshll.u32 s4, $0x1;
	s4 =	sadd.s32 s21, s2  }
0x9d: {  	[timem:s6], [sflag:s22] =	dma.local [hbm:s4], s20  }
0x9e: {  	_ =	swait.ge [sflag:s22], s20  }
0x9f: {  	s3 =	ssub.s32 $0x0, s20;
	[sflag:s22] =	ssyncset.done $0x0  }
0xa0: {  	[sflag:s22] =	ssyncadd.s32 s3;
	_ =	sdelay $0x1  }
0xa1: {  	s23 =	simm.s32 $0x1B8B  }
0xa2: {  	_ =	swait.ge [sflag:s23], $0x1  }
0xa3: {  	[sflag:s23] =	ssyncset.done $0x0  }
0xa4: {  	s25 =	simm.s32 $0x1B8E;
	s24 =	sld [smem:$0x3FFE];
	[sflag:s23] =	ssyncadd.s32 $0xFFFFFFFF  }
0xa5: {  	s26 =	simm.s32 $execute0_lowered;
	[smem:$0x3FD2] =	sst s25  }
0xa6: {  	s4 =	sshll.u32 s26, $0x1;
	_ =	strace $0x80000046;
	[dreg:$0x1] =	wrdreg $0xFFFFFFFF  }
0xa7: {  	s28 =	simm.s32 $_size_execute0_lowered;
	s2 =	sadd.s32 s2, s4;
	[dreg:$0x0] =	wrdreg $0x0  }
0xa8: {  	s4 =	sshll.u32 s28, $0x1;
	[dreg:$0x2] =	wrdreg s2  }
0xa9: {  	[dreg:$0x3] =	wrdreg s4  }
0xaa: {  	[dreg:$0x4] =	wrdreg $0xC0  }
0xab: {  	_ =	task [dreg:s6], $0x5FFFF  }
0xac: {  	[dreg:$0x1] =	wrdreg $0xFFFFFFFF  }
0xad: {  	[dreg:$0x0] =	wrdreg $0x60  }
0xae: {  	[dreg:$0x2] =	wrdreg s24  }
0xaf: {  	[dreg:$0x3] =	wrdreg $0x9  }
0xb0: {  	_ =	task.clear_ibuf [dreg:s6], $0x4FFFF;
	_ =	strace $0x90000046  }
0xb1: {  	s29 =	simm.s32 $0x9;
	_ =	strace $0x80000048  }
0xb2: {  	_ =	swait.ge [sflag:s29], $0x1  }
0xb3: {  	[sflag:s29] =	ssyncadd.s32 $0xFFFFFFFF  }
0xb4: {  	_ =	strace $0x90000048  }
0xb5: {  	_ =	sfence  }
0xb6: {  	s30 =	sld [smem:$0x0];
	_ =	sdelay $0x2  }
0xb7: {  	s31 =	sshll.u32 s1, $0xD;
	s1 =	sshrl.u32 s1, $0x2  }
0xb8: {  	s3 =	sand.u32 $0x4000, s31;
	s1 =	sadd.s32 s1, s30  }
0xb9: {  	s0 =	sor.u32 s3, s0;
	s1 =	sshll.u32 s1, $0x11  }
0xba: {  	s0 =	sor.u32 s1, s0  }
0xbb: {  	s0 =	sadd.s32 $0x8F2B, s0  }
0xbc: {  	[sflag:s0] =	ssyncadd.remote.s32 $0x1  }
0xbd: {  	_ =	sfence.sel $0xFFFF  }
0xbe: {  	[dreg:$0x0] =	wrdreg $0xFFFFFFFF;
	(pc) =	sbr.abs _section_cstart, $3  }
0xbf: {  	[dreg:$0x1] =	wrdreg $0xFFFFFFFF  }
0xc0: {  	_ =	task.clear_ibuf [dreg:s6], $0x2FFFF;
	_ =	strace $0x9FFFFFFF  }
0xc1: {  	(tm) =	ssettm $0x7FFFFFFF  }
tec
execute0_lowered:
.L_overlay_start_1:
0x0: {  	(tag) =	ssettag $0x1  }
0x1: {  	s1 =	srdreg.scid;
	s0 =	stileid.u32  }
0x2: {  	s4 =	rddreg [dreg:$0x0];
	s3 =	sand.u32 $0x1, s1;
	s30 =	sshll.u32 s0, $0x1  }
0x3: {  	s2 =	simm.s32 $0x0;
	s8 =	simm.s32 $0x0;
	s5 =	sor.u32 s3, s30  }
0x4: {  	s1 =	rddreg [dreg:$0x1];
	s3 =	ssub.s32 $0x2, s3;
	s6 =	smul.u32 $0x271, s5  }
0x5: {  	[smem:$0x7FF] =	sst s2;
	s5 =	smul.u32 $0x4E2, s5;
	s7 =	sshrl.u32 s3, $0x1  }
0x6: {  	_ =	strace $0x80000047;
	s31 =	ssub.s32 s3, s7;
	s7 =	simm.s32 $0x1400  }
0x7: {  	s6 =	sadd.s32 s6, s4;
	s4 =	sadd.s32 s5, s4;
	s5 =	smax.u32 s31, $0x1  }
0x8: {  	v0 =	vimm.f32 $0.0e+00;
	v1 =	vimm.f32 $1.000000000e+00;
	vm0 =	vmmov $0xff;
	s3 =	sadd.s32 $0x7200, s6;
	s4 =	sadd.s32 $0xC200, s4;
	s6 =	simm.s32 $0x1  }
.LBB2_1:
0x9: {  	s9 =	simm.s32 $0x40;
	s10 =	simm.s32 $0x0  }
.LBB2_2:
0xa: {  	p0 =	sne.s32 s9, $0x9C00;
	[tilespmem:s10+$0x1400] =	vst v0;
	s10 =	smov.u32 s9;
	s9 =	sadd.s32 $0x40, s9  }
.Ltmp0:
0xb: {  	(pc) =	sbr.rel @p0 .LBB2_2-.Ltmp0, $2  }
0xc: {  	_ =	sdelay $0x2  }
0xd: {  	s10 =	sshra.s32 s10, $0x2  }
0xe: {  	[tilespmem:s10+$0x1400] =	vst v0;
	s9 =	simm.s32 $0x0  }
0xf: {  	[tilespmem:s9], [sflag:$0x1] =	stream.linear.gather [hbm4b:s3+s9], $0x1388, $0x38;
	[tilespmem:$0x3B80] =	vst v63  }
0x10: {  	_ =	swait.ge [sflag:s6], $0x1388  }
0x11: {  	[sflag:s6] =	ssyncset.done $0x0  }
0x12: {  	s10 =	simm.s32 $0x0;
	s9 =	simm.s32 $0x40;
	[sflag:s6] =	ssyncadd.s32 $0xFFFFEC78  }
.LBB2_4:
0x13: {  	p0 =	sne.s32 s9, $0x4DC0;
	v2 =	vld [tilespmem:s10+$0x0];
	_ =	sdelay $0x3  }
.Ltmp1:
0x14: {  	(pc) =	sbr.rel @p0 .LBB2_4-.Ltmp1, $2  }
0x15: {  	_ =	sdelay $0x2  }
0x16: {  	s10 =	sshra.s32 s9, $0x2;
	s9 =	sadd.s32 $0x40, s9;
	[tilespmem:v2+s7+$0x0] =	vst.idx.add.f32.msk $0xffff, v1  }
0x17: {  	v2 =	vld [tilespmem:s10+$0x0];
	_ =	sdelay $0x7  }
0x18: {  	[tilespmem:v2+s7+$0x0] =	vst.idx.add.f32.msk $0xffff, v1  }
0x19: {  	v2 =	vld [tilespmem:$0x1380];
	_ =	sdelay $0x4  }
0x1a: {  	v2 =	vnsel vm0, $0x0, v2;
	_ =	sdelay $0x2  }
0x1b: {  	s8 =	sadd.s32 $0x1, s8  }
0x1c: {  	p0 =	sne.s32 s8, s5  }
.Ltmp2:
0x1d: {  	[tilespmem:v2+s7+$0x0] =	vst.idx.add.f32.msk $0xff, v1;
	(pc) =	sbr.rel @p0 .LBB2_1-.Ltmp2, $4  }
0x1e: {  	[hbm4b:s4+s2] =	stream.linear.scatter [tilespmem:s7], [sflag:$0x1], $0x2710, $0x38;
	[tilespmem:$0x3B80] =	vst v63  }
0x1f: {  	_ =	swait.ge [sflag:s6], $0x2710  }
0x20: {  	[sflag:s6] =	ssyncset.done $0x0  }
0x21: {  	[sflag:s6] =	ssyncadd.s32 $0xFFFFD8F0  }
0x22: {  	_ =	sfence.sel $0x180000  }
0x23: {  	[bflag:$0x0] =	sbarrier.arrive $0xFFFF  }
0x24: {  	p0 =	sne.s32 s0, $0x0;
	_ =	strace $0x90000047  }
0x25: {  	s0 =	sadd.s32 @!p0 $0x100000, s1;
	[bflag:$0x2] =	sbarrier.arrive $0xFFFF  }
0x26: {  	[sflag:s0] =	ssyncadd.tile.s32 @!p0 $0x1;
	_ =	shalt  }
.Lfunc_end2:
_tile_overlayer_lowered:
.L_overlay_start_2:
0x27: {  	(tag) =	ssettag $0x2  }
0x28: {  	s0 =	rddreg [dreg:$0x0];
	s2 =	stileid.u32  }
0x29: {  	s1 =	rddreg [dreg:$0x1];
	p0 =	sne.s32 s2, $0x0  }
0x2a: {  	s3 =	rddreg [dreg:$0x2];
	[bflag:$0x3] =	sbarrier.arrive $0xFFFF;
	s2 =	simm.s32 @!p0 $0x1C01  }
0x2b: {  	[timem:s3], [sflag:s2] =	dma.local @!p0 [hbm:s0], s1  }
0x2c: {  	s0 =	simm.s32 @!p0 $0x1  }
0x2d: {  	_ =	swait.ge @!p0 [sflag:s0], s1  }
0x2e: {  	s1 =	ssub.s32 @!p0 $0x0, s1;
	[sflag:s0] =	ssyncset.done @!p0 $0x0  }
0x2f: {  	[sflag:s0] =	ssyncadd.s32 @!p0 s1  }
0x30: {  	[bflag:$0x3] =	sbarrier.arrive $0xFFFF  }
0x31: {  	_ =	shalt  }

// kernel: kernel.16.cloned.1.call-start
scs
__scs_entry_jumppad:
0x0: {  	(pc) =	sbr.rel $0x88, $3  }
0x1: {  	(tag) =	ssettag $0x0;
	lr =	simm.s32 $0x1  }
0x2: {  	[smem:$0x3F94] =	sst lr;
	_ =	strace $0xD0000000  }
0x3: {  	_ = 	snop  }
0x4: {  	_ = 	snop  }
0x5: {  	_ = 	snop  }
0x6: {  	_ = 	snop  }
0x7: {  	_ = 	snop  }
__scs_overlays_trampoline_lowered:
0x8: {  	[smem:$0x3FA3] =	sst s0  }
0x9: {  	[smem:$0x3FA4] =	sst s1  }
0xa: {  	[smem:$0x3FA5] =	sst s2  }
0xb: {  	[smem:$0x3FA6] =	sst s3  }
0xc: {  	[smem:$0x3FA7] =	sst s4  }
0xd: {  	[smem:$0x3FA8] =	sst s5  }
0xe: {  	[smem:$0x3FA9] =	sst s6  }
0xf: {  	[smem:$0x3FAA] =	sst s7  }
0x10: {  	[smem:$0x3FAB] =	sst s8  }
0x11: {  	[smem:$0x3FAC] =	sst s9;
	s0 =	simm.s32 @!p0 $0x0  }
0x12: {  	s1 =	sld [smem:$0x3F92];
	s0 =	simm.s32 @p0 $0x1  }
0x13: {  	[smem:$0x3FAD] =	sst s0;
	s0 =	simm.s32 @!p1 $0x0  }
0x14: {  	s2 =	sld [smem:$0x3F91];
	s0 =	simm.s32 @p1 $0x1  }
0x15: {  	[smem:$0x3FAE] =	sst s0;
	s0 =	simm.s32 @!p2 $0x0  }
0x16: {  	s3 =	sld [smem:$0x3FDB];
	s0 =	simm.s32 @p2 $0x1  }
0x17: {  	s4 =	simm.s32 $0x1BF5;
	[smem:$0x3FB0] =	sst s0  }
0x18: {  	s0 =	sld [smem:$0x3F93];
	_ =	swait.ge [sflag:s4], $0x0  }
0x19: {  	s7 =	sld [smem:$0x3F94]  }
0x1a: {  	s8 =	sadd.s32 $0xFFFFE003, lr  }
0x1b: {  	s9 =	sadd.s32 $0xFFFFFEF7, lr;
	s5 =	simm.s32 $0xFFFFFFFF;
	p2 =	slt.u32 s8, $0xFFFFF086  }
0x1c: {  	p1 =	slt.u32 s9, $0xF7A;
	s5 =	simm.s32 @!p2 $0x0  }
0x1d: {  	s5 =	simm.s32 @p1 $0x1;
	p0 =	seq.s32 s7, s2  }
0x1e: {  	s7 =	smul.u32 @!p0 $0xF7A, s2;
	p2 =	seq.s32 @!p0 s5, $0x0  }
0x1f: {  	s9 =	smul.u32 $0xF7A, s1;
	s8 =	simm.s32 @!p0 $0x1BF5;
	p2 =	por !p2, p0  }
0x20: {  	[sflag:s8] =	ssyncset.s32 @!p0 $0xFFFFF086;
	s6 =	sadd.s32 @!p0 s3, s7;
	s7 =	simm.s32 @!p0 $0x108  }
0x21: {  	s3 =	sadd.s32 s3, s9;
	s6 =	sadd.s32 @!p0 $0x88, s6;
	s7 =	simm.s32 @p2 $0x1082  }
0x22: {  	[simem:s7], [sflag:s8] =	dma.local @!p0 [hbm:s6], $0xF7A  }
0x23: {  	s9 =	sor.u32 $0xD0000000, s2;
	s6 =	simm.s32 $0x108;
	_ =	swait.ge @!p0 [sflag:s8], $0x0  }
0x24: {  	s3 =	sadd.s32 $0x88, s3;
	s6 =	simm.s32 @!p1 $0x1082;
	[sflag:s4] =	ssyncset.s32 $0xFFFFF086  }
0x25: {  	[simem:s6], [sflag:s4] =	dma.local [hbm:s3], $0xF7A  }
0x26: {  	[smem:$0x3F94] =	sst s1;
	(tag) =	ssettag s2;
	_ =	strace s9  }
0x27: {  	s1 =	sld [smem:$0x3FA4]  }
0x28: {  	s2 =	sld [smem:$0x3FA5]  }
0x29: {  	s4 =	sld [smem:$0x3FA7]  }
0x2a: {  	p0 =	seq.s32 s5, $0x0;
	s5 =	sld [smem:$0x3FA8]  }
0x2b: {  	s6 =	sld [smem:$0x3FA9]  }
0x2c: {  	s7 =	sld [smem:$0x3FAA]  }
0x2d: {  	s3 =	simm.s32 $0x108;
	s8 =	sld [smem:$0x3FAB]  }
0x2e: {  	s3 =	simm.s32 @!p0 $0x1082;
	s9 =	sld [smem:$0x3FAC]  }
0x2f: {  	lr =	sadd.s32 s0, s3;
	s0 =	sld [smem:$0x3FA3]  }
0x30: {  	s3 =	sld [smem:$0x3FA6]  }
0x31: {  	[smem:$0x3FAF] =	sst s10  }
0x32: {  	s10 =	sld [smem:$0x3FAD];
	_ =	sdelay $0x3  }
0x33: {  	p0 =	seq.s32 s10, $0x1;
	s10 =	sld [smem:$0x3FAF];
	_ =	sdelay $0x3  }
0x34: {  	[smem:$0x3FAF] =	sst s10  }
0x35: {  	s10 =	sld [smem:$0x3FAE];
	_ =	sdelay $0x3  }
0x36: {  	p1 =	seq.s32 s10, $0x1;
	s10 =	sld [smem:$0x3FAF];
	_ =	sdelay $0x3  }
0x37: {  	[smem:$0x3FAF] =	sst s10  }
0x38: {  	s10 =	sld [smem:$0x3FB0]  }
0x39: {  	_ = 	snop;
	(pc) =	sbr.ind lr, $3  }
0x3a: {  	_ = 	snop  }
0x3b: {  	_ = 	snop  }
0x3c: {  	p2 =	seq.s32 s10, $0x1;
	s10 =	sld [smem:$0x3FAF]  }
0x3d: {  	_ =	shalt  }
0x3e: {  	_ =	shalt  }
0x3f: {  	_ =	shalt  }
0x40: {  	_ =	shalt  }
0x41: {  	_ =	shalt  }
0x42: {  	_ =	shalt  }
0x43: {  	_ =	shalt  }
0x44: {  	_ =	shalt  }
0x45: {  	_ =	shalt  }
0x46: {  	_ =	shalt  }
0x47: {  	_ =	shalt  }
0x48: {  	_ =	shalt  }
0x49: {  	_ =	shalt  }
0x4a: {  	_ =	shalt  }
0x4b: {  	_ =	shalt  }
0x4c: {  	_ =	shalt  }
0x4d: {  	_ =	shalt  }
0x4e: {  	_ =	shalt  }
0x4f: {  	_ =	shalt  }
0x50: {  	_ =	shalt  }
0x51: {  	_ =	shalt  }
0x52: {  	_ =	shalt  }
0x53: {  	_ =	shalt  }
0x54: {  	_ =	shalt  }
0x55: {  	_ =	shalt  }
0x56: {  	_ =	shalt  }
0x57: {  	_ =	shalt  }
0x58: {  	_ =	shalt  }
0x59: {  	_ =	shalt  }
0x5a: {  	_ =	shalt  }
0x5b: {  	_ =	shalt  }
0x5c: {  	_ =	shalt  }
0x5d: {  	_ =	shalt  }
0x5e: {  	_ =	shalt  }
0x5f: {  	_ =	shalt  }
0x60: {  	_ =	shalt  }
0x61: {  	_ =	shalt  }
0x62: {  	_ =	shalt  }
0x63: {  	_ =	shalt  }
0x64: {  	_ =	shalt  }
0x65: {  	_ =	shalt  }
0x66: {  	_ =	shalt  }
0x67: {  	_ =	shalt  }
0x68: {  	_ =	shalt  }
0x69: {  	_ =	shalt  }
0x6a: {  	_ =	shalt  }
0x6b: {  	_ =	shalt  }
0x6c: {  	_ =	shalt  }
0x6d: {  	_ =	shalt  }
0x6e: {  	_ =	shalt  }
0x6f: {  	_ =	shalt  }
0x70: {  	_ =	shalt  }
0x71: {  	_ =	shalt  }
0x72: {  	_ =	shalt  }
0x73: {  	_ =	shalt  }
0x74: {  	_ =	shalt  }
0x75: {  	_ =	shalt  }
0x76: {  	_ =	shalt  }
0x77: {  	_ =	shalt  }
0x78: {  	_ =	shalt  }
0x79: {  	_ =	shalt  }
0x7a: {  	_ =	shalt  }
0x7b: {  	_ =	shalt  }
0x7c: {  	_ =	shalt  }
0x7d: {  	_ =	shalt  }
0x7e: {  	_ =	shalt  }
0x7f: {  	_ =	shalt  }
0x80: {  	_ =	shalt  }
0x81: {  	_ =	shalt  }
0x82: {  	_ =	shalt  }
0x83: {  	_ =	shalt  }
0x84: {  	_ =	shalt  }
0x85: {  	_ =	shalt  }
0x86: {  	_ =	shalt  }
0x87: {  	_ =	shalt  }
.Lfunc_end0:
.L_simem_size_0:
called_computation.1_lowered:
.L_overlay_start_0:
0x88: {  	s2 =	sld [smem:$0x3FD9]  }
0x89: {  	s3 =	sld [smem:$0x3FFE];
	_ =	sdelay $0x1  }
0x8a: {  	s1 =	srdreg.scid  }
0x8b: {  	s0 =	sand.u32 $0x1, s1  }
0x8c: {  	s17 =	sshll.u32 s0, $0xA;
	s2 =	sadd.s32 s3, s2  }
0x8d: {  	s2 =	sadd.s32 s2, s17  }
0x8e: {  	[smem:$0x3FBB] =	sst s2  }
0x8f: {  	_ = 	snop  }
0x90: {  	s2 =	sld [smem:$0x3FD0];
	(tm) =	ssettm $0x1  }
0x91: {  	s18 =	sld [smem:$0x3FFB];
	_ =	sdelay $0x3  }
0x92: {  	_ =	strace s18  }
0x93: {  	s3 =	sld [smem:$0x3FFC];
	_ =	sdelay $0x3  }
0x94: {  	_ =	strace s3  }
0x95: {  	s3 =	sld [smem:$0x3FFD];
	_ =	sdelay $0x3  }
0x96: {  	_ =	strace s3  }
0x97: {  	_ =	strace $0x8FFFFFFF  }
0x98: {  	s19 =	sld [smem:$0x3FDB];
	_ =	sdelay $0x1  }
0x99: {  	s4 =	simm.s32 $_scs_section_size  }
0x9a: {  	s5 =	simm.s32 $_size__tile_overlayer_lowered;
	s6 =	simm.s32 $_tile_overlayer_lowered  }
0x9b: {  	s22 =	simm.s32 $0x1BFF;
	s21 =	sshll.u32 s6, $0x1;
	s3 =	sadd.s32 s4, s19  }
0x9c: {  	s7 =	simm.s32 $0x0;
	s20 =	sshll.u32 s5, $0x1;
	s5 =	sadd.s32 s21, s3  }
0x9d: {  	[timem:s7], [sflag:s22] =	dma.local [hbm:s5], s20  }
0x9e: {  	_ =	swait.ge [sflag:s22], s20  }
0x9f: {  	s4 =	ssub.s32 $0x0, s20;
	[sflag:s22] =	ssyncset.done $0x0  }
0xa0: {  	[sflag:s22] =	ssyncadd.s32 s4;
	_ =	sdelay $0x1  }
0xa1: {  	s23 =	simm.s32 $0x1B8B  }
0xa2: {  	_ =	swait.ge [sflag:s23], $0x1  }
0xa3: {  	[sflag:s23] =	ssyncset.done $0x0  }
0xa4: {  	s25 =	simm.s32 $0x1B8E;
	s24 =	sld [smem:$0x3FFE];
	[sflag:s23] =	ssyncadd.s32 $0xFFFFFFFF  }
0xa5: {  	s26 =	simm.s32 $execute0_lowered;
	[smem:$0x3FD2] =	sst s25  }
0xa6: {  	s5 =	sshll.u32 s26, $0x1;
	_ =	strace $0x80000049;
	[dreg:$0x1] =	wrdreg $0xFFFFFFFF  }
0xa7: {  	s28 =	simm.s32 $_size_execute0_lowered;
	s3 =	sadd.s32 s3, s5;
	[dreg:$0x0] =	wrdreg $0x0  }
0xa8: {  	s5 =	sshll.u32 s28, $0x1;
	[dreg:$0x2] =	wrdreg s3  }
0xa9: {  	[dreg:$0x3] =	wrdreg s5  }
0xaa: {  	[dreg:$0x4] =	wrdreg $0xC0  }
0xab: {  	_ =	task [dreg:s7], $0x5FFFF  }
0xac: {  	[dreg:$0x1] =	wrdreg $0xFFFFFFFF  }
0xad: {  	[dreg:$0x0] =	wrdreg $0x60  }
0xae: {  	[dreg:$0x2] =	wrdreg s24  }
0xaf: {  	[dreg:$0x3] =	wrdreg s2  }
0xb0: {  	[dreg:$0x4] =	wrdreg $0xB7800  }
0xb1: {  	[dreg:$0x5] =	wrdreg $0x9  }
0xb2: {  	_ =	task.clear_ibuf [dreg:s7], $0x6FFFF;
	_ =	strace $0x90000049  }
0xb3: {  	s29 =	simm.s32 $0x9;
	_ =	strace $0x8000004B  }
0xb4: {  	_ =	swait.ge [sflag:s29], $0x1  }
0xb5: {  	[sflag:s29] =	ssyncadd.s32 $0xFFFFFFFF  }
0xb6: {  	_ =	strace $0x9000004B  }
0xb7: {  	_ =	sfence  }
0xb8: {  	s30 =	sld [smem:$0x0];
	_ =	sdelay $0x2  }
0xb9: {  	s31 =	sshll.u32 s1, $0xD;
	s1 =	sshrl.u32 s1, $0x2  }
0xba: {  	s3 =	sand.u32 $0x4000, s31;
	s1 =	sadd.s32 s1, s30  }
0xbb: {  	s0 =	sor.u32 s3, s0;
	s1 =	sshll.u32 s1, $0x11  }
0xbc: {  	s0 =	sor.u32 s1, s0  }
0xbd: {  	s0 =	sadd.s32 $0x8F2B, s0  }
0xbe: {  	[sflag:s0] =	ssyncadd.remote.s32 $0x1  }
0xbf: {  	_ =	sfence.sel $0xFFFF  }
0xc0: {  	[dreg:$0x0] =	wrdreg $0xFFFFFFFF;
	(pc) =	sbr.abs _section_cstart, $3  }
0xc1: {  	[dreg:$0x1] =	wrdreg $0xFFFFFFFF  }
0xc2: {  	_ =	task.clear_ibuf [dreg:s7], $0x2FFFF;
	_ =	strace $0x9FFFFFFF  }
0xc3: {  	(tm) =	ssettm $0x7FFFFFFF  }
tec
execute0_lowered:
.L_overlay_start_1:
0x0: {  	(tag) =	ssettag $0x1  }
0x1: {  	s6 =	rddreg [dreg:$0x0]  }
0x2: {  	s2 =	rddreg [dreg:$0x1]  }
0x3: {  	s3 =	rddreg [dreg:$0x2]  }
0x4: {  	s0 =	rddreg [dreg:$0x3]  }
0x5: {  	s4 =	simm.s32 $0x0;
	s1 =	stileid.u32;
	s9 =	srdreg.scid  }
0x6: {  	s16 =	simm.s32 $0x50;
	s17 =	simm.s32 $0x6780;
	s18 =	simm.s32 $0x8F80  }
0x7: {  	s19 =	simm.s32 $0x1;
	s21 =	simm.s32 $0x6580;
	s22 =	simm.s32 $0x0  }
0x8: {  	[smem:$0x7FF] =	sst s4;
	s7 =	smul.u32 $0x4E2, s1;
	s5 =	sadd.s32 $0x1E000, s6  }
0x9: {  	s8 =	sshll.u32 s1, $0xB;
	s9 =	sand.u32 $0x1, s9;
	s10 =	smul.u32 $0x50000, s1  }
0xa: {  	s11 =	sadd.s32 $0x6C200, s6;
	s13 =	smul.u32 $0x280, s1;
	s15 =	sadd.s32 $0x12C000, s3  }
0xb: {  	p0 =	seq.s32 s1, $0xF;
	_ =	strace $0x8000004A;
	s20 =	smul.u32 $0x2710, s9  }
0xc: {  	s8 =	sadd.s32 s8, s6;
	s29 =	ssub.s32 $0x2, s9;
	s9 =	smul.u32 $0x138800, s9  }
0xd: {  	s7 =	sadd.s32 s7, s6;
	s12 =	sshrl.u32 s29, $0x1;
	s10 =	sshrl.u32 s10, $0x2  }
0xe: {  	s12 =	ssub.s32 s29, s12;
	s14 =	sadd.s32 s10, s3;
	s6 =	sadd.s32 $0x2200, s7  }
0xf: {  	s30 =	sadd.s32 s13, s20;
	s7 =	sadd.s32 $0x16000, s8;
	s9 =	sshrl.u32 s9, $0x3  }
0x10: {  	v0 =	vmov s20;
	s20 =	simm.s32 $0x2;
	s31 =	sshll.u32 s30, $0x4;
	s9 =	sadd.s32 s11, s9  }
0x11: {  	s10 =	smax.u32 s12, $0x1;
	s12 =	sshll.u32 @!p0 s1, $0x6;
	s13 =	sshrl.u32 @!p0 s14, $0x3  }
0x12: {  	s14 =	simm.s32 $0x3;
	s8 =	sadd.s32 s11, s31;
	s9 =	sadd.s32 $0x25800, s9  }
0x13: {  	s11 =	sshrl.u32 @p0 s15, $0x3;
	s12 =	sor.u32 @!p0 $0x1C03, s12;
	s15 =	simm.s32 $0x2780  }
.LBB2_1:
0x14: {  	s23 =	simm.s32 @p0 $0x1FC3  }
0x15: {  	[spmem:s11], [sflag:s23] =	dma.local @p0 [hbm:s2], $0x1900  }
0x16: {  	s23 =	simm.s32 @p0 $0x3  }
0x17: {  	_ =	swait.ge @p0 [sflag:s23], $0x1900  }
0x18: {  	[sflag:s23] =	ssyncset.done @p0 $0x0  }
0x19: {  	[sflag:s23] =	ssyncadd.s32 @p0 $0xFFFFE700;
	s23 =	simm.s32 @!p0 $0x3  }
0x1a: {  	[spmem:s13], [sflag:s12] =	dma.local @!p0 [hbm:s2], $0x2800  }
0x1b: {  	_ =	swait.ge @!p0 [sflag:s23], $0x2800  }
0x1c: {  	[sflag:s23] =	ssyncset.done @!p0 $0x0  }
0x1d: {  	[sflag:s23] =	ssyncadd.s32 @!p0 $0xFFFFD800  }
0x1e: {  	[tilespmem:s4], [sflag:$0x3] =	stream.linear.gather [hbm4b:s6+s4], $0x2710, $0x38;
	[tilespmem:$0x1F000] =	vst v63  }
0x1f: {  	_ =	swait.ge [sflag:s14], $0x2710  }
0x20: {  	[sflag:s14] =	ssyncset.done $0x0  }
0x21: {  	[sflag:s14] =	ssyncadd.s32 $0xFFFFD8F0  }
0x22: {  	[tilespmem:s15], [sflag:$0x3] =	stream.linear.gather [hbm4b:s7+s4], $0x3E80, $0x38;
	[tilespmem:$0x1F000] =	vst v63  }
0x23: {  	_ =	swait.ge [sflag:s14], $0x3E80  }
0x24: {  	[sflag:s14] =	ssyncset.done $0x0  }
0x25: {  	s24 =	simm.s32 $0x40;
	s23 =	simm.s32 $0x0;
	[sflag:s14] =	ssyncadd.s32 $0xFFFFC180  }
.LBB2_2:
0x26: {  	p1 =	sne.s32 s24, $0x9C00;
	v1 =	vld [tilespmem:s23+$0x0];
	_ =	sdelay $0x1  }
.Ltmp0:
0x27: {  	(pc) =	sbr.rel @p1 .LBB2_2-.Ltmp0, $3  }
0x28: {  	_ =	sdelay $0x1  }
0x29: {  	v1 =	vadd.s32 v0, v1  }
0x2a: {  	[tilespmem:s23+$0x0] =	vst v1;
	s23 =	sshra.s32 s24, $0x2;
	s24 =	sadd.s32 $0x40, s24  }
0x2b: {  	v1 =	vld [tilespmem:s23+$0x0];
	_ =	sdelay $0x4  }
0x2c: {  	v1 =	vadd.s32 v0, v1  }
0x2d: {  	[tilespmem:s23+$0x0] =	vst v1  }
0x2e: {  	s26 =	simm.s32 $0x0;
	[bflag:$0x0] =	sbarrier.arrive $0xFFFF  }
0x2f: {  	[tilespmem:s17], [sflag:$0x1] =	stream.indirect.gather [hbm4b:s5+s16], $0x80, s26, s16, $0xb8;
	[tilespmem:$0x1F000] =	vst v63  }
0x30: {  	s28 =	simm.s32 $0x50  }
0x31: {  	[tilespmem:s18], [sflag:$0x2] =	stream.indirect.gather [hbm4b:s5+s16], $0x80, s28, s16, $0xb8;
	[tilespmem:$0x1F000] =	vst v63  }
0x32: {  	_ =	swait.ge [sflag:s19], $0x2800  }
0x33: {  	[sflag:s19] =	ssyncset.done $0x0  }
0x34: {  	s29 =	simm.s32 $0x2780;
	[sflag:s19] =	ssyncadd.s32 $0xFFFFD800  }
0x35: {  	[spmem:s3] =	stream.indirect.scatter.add.f32 [tilespmem:s17], [sflag:$0x3], $0x80, s29, s16, $0xb8;
	[tilespmem:$0x1F000] =	vst v63  }
0x36: {  	_ =	swait.ge [sflag:s14], $0x2800  }
0x37: {  	[sflag:s14] =	ssyncset.done $0x0  }
0x38: {  	s30 =	simm.s32 $0xA0;
	[sflag:s14] =	ssyncadd.s32 $0xFFFFD800  }
0x39: {  	[tilespmem:s17], [sflag:$0x1] =	stream.indirect.gather [hbm4b:s5+s16], $0x80, s30, s16, $0xb8;
	[tilespmem:$0x1F000] =	vst v63  }
0x3a: {  	_ =	swait.ge [sflag:s20], $0x2800  }
0x3b: {  	[sflag:s20] =	ssyncset.done $0x0  }
0x3c: {  	s31 =	simm.s32 $0x2800;
	[sflag:s20] =	ssyncadd.s32 $0xFFFFD800  }
0x3d: {  	[spmem:s3] =	stream.indirect.scatter.add.f32 [tilespmem:s18], [sflag:$0x3], $0x80, s31, s16, $0xb8;
	[tilespmem:$0x1F000] =	vst v63  }
0x3e: {  	s24 =	simm.s32 $0x400;
	_ =	swait.ge [sflag:s14], $0x2800  }
0x3f: {  	s25 =	simm.s32 $0x800;
	s23 =	simm.s32 $0x140;
	[sflag:s14] =	ssyncset.done $0x0  }
.LBB2_4:
0x40: {  	p1 =	sne.s32 s25, $0xF400;
	s26 =	sadd.s32 $0xFFFFFFB0, s23;
	[sflag:s14] =	ssyncadd.s32 $0xFFFFD800  }
0x41: {  	[tilespmem:s18], [sflag:$0x2] =	stream.indirect.gather [hbm4b:s5+s16], $0x80, s26, s16, $0xb8;
	[tilespmem:$0x1F000] =	vst v63  }
0x42: {  	s26 =	smov.u32 s25;
	s25 =	sadd.s32 $0x400, s25;
	_ =	swait.ge [sflag:s19], $0x2800  }
0x43: {  	s28 =	sshra.s32 s24, $0x2;
	s24 =	smov.u32 s26;
	[sflag:s19] =	ssyncset.done $0x0  }
0x44: {  	s26 =	sadd.s32 $0x2780, s28;
	[sflag:s19] =	ssyncadd.s32 $0xFFFFD800  }
0x45: {  	[spmem:s3] =	stream.indirect.scatter.add.f32 [tilespmem:s17], [sflag:$0x3], $0x80, s26, s16, $0xb8;
	[tilespmem:$0x1F000] =	vst v63  }
0x46: {  	_ =	swait.ge [sflag:s14], $0x2800  }
0x47: {  	[sflag:s14] =	ssyncset.done $0x0  }
0x48: {  	[sflag:s14] =	ssyncadd.s32 $0xFFFFD800  }
0x49: {  	[tilespmem:s17], [sflag:$0x1] =	stream.indirect.gather [hbm4b:s5+s16], $0x80, s23, s16, $0xb8;
	[tilespmem:$0x1F000] =	vst v63  }
0x4a: {  	_ =	swait.ge [sflag:s20], $0x2800  }
.Ltmp1:
0x4b: {  	[sflag:s20] =	ssyncset.done $0x0;
	(pc) =	sbr.rel @p1 .LBB2_4-.Ltmp1, $4  }
0x4c: {  	s26 =	sadd.s32 $0x2800, s28;
	[sflag:s20] =	ssyncadd.s32 $0xFFFFD800  }
0x4d: {  	[spmem:s3] =	stream.indirect.scatter.add.f32 [tilespmem:s18], [sflag:$0x3], $0x80, s26, s16, $0xb8;
	[tilespmem:$0x1F000] =	vst v63  }
0x4e: {  	_ =	swait.ge [sflag:s14], $0x2800  }
0x4f: {  	s23 =	sadd.s32 $0xA0, s23;
	[sflag:s14] =	ssyncset.done $0x0  }
0x50: {  	s25 =	sadd.s32 $0xFFFFFFB0, s23;
	[sflag:s14] =	ssyncadd.s32 $0xFFFFD800  }
0x51: {  	[tilespmem:s18], [sflag:$0x2] =	stream.indirect.gather [hbm4b:s5+s16], $0x80, s25, s16, $0xb8;
	[tilespmem:$0x1F000] =	vst v63  }
0x52: {  	_ =	swait.ge [sflag:s19], $0x2800  }
0x53: {  	s24 =	sshra.s32 s24, $0x2;
	[sflag:s19] =	ssyncset.done $0x0  }
0x54: {  	s30 =	sadd.s32 $0x2780, s24;
	[sflag:s19] =	ssyncadd.s32 $0xFFFFD800  }
0x55: {  	[spmem:s3] =	stream.indirect.scatter.add.f32 [tilespmem:s17], [sflag:$0x3], $0x80, s30, s16, $0xb8;
	[tilespmem:$0x1F000] =	vst v63  }
0x56: {  	_ =	swait.ge [sflag:s14], $0x2800  }
0x57: {  	[sflag:s14] =	ssyncset.done $0x0  }
0x58: {  	[sflag:s14] =	ssyncadd.s32 $0xFFFFD800  }
0x59: {  	[tilespmem:s17], [sflag:$0x1] =	stream.indirect.gather [hbm4b:s5+s16], $0x80, s23, s16, $0xb8;
	[tilespmem:$0x1F000] =	vst v63  }
0x5a: {  	_ =	swait.ge [sflag:s20], $0x2800  }
0x5b: {  	[sflag:s20] =	ssyncset.done $0x0  }
0x5c: {  	s31 =	sadd.s32 $0x2800, s24;
	[sflag:s20] =	ssyncadd.s32 $0xFFFFD800  }
0x5d: {  	[spmem:s3] =	stream.indirect.scatter.add.f32 [tilespmem:s18], [sflag:$0x3], $0x80, s31, s16, $0xb8;
	[tilespmem:$0x1F000] =	vst v63  }
0x5e: {  	_ =	swait.ge [sflag:s14], $0x2800  }
0x5f: {  	[sflag:s14] =	ssyncset.done $0x0  }
0x60: {  	[sflag:s14] =	ssyncadd.s32 $0xFFFFD800  }
0x61: {  	_ =	swait.ge [sflag:s19], $0x2800  }
0x62: {  	[sflag:s19] =	ssyncset.done $0x0  }
0x63: {  	[sflag:s19] =	ssyncadd.s32 $0xFFFFD800  }
0x64: {  	[spmem:s3] =	stream.indirect.scatter.add.f32 [tilespmem:s17], [sflag:$0x3], $0x80, s21, s16, $0xb8;
	[tilespmem:$0x1F000] =	vst v63  }
0x65: {  	_ =	swait.ge [sflag:s14], $0x2800  }
0x66: {  	[sflag:s14] =	ssyncset.done $0x0  }
0x67: {  	[sflag:s14] =	ssyncadd.s32 $0xFFFFD800  }
0x68: {  	s23 =	simm.s32 @p0 $0x1FC3;
	[bflag:$0x0] =	sbarrier.arrive $0xFFFF  }
0x69: {  	[hbm:s9], [sflag:s23] =	dma.local @p0 [spmem:s11], $0x1900  }
0x6a: {  	s23 =	simm.s32 @p0 $0x3  }
0x6b: {  	s22 =	sadd.s32 $0x1, s22;
	_ =	swait.ge @p0 [sflag:s23], $0x1900  }
0x6c: {  	p1 =	sne.s32 s22, s10;
	[sflag:s23] =	ssyncset.done @p0 $0x0  }
.Ltmp2:
0x6d: {  	[sflag:s23] =	ssyncadd.s32 @p0 $0xFFFFE700;
	s23 =	simm.s32 @!p0 $0x3;
	(pc) =	sbr.rel @p1 .LBB2_1-.Ltmp2, $4  }
0x6e: {  	[hbm:s8], [sflag:s12] =	dma.local @!p0 [spmem:s13], $0x2800  }
0x6f: {  	_ =	swait.ge @!p0 [sflag:s23], $0x2800  }
0x70: {  	[sflag:s23] =	ssyncset.done @!p0 $0x0  }
0x71: {  	[sflag:s23] =	ssyncadd.s32 @!p0 $0xFFFFD800  }
0x72: {  	_ =	sfence.sel $0x180000  }
0x73: {  	[bflag:$0x0] =	sbarrier.arrive $0xFFFF  }
0x74: {  	p0 =	sne.s32 s1, $0x0;
	_ =	strace $0x9000004A  }
0x75: {  	s0 =	sadd.s32 @!p0 $0x100000, s0;
	[bflag:$0x2] =	sbarrier.arrive $0xFFFF  }
0x76: {  	[sflag:s0] =	ssyncadd.tile.s32 @!p0 $0x1;
	_ =	shalt  }
.Lfunc_end2:
_tile_overlayer_lowered:
.L_overlay_start_2:
0x77: {  	(tag) =	ssettag $0x2  }
0x78: {  	s0 =	rddreg [dreg:$0x0];
	s2 =	stileid.u32  }
0x79: {  	s1 =	rddreg [dreg:$0x1];
	p0 =	sne.s32 s2, $0x0  }
0x7a: {  	s3 =	rddreg [dreg:$0x2];
	[bflag:$0x3] =	sbarrier.arrive $0xFFFF;
	s2 =	simm.s32 @!p0 $0x1C03  }
0x7b: {  	[timem:s3], [sflag:s2] =	dma.local @!p0 [hbm:s0], s1  }
0x7c: {  	s0 =	simm.s32 @!p0 $0x3  }
0x7d: {  	_ =	swait.ge @!p0 [sflag:s0], s1  }
0x7e: {  	s1 =	ssub.s32 @!p0 $0x0, s1;
	[sflag:s0] =	ssyncset.done @!p0 $0x0  }
0x7f: {  	[sflag:s0] =	ssyncadd.s32 @!p0 s1  }
0x80: {  	[bflag:$0x3] =	sbarrier.arrive $0xFFFF  }
0x81: {  	_ =	shalt  }

// kernel: kernel.19.cloned.1.call-start
scs
__scs_entry_jumppad:
0x0: {  	(pc) =	sbr.rel $0x88, $3  }
0x1: {  	(tag) =	ssettag $0x0;
	lr =	simm.s32 $0x1  }
0x2: {  	[smem:$0x3F94] =	sst lr;
	_ =	strace $0xD0000000  }
0x3: {  	_ = 	snop  }
0x4: {  	_ = 	snop  }
0x5: {  	_ = 	snop  }
0x6: {  	_ = 	snop  }
0x7: {  	_ = 	snop  }
__scs_overlays_trampoline_lowered:
0x8: {  	[smem:$0x3FA3] =	sst s0  }
0x9: {  	[smem:$0x3FA4] =	sst s1  }
0xa: {  	[smem:$0x3FA5] =	sst s2  }
0xb: {  	[smem:$0x3FA6] =	sst s3  }
0xc: {  	[smem:$0x3FA7] =	sst s4  }
0xd: {  	[smem:$0x3FA8] =	sst s5  }
0xe: {  	[smem:$0x3FA9] =	sst s6  }
0xf: {  	[smem:$0x3FAA] =	sst s7  }
0x10: {  	[smem:$0x3FAB] =	sst s8  }
0x11: {  	[smem:$0x3FAC] =	sst s9;
	s0 =	simm.s32 @!p0 $0x0  }
0x12: {  	s1 =	sld [smem:$0x3F92];
	s0 =	simm.s32 @p0 $0x1  }
0x13: {  	[smem:$0x3FAD] =	sst s0;
	s0 =	simm.s32 @!p1 $0x0  }
0x14: {  	s2 =	sld [smem:$0x3F91];
	s0 =	simm.s32 @p1 $0x1  }
0x15: {  	[smem:$0x3FAE] =	sst s0;
	s0 =	simm.s32 @!p2 $0x0  }
0x16: {  	s3 =	sld [smem:$0x3FDB];
	s0 =	simm.s32 @p2 $0x1  }
0x17: {  	s4 =	simm.s32 $0x1BF5;
	[smem:$0x3FB0] =	sst s0  }
0x18: {  	s0 =	sld [smem:$0x3F93];
	_ =	swait.ge [sflag:s4], $0x0  }
0x19: {  	s7 =	sld [smem:$0x3F94]  }
0x1a: {  	s8 =	sadd.s32 $0xFFFFE003, lr  }
0x1b: {  	s9 =	sadd.s32 $0xFFFFFEF7, lr;
	s5 =	simm.s32 $0xFFFFFFFF;
	p2 =	slt.u32 s8, $0xFFFFF086  }
0x1c: {  	p1 =	slt.u32 s9, $0xF7A;
	s5 =	simm.s32 @!p2 $0x0  }
0x1d: {  	s5 =	simm.s32 @p1 $0x1;
	p0 =	seq.s32 s7, s2  }
0x1e: {  	s7 =	smul.u32 @!p0 $0xF7A, s2;
	p2 =	seq.s32 @!p0 s5, $0x0  }
0x1f: {  	s9 =	smul.u32 $0xF7A, s1;
	s8 =	simm.s32 @!p0 $0x1BF5;
	p2 =	por !p2, p0  }
0x20: {  	[sflag:s8] =	ssyncset.s32 @!p0 $0xFFFFF086;
	s6 =	sadd.s32 @!p0 s3, s7;
	s7 =	simm.s32 @!p0 $0x108  }
0x21: {  	s3 =	sadd.s32 s3, s9;
	s6 =	sadd.s32 @!p0 $0x88, s6;
	s7 =	simm.s32 @p2 $0x1082  }
0x22: {  	[simem:s7], [sflag:s8] =	dma.local @!p0 [hbm:s6], $0xF7A  }
0x23: {  	s9 =	sor.u32 $0xD0000000, s2;
	s6 =	simm.s32 $0x108;
	_ =	swait.ge @!p0 [sflag:s8], $0x0  }
0x24: {  	s3 =	sadd.s32 $0x88, s3;
	s6 =	simm.s32 @!p1 $0x1082;
	[sflag:s4] =	ssyncset.s32 $0xFFFFF086  }
0x25: {  	[simem:s6], [sflag:s4] =	dma.local [hbm:s3], $0xF7A  }
0x26: {  	[smem:$0x3F94] =	sst s1;
	(tag) =	ssettag s2;
	_ =	strace s9  }
0x27: {  	s1 =	sld [smem:$0x3FA4]  }
0x28: {  	s2 =	sld [smem:$0x3FA5]  }
0x29: {  	s4 =	sld [smem:$0x3FA7]  }
0x2a: {  	p0 =	seq.s32 s5, $0x0;
	s5 =	sld [smem:$0x3FA8]  }
0x2b: {  	s6 =	sld [smem:$0x3FA9]  }
0x2c: {  	s7 =	sld [smem:$0x3FAA]  }
0x2d: {  	s3 =	simm.s32 $0x108;
	s8 =	sld [smem:$0x3FAB]  }
0x2e: {  	s3 =	simm.s32 @!p0 $0x1082;
	s9 =	sld [smem:$0x3FAC]  }
0x2f: {  	lr =	sadd.s32 s0, s3;
	s0 =	sld [smem:$0x3FA3]  }
0x30: {  	s3 =	sld [smem:$0x3FA6]  }
0x31: {  	[smem:$0x3FAF] =	sst s10  }
0x32: {  	s10 =	sld [smem:$0x3FAD];
	_ =	sdelay $0x3  }
0x33: {  	p0 =	seq.s32 s10, $0x1;
	s10 =	sld [smem:$0x3FAF];
	_ =	sdelay $0x3  }
0x34: {  	[smem:$0x3FAF] =	sst s10  }
0x35: {  	s10 =	sld [smem:$0x3FAE];
	_ =	sdelay $0x3  }
0x36: {  	p1 =	seq.s32 s10, $0x1;
	s10 =	sld [smem:$0x3FAF];
	_ =	sdelay $0x3  }
0x37: {  	[smem:$0x3FAF] =	sst s10  }
0x38: {  	s10 =	sld [smem:$0x3FB0]  }
0x39: {  	_ = 	snop;
	(pc) =	sbr.ind lr, $3  }
0x3a: {  	_ = 	snop  }
0x3b: {  	_ = 	snop  }
0x3c: {  	p2 =	seq.s32 s10, $0x1;
	s10 =	sld [smem:$0x3FAF]  }
0x3d: {  	_ =	shalt  }
0x3e: {  	_ =	shalt  }
0x3f: {  	_ =	shalt  }
0x40: {  	_ =	shalt  }
0x41: {  	_ =	shalt  }
0x42: {  	_ =	shalt  }
0x43: {  	_ =	shalt  }
0x44: {  	_ =	shalt  }
0x45: {  	_ =	shalt  }
0x46: {  	_ =	shalt  }
0x47: {  	_ =	shalt  }
0x48: {  	_ =	shalt  }
0x49: {  	_ =	shalt  }
0x4a: {  	_ =	shalt  }
0x4b: {  	_ =	shalt  }
0x4c: {  	_ =	shalt  }
0x4d: {  	_ =	shalt  }
0x4e: {  	_ =	shalt  }
0x4f: {  	_ =	shalt  }
0x50: {  	_ =	shalt  }
0x51: {  	_ =	shalt  }
0x52: {  	_ =	shalt  }
0x53: {  	_ =	shalt  }
0x54: {  	_ =	shalt  }
0x55: {  	_ =	shalt  }
0x56: {  	_ =	shalt  }
0x57: {  	_ =	shalt  }
0x58: {  	_ =	shalt  }
0x59: {  	_ =	shalt  }
0x5a: {  	_ =	shalt  }
0x5b: {  	_ =	shalt  }
0x5c: {  	_ =	shalt  }
0x5d: {  	_ =	shalt  }
0x5e: {  	_ =	shalt  }
0x5f: {  	_ =	shalt  }
0x60: {  	_ =	shalt  }
0x61: {  	_ =	shalt  }
0x62: {  	_ =	shalt  }
0x63: {  	_ =	shalt  }
0x64: {  	_ =	shalt  }
0x65: {  	_ =	shalt  }
0x66: {  	_ =	shalt  }
0x67: {  	_ =	shalt  }
0x68: {  	_ =	shalt  }
0x69: {  	_ =	shalt  }
0x6a: {  	_ =	shalt  }
0x6b: {  	_ =	shalt  }
0x6c: {  	_ =	shalt  }
0x6d: {  	_ =	shalt  }
0x6e: {  	_ =	shalt  }
0x6f: {  	_ =	shalt  }
0x70: {  	_ =	shalt  }
0x71: {  	_ =	shalt  }
0x72: {  	_ =	shalt  }
0x73: {  	_ =	shalt  }
0x74: {  	_ =	shalt  }
0x75: {  	_ =	shalt  }
0x76: {  	_ =	shalt  }
0x77: {  	_ =	shalt  }
0x78: {  	_ =	shalt  }
0x79: {  	_ =	shalt  }
0x7a: {  	_ =	shalt  }
0x7b: {  	_ =	shalt  }
0x7c: {  	_ =	shalt  }
0x7d: {  	_ =	shalt  }
0x7e: {  	_ =	shalt  }
0x7f: {  	_ =	shalt  }
0x80: {  	_ =	shalt  }
0x81: {  	_ =	shalt  }
0x82: {  	_ =	shalt  }
0x83: {  	_ =	shalt  }
0x84: {  	_ =	shalt  }
0x85: {  	_ =	shalt  }
0x86: {  	_ =	shalt  }
0x87: {  	_ =	shalt  }
.Lfunc_end0:
.L_simem_size_0:
called_computation.2_lowered:
.L_overlay_start_0:
0x88: {  	s2 =	sld [smem:$0x3FD9]  }
0x89: {  	s3 =	sld [smem:$0x3FFE];
	_ =	sdelay $0x1  }
0x8a: {  	s1 =	srdreg.scid  }
0x8b: {  	s0 =	sand.u32 $0x1, s1  }
0x8c: {  	s17 =	sshll.u32 s0, $0xA;
	s2 =	sadd.s32 s3, s2  }
0x8d: {  	s2 =	sadd.s32 s2, s17  }
0x8e: {  	[smem:$0x3FBB] =	sst s2  }
0x8f: {  	_ = 	snop  }
0x90: {  	s2 =	sld [smem:$0x3FD0];
	(tm) =	ssettm $0x1  }
0x91: {  	s18 =	sld [smem:$0x3FFB];
	_ =	sdelay $0x3  }
0x92: {  	_ =	strace s18  }
0x93: {  	s3 =	sld [smem:$0x3FFC];
	_ =	sdelay $0x3  }
0x94: {  	_ =	strace s3  }
0x95: {  	s3 =	sld [smem:$0x3FFD];
	_ =	sdelay $0x3  }
0x96: {  	_ =	strace s3  }
0x97: {  	_ =	strace $0x8FFFFFFF  }
0x98: {  	s19 =	sld [smem:$0x3FDB];
	_ =	sdelay $0x1  }
0x99: {  	s4 =	simm.s32 $_scs_section_size  }
0x9a: {  	s5 =	simm.s32 $_size__tile_overlayer_lowered;
	s6 =	simm.s32 $_tile_overlayer_lowered  }
0x9b: {  	s22 =	simm.s32 $0x1BFF;
	s21 =	sshll.u32 s6, $0x1;
	s3 =	sadd.s32 s4, s19  }
0x9c: {  	s7 =	simm.s32 $0x0;
	s20 =	sshll.u32 s5, $0x1;
	s5 =	sadd.s32 s21, s3  }
0x9d: {  	[timem:s7], [sflag:s22] =	dma.local [hbm:s5], s20  }
0x9e: {  	_ =	swait.ge [sflag:s22], s20  }
0x9f: {  	s4 =	ssub.s32 $0x0, s20;
	[sflag:s22] =	ssyncset.done $0x0  }
0xa0: {  	[sflag:s22] =	ssyncadd.s32 s4;
	_ =	sdelay $0x1  }
0xa1: {  	s23 =	simm.s32 $0x1B8B  }
0xa2: {  	_ =	swait.ge [sflag:s23], $0x1  }
0xa3: {  	[sflag:s23] =	ssyncset.done $0x0  }
0xa4: {  	s25 =	simm.s32 $0x1B8E;
	s24 =	sld [smem:$0x3FFE];
	[sflag:s23] =	ssyncadd.s32 $0xFFFFFFFF  }
0xa5: {  	s26 =	simm.s32 $execute0_lowered;
	[smem:$0x3FD2] =	sst s25  }
0xa6: {  	s5 =	sshll.u32 s26, $0x1;
	_ =	strace $0x8000004C;
	[dreg:$0x1] =	wrdreg $0xFFFFFFFF  }
0xa7: {  	s28 =	simm.s32 $_size_execute0_lowered;
	s3 =	sadd.s32 s3, s5;
	[dreg:$0x0] =	wrdreg $0x0  }
0xa8: {  	s5 =	sshll.u32 s28, $0x1;
	[dreg:$0x2] =	wrdreg s3  }
0xa9: {  	[dreg:$0x3] =	wrdreg s5  }
0xaa: {  	[dreg:$0x4] =	wrdreg $0xC0  }
0xab: {  	_ =	task [dreg:s7], $0x5FFFF  }
0xac: {  	[dreg:$0x1] =	wrdreg $0xFFFFFFFF  }
0xad: {  	[dreg:$0x0] =	wrdreg $0x60  }
0xae: {  	[dreg:$0x2] =	wrdreg s24  }
0xaf: {  	[dreg:$0x3] =	wrdreg s2  }
0xb0: {  	[dreg:$0x4] =	wrdreg $0xB7800  }
0xb1: {  	[dreg:$0x5] =	wrdreg $0x9  }
0xb2: {  	_ =	task.clear_ibuf [dreg:s7], $0x6FFFF;
	_ =	strace $0x9000004C  }
0xb3: {  	s29 =	simm.s32 $0x9;
	_ =	strace $0x8000004E  }
0xb4: {  	_ =	swait.ge [sflag:s29], $0x1  }
0xb5: {  	[sflag:s29] =	ssyncadd.s32 $0xFFFFFFFF  }
0xb6: {  	_ =	strace $0x9000004E  }
0xb7: {  	_ =	sfence  }
0xb8: {  	s30 =	sld [smem:$0x0];
	_ =	sdelay $0x2  }
0xb9: {  	s31 =	sshll.u32 s1, $0xD;
	s1 =	sshrl.u32 s1, $0x2  }
0xba: {  	s3 =	sand.u32 $0x4000, s31;
	s1 =	sadd.s32 s1, s30  }
0xbb: {  	s0 =	sor.u32 s3, s0;
	s1 =	sshll.u32 s1, $0x11  }
0xbc: {  	s0 =	sor.u32 s1, s0  }
0xbd: {  	s0 =	sadd.s32 $0x8F2B, s0  }
0xbe: {  	[sflag:s0] =	ssyncadd.remote.s32 $0x1  }
0xbf: {  	_ =	sfence.sel $0xFFFF  }
0xc0: {  	[dreg:$0x0] =	wrdreg $0xFFFFFFFF;
	(pc) =	sbr.abs _section_cstart, $3  }
0xc1: {  	[dreg:$0x1] =	wrdreg $0xFFFFFFFF  }
0xc2: {  	_ =	task.clear_ibuf [dreg:s7], $0x2FFFF;
	_ =	strace $0x9FFFFFFF  }
0xc3: {  	(tm) =	ssettm $0x7FFFFFFF  }
tec
execute0_lowered:
.L_overlay_start_1:
0x0: {  	(tag) =	ssettag $0x1  }
0x1: {  	s6 =	rddreg [dreg:$0x0]  }
0x2: {  	s2 =	rddreg [dreg:$0x1]  }
0x3: {  	s3 =	rddreg [dreg:$0x2]  }
0x4: {  	s0 =	rddreg [dreg:$0x3]  }
0x5: {  	s4 =	simm.s32 $0x0;
	s1 =	stileid.u32;
	s9 =	srdreg.scid  }
0x6: {  	s16 =	simm.s32 $0x50;
	s17 =	simm.s32 $0x6780;
	s18 =	simm.s32 $0x8F80  }
0x7: {  	s19 =	simm.s32 $0x1;
	s21 =	simm.s32 $0x6580;
	s22 =	simm.s32 $0x0  }
0x8: {  	[smem:$0x7FF] =	sst s4;
	s7 =	smul.u32 $0x4E2, s1;
	s5 =	sadd.s32 $0x1E000, s6  }
0x9: {  	s8 =	sshll.u32 s1, $0xB;
	s9 =	sand.u32 $0x1, s9;
	s10 =	smul.u32 $0x50000, s1  }
0xa: {  	s11 =	sadd.s32 $0x6C200, s6;
	s13 =	smul.u32 $0x280, s1;
	s15 =	sadd.s32 $0x12C000, s3  }
0xb: {  	p0 =	seq.s32 s1, $0xF;
	_ =	strace $0x8000004D;
	s20 =	smul.u32 $0x2710, s9  }
0xc: {  	s8 =	sadd.s32 s8, s6;
	s29 =	ssub.s32 $0x2, s9;
	s9 =	smul.u32 $0x138800, s9  }
0xd: {  	s7 =	sadd.s32 s7, s6;
	s12 =	sshrl.u32 s29, $0x1;
	s10 =	sshrl.u32 s10, $0x2  }
0xe: {  	s12 =	ssub.s32 s29, s12;
	s14 =	sadd.s32 s10, s3;
	s6 =	sadd.s32 $0x2200, s7  }
0xf: {  	s30 =	sadd.s32 s13, s20;
	s7 =	sadd.s32 $0x16000, s8;
	s9 =	sshrl.u32 s9, $0x3  }
0x10: {  	v0 =	vmov s20;
	s20 =	simm.s32 $0x2;
	s31 =	sshll.u32 s30, $0x4;
	s9 =	sadd.s32 s11, s9  }
0x11: {  	s10 =	smax.u32 s12, $0x1;
	s12 =	sshll.u32 @!p0 s1, $0x6;
	s13 =	sshrl.u32 @!p0 s14, $0x3  }
0x12: {  	s14 =	simm.s32 $0x3;
	s8 =	sadd.s32 s11, s31;
	s9 =	sadd.s32 $0x25800, s9  }
0x13: {  	s11 =	sshrl.u32 @p0 s15, $0x3;
	s12 =	sor.u32 @!p0 $0x1C03, s12;
	s15 =	simm.s32 $0x2780  }
.LBB2_1:
0x14: {  	s23 =	simm.s32 @p0 $0x1FC3  }
0x15: {  	[spmem:s11], [sflag:s23] =	dma.local @p0 [hbm:s2], $0x1900  }
0x16: {  	s23 =	simm.s32 @p0 $0x3  }
0x17: {  	_ =	swait.ge @p0 [sflag:s23], $0x1900  }
0x18: {  	[sflag:s23] =	ssyncset.done @p0 $0x0  }
0x19: {  	[sflag:s23] =	ssyncadd.s32 @p0 $0xFFFFE700;
	s23 =	simm.s32 @!p0 $0x3  }
0x1a: {  	[spmem:s13], [sflag:s12] =	dma.local @!p0 [hbm:s2], $0x2800  }
0x1b: {  	_ =	swait.ge @!p0 [sflag:s23], $0x2800  }
0x1c: {  	[sflag:s23] =	ssyncset.done @!p0 $0x0  }
0x1d: {  	[sflag:s23] =	ssyncadd.s32 @!p0 $0xFFFFD800  }
0x1e: {  	[tilespmem:s4], [sflag:$0x3] =	stream.linear.gather [hbm4b:s6+s4], $0x2710, $0x38;
	[tilespmem:$0x1F000] =	vst v63  }
0x1f: {  	_ =	swait.ge [sflag:s14], $0x2710  }
0x20: {  	[sflag:s14] =	ssyncset.done $0x0  }
0x21: {  	[sflag:s14] =	ssyncadd.s32 $0xFFFFD8F0  }
0x22: {  	[tilespmem:s15], [sflag:$0x3] =	stream.linear.gather [hbm4b:s7+s4], $0x3E80, $0x38;
	[tilespmem:$0x1F000] =	vst v63  }
0x23: {  	_ =	swait.ge [sflag:s14], $0x3E80  }
0x24: {  	[sflag:s14] =	ssyncset.done $0x0  }
0x25: {  	s24 =	simm.s32 $0x40;
	s23 =	simm.s32 $0x0;
	[sflag:s14] =	ssyncadd.s32 $0xFFFFC180  }
.LBB2_2:
0x26: {  	p1 =	sne.s32 s24, $0x9C00;
	v1 =	vld [tilespmem:s23+$0x0];
	_ =	sdelay $0x1  }
.Ltmp0:
0x27: {  	(pc) =	sbr.rel @p1 .LBB2_2-.Ltmp0, $3  }
0x28: {  	_ =	sdelay $0x1  }
0x29: {  	v1 =	vadd.s32 v0, v1  }
0x2a: {  	[tilespmem:s23+$0x0] =	vst v1;
	s23 =	sshra.s32 s24, $0x2;
	s24 =	sadd.s32 $0x40, s24  }
0x2b: {  	v1 =	vld [tilespmem:s23+$0x0];
	_ =	sdelay $0x4  }
0x2c: {  	v1 =	vadd.s32 v0, v1  }
0x2d: {  	[tilespmem:s23+$0x0] =	vst v1  }
0x2e: {  	s26 =	simm.s32 $0x0;
	[bflag:$0x0] =	sbarrier.arrive $0xFFFF  }
0x2f: {  	[tilespmem:s17], [sflag:$0x1] =	stream.indirect.gather [hbm4b:s5+s16], $0x80, s26, s16, $0xb8;
	[tilespmem:$0x1F000] =	vst v63  }
0x30: {  	s28 =	simm.s32 $0x50  }
0x31: {  	[tilespmem:s18], [sflag:$0x2] =	stream.indirect.gather [hbm4b:s5+s16], $0x80, s28, s16, $0xb8;
	[tilespmem:$0x1F000] =	vst v63  }
0x32: {  	_ =	swait.ge [sflag:s19], $0x2800  }
0x33: {  	[sflag:s19] =	ssyncset.done $0x0  }
0x34: {  	s29 =	simm.s32 $0x2780;
	[sflag:s19] =	ssyncadd.s32 $0xFFFFD800  }
0x35: {  	[spmem:s3] =	stream.indirect.scatter.add.f32 [tilespmem:s17], [sflag:$0x3], $0x80, s29, s16, $0xb8;
	[tilespmem:$0x1F000] =	vst v63  }
0x36: {  	_ =	swait.ge [sflag:s14], $0x2800  }
0x37: {  	[sflag:s14] =	ssyncset.done $0x0  }
0x38: {  	s30 =	simm.s32 $0xA0;
	[sflag:s14] =	ssyncadd.s32 $0xFFFFD800  }
0x39: {  	[tilespmem:s17], [sflag:$0x1] =	stream.indirect.gather [hbm4b:s5+s16], $0x80, s30, s16, $0xb8;
	[tilespmem:$0x1F000] =	vst v63  }
0x3a: {  	_ =	swait.ge [sflag:s20], $0x2800  }
0x3b: {  	[sflag:s20] =	ssyncset.done $0x0  }
0x3c: {  	s31 =	simm.s32 $0x2800;
	[sflag:s20] =	ssyncadd.s32 $0xFFFFD800  }
0x3d: {  	[spmem:s3] =	stream.indirect.scatter.add.f32 [tilespmem:s18], [sflag:$0x3], $0x80, s31, s16, $0xb8;
	[tilespmem:$0x1F000] =	vst v63  }
0x3e: {  	s24 =	simm.s32 $0x400;
	_ =	swait.ge [sflag:s14], $0x2800  }
0x3f: {  	s25 =	simm.s32 $0x800;
	s23 =	simm.s32 $0x140;
	[sflag:s14] =	ssyncset.done $0x0  }
.LBB2_4:
0x40: {  	p1 =	sne.s32 s25, $0xF400;
	s26 =	sadd.s32 $0xFFFFFFB0, s23;
	[sflag:s14] =	ssyncadd.s32 $0xFFFFD800  }
0x41: {  	[tilespmem:s18], [sflag:$0x2] =	stream.indirect.gather [hbm4b:s5+s16], $0x80, s26, s16, $0xb8;
	[tilespmem:$0x1F000] =	vst v63  }
0x42: {  	s26 =	smov.u32 s25;
	s25 =	sadd.s32 $0x400, s25;
	_ =	swait.ge [sflag:s19], $0x2800  }
0x43: {  	s28 =	sshra.s32 s24, $0x2;
	s24 =	smov.u32 s26;
	[sflag:s19] =	ssyncset.done $0x0  }
0x44: {  	s26 =	sadd.s32 $0x2780, s28;
	[sflag:s19] =	ssyncadd.s32 $0xFFFFD800  }
0x45: {  	[spmem:s3] =	stream.indirect.scatter.add.f32 [tilespmem:s17], [sflag:$0x3], $0x80, s26, s16, $0xb8;
	[tilespmem:$0x1F000] =	vst v63  }
0x46: {  	_ =	swait.ge [sflag:s14], $0x2800  }
0x47: {  	[sflag:s14] =	ssyncset.done $0x0  }
0x48: {  	[sflag:s14] =	ssyncadd.s32 $0xFFFFD800  }
0x49: {  	[tilespmem:s17], [sflag:$0x1] =	stream.indirect.gather [hbm4b:s5+s16], $0x80, s23, s16, $0xb8;
	[tilespmem:$0x1F000] =	vst v63  }
0x4a: {  	_ =	swait.ge [sflag:s20], $0x2800  }
.Ltmp1:
0x4b: {  	[sflag:s20] =	ssyncset.done $0x0;
	(pc) =	sbr.rel @p1 .LBB2_4-.Ltmp1, $4  }
0x4c: {  	s26 =	sadd.s32 $0x2800, s28;
	[sflag:s20] =	ssyncadd.s32 $0xFFFFD800  }
0x4d: {  	[spmem:s3] =	stream.indirect.scatter.add.f32 [tilespmem:s18], [sflag:$0x3], $0x80, s26, s16, $0xb8;
	[tilespmem:$0x1F000] =	vst v63  }
0x4e: {  	_ =	swait.ge [sflag:s14], $0x2800  }
0x4f: {  	s23 =	sadd.s32 $0xA0, s23;
	[sflag:s14] =	ssyncset.done $0x0  }
0x50: {  	s25 =	sadd.s32 $0xFFFFFFB0, s23;
	[sflag:s14] =	ssyncadd.s32 $0xFFFFD800  }
0x51: {  	[tilespmem:s18], [sflag:$0x2] =	stream.indirect.gather [hbm4b:s5+s16], $0x80, s25, s16, $0xb8;
	[tilespmem:$0x1F000] =	vst v63  }
0x52: {  	_ =	swait.ge [sflag:s19], $0x2800  }
0x53: {  	s24 =	sshra.s32 s24, $0x2;
	[sflag:s19] =	ssyncset.done $0x0  }
0x54: {  	s30 =	sadd.s32 $0x2780, s24;
	[sflag:s19] =	ssyncadd.s32 $0xFFFFD800  }
0x55: {  	[spmem:s3] =	stream.indirect.scatter.add.f32 [tilespmem:s17], [sflag:$0x3], $0x80, s30, s16, $0xb8;
	[tilespmem:$0x1F000] =	vst v63  }
0x56: {  	_ =	swait.ge [sflag:s14], $0x2800  }
0x57: {  	[sflag:s14] =	ssyncset.done $0x0  }
0x58: {  	[sflag:s14] =	ssyncadd.s32 $0xFFFFD800  }
0x59: {  	[tilespmem:s17], [sflag:$0x1] =	stream.indirect.gather [hbm4b:s5+s16], $0x80, s23, s16, $0xb8;
	[tilespmem:$0x1F000] =	vst v63  }
0x5a: {  	_ =	swait.ge [sflag:s20], $0x2800  }
0x5b: {  	[sflag:s20] =	ssyncset.done $0x0  }
0x5c: {  	s31 =	sadd.s32 $0x2800, s24;
	[sflag:s20] =	ssyncadd.s32 $0xFFFFD800  }
0x5d: {  	[spmem:s3] =	stream.indirect.scatter.add.f32 [tilespmem:s18], [sflag:$0x3], $0x80, s31, s16, $0xb8;
	[tilespmem:$0x1F000] =	vst v63  }
0x5e: {  	_ =	swait.ge [sflag:s14], $0x2800  }
0x5f: {  	[sflag:s14] =	ssyncset.done $0x0  }
0x60: {  	[sflag:s14] =	ssyncadd.s32 $0xFFFFD800  }
0x61: {  	_ =	swait.ge [sflag:s19], $0x2800  }
0x62: {  	[sflag:s19] =	ssyncset.done $0x0  }
0x63: {  	[sflag:s19] =	ssyncadd.s32 $0xFFFFD800  }
0x64: {  	[spmem:s3] =	stream.indirect.scatter.add.f32 [tilespmem:s17], [sflag:$0x3], $0x80, s21, s16, $0xb8;
	[tilespmem:$0x1F000] =	vst v63  }
0x65: {  	_ =	swait.ge [sflag:s14], $0x2800  }
0x66: {  	[sflag:s14] =	ssyncset.done $0x0  }
0x67: {  	[sflag:s14] =	ssyncadd.s32 $0xFFFFD800  }
0x68: {  	s23 =	simm.s32 @p0 $0x1FC3;
	[bflag:$0x0] =	sbarrier.arrive $0xFFFF  }
0x69: {  	[hbm:s9], [sflag:s23] =	dma.local @p0 [spmem:s11], $0x1900  }
0x6a: {  	s23 =	simm.s32 @p0 $0x3  }
0x6b: {  	s22 =	sadd.s32 $0x1, s22;
	_ =	swait.ge @p0 [sflag:s23], $0x1900  }
0x6c: {  	p1 =	sne.s32 s22, s10;
	[sflag:s23] =	ssyncset.done @p0 $0x0  }
.Ltmp2:
0x6d: {  	[sflag:s23] =	ssyncadd.s32 @p0 $0xFFFFE700;
	s23 =	simm.s32 @!p0 $0x3;
	(pc) =	sbr.rel @p1 .LBB2_1-.Ltmp2, $4  }
0x6e: {  	[hbm:s8], [sflag:s12] =	dma.local @!p0 [spmem:s13], $0x2800  }
0x6f: {  	_ =	swait.ge @!p0 [sflag:s23], $0x2800  }
0x70: {  	[sflag:s23] =	ssyncset.done @!p0 $0x0  }
0x71: {  	[sflag:s23] =	ssyncadd.s32 @!p0 $0xFFFFD800  }
0x72: {  	_ =	sfence.sel $0x180000  }
0x73: {  	[bflag:$0x0] =	sbarrier.arrive $0xFFFF  }
0x74: {  	p0 =	sne.s32 s1, $0x0;
	_ =	strace $0x9000004D  }
0x75: {  	s0 =	sadd.s32 @!p0 $0x100000, s0;
	[bflag:$0x2] =	sbarrier.arrive $0xFFFF  }
0x76: {  	[sflag:s0] =	ssyncadd.tile.s32 @!p0 $0x1;
	_ =	shalt  }
.Lfunc_end2:
_tile_overlayer_lowered:
.L_overlay_start_2:
0x77: {  	(tag) =	ssettag $0x2  }
0x78: {  	s0 =	rddreg [dreg:$0x0];
	s2 =	stileid.u32  }
0x79: {  	s1 =	rddreg [dreg:$0x1];
	p0 =	sne.s32 s2, $0x0  }
0x7a: {  	s3 =	rddreg [dreg:$0x2];
	[bflag:$0x3] =	sbarrier.arrive $0xFFFF;
	s2 =	simm.s32 @!p0 $0x1C03  }
0x7b: {  	[timem:s3], [sflag:s2] =	dma.local @!p0 [hbm:s0], s1  }
0x7c: {  	s0 =	simm.s32 @!p0 $0x3  }
0x7d: {  	_ =	swait.ge @!p0 [sflag:s0], s1  }
0x7e: {  	s1 =	ssub.s32 @!p0 $0x0, s1;
	[sflag:s0] =	ssyncset.done @!p0 $0x0  }
0x7f: {  	[sflag:s0] =	ssyncadd.s32 @!p0 s1  }
0x80: {  	[bflag:$0x3] =	sbarrier.arrive $0xFFFF  }
0x81: {  	_ =	shalt  }

// kernel: kernel.22.cloned.1.call-start
scs
__scs_entry_jumppad:
0x0: {  	(pc) =	sbr.rel $0x88, $3  }
0x1: {  	(tag) =	ssettag $0x0;
	lr =	simm.s32 $0x1  }
0x2: {  	[smem:$0x3F94] =	sst lr;
	_ =	strace $0xD0000000  }
0x3: {  	_ = 	snop  }
0x4: {  	_ = 	snop  }
0x5: {  	_ = 	snop  }
0x6: {  	_ = 	snop  }
0x7: {  	_ = 	snop  }
__scs_overlays_trampoline_lowered:
0x8: {  	[smem:$0x3FA3] =	sst s0  }
0x9: {  	[smem:$0x3FA4] =	sst s1  }
0xa: {  	[smem:$0x3FA5] =	sst s2  }
0xb: {  	[smem:$0x3FA6] =	sst s3  }
0xc: {  	[smem:$0x3FA7] =	sst s4  }
0xd: {  	[smem:$0x3FA8] =	sst s5  }
0xe: {  	[smem:$0x3FA9] =	sst s6  }
0xf: {  	[smem:$0x3FAA] =	sst s7  }
0x10: {  	[smem:$0x3FAB] =	sst s8  }
0x11: {  	[smem:$0x3FAC] =	sst s9;
	s0 =	simm.s32 @!p0 $0x0  }
0x12: {  	s1 =	sld [smem:$0x3F92];
	s0 =	simm.s32 @p0 $0x1  }
0x13: {  	[smem:$0x3FAD] =	sst s0;
	s0 =	simm.s32 @!p1 $0x0  }
0x14: {  	s2 =	sld [smem:$0x3F91];
	s0 =	simm.s32 @p1 $0x1  }
0x15: {  	[smem:$0x3FAE] =	sst s0;
	s0 =	simm.s32 @!p2 $0x0  }
0x16: {  	s3 =	sld [smem:$0x3FDB];
	s0 =	simm.s32 @p2 $0x1  }
0x17: {  	s4 =	simm.s32 $0x1BF5;
	[smem:$0x3FB0] =	sst s0  }
0x18: {  	s0 =	sld [smem:$0x3F93];
	_ =	swait.ge [sflag:s4], $0x0  }
0x19: {  	s7 =	sld [smem:$0x3F94]  }
0x1a: {  	s8 =	sadd.s32 $0xFFFFE003, lr  }
0x1b: {  	s9 =	sadd.s32 $0xFFFFFEF7, lr;
	s5 =	simm.s32 $0xFFFFFFFF;
	p2 =	slt.u32 s8, $0xFFFFF086  }
0x1c: {  	p1 =	slt.u32 s9, $0xF7A;
	s5 =	simm.s32 @!p2 $0x0  }
0x1d: {  	s5 =	simm.s32 @p1 $0x1;
	p0 =	seq.s32 s7, s2  }
0x1e: {  	s7 =	smul.u32 @!p0 $0xF7A, s2;
	p2 =	seq.s32 @!p0 s5, $0x0  }
0x1f: {  	s9 =	smul.u32 $0xF7A, s1;
	s8 =	simm.s32 @!p0 $0x1BF5;
	p2 =	por !p2, p0  }
0x20: {  	[sflag:s8] =	ssyncset.s32 @!p0 $0xFFFFF086;
	s6 =	sadd.s32 @!p0 s3, s7;
	s7 =	simm.s32 @!p0 $0x108  }
0x21: {  	s3 =	sadd.s32 s3, s9;
	s6 =	sadd.s32 @!p0 $0x88, s6;
	s7 =	simm.s32 @p2 $0x1082  }
0x22: {  	[simem:s7], [sflag:s8] =	dma.local @!p0 [hbm:s6], $0xF7A  }
0x23: {  	s9 =	sor.u32 $0xD0000000, s2;
	s6 =	simm.s32 $0x108;
	_ =	swait.ge @!p0 [sflag:s8], $0x0  }
0x24: {  	s3 =	sadd.s32 $0x88, s3;
	s6 =	simm.s32 @!p1 $0x1082;
	[sflag:s4] =	ssyncset.s32 $0xFFFFF086  }
0x25: {  	[simem:s6], [sflag:s4] =	dma.local [hbm:s3], $0xF7A  }
0x26: {  	[smem:$0x3F94] =	sst s1;
	(tag) =	ssettag s2;
	_ =	strace s9  }
0x27: {  	s1 =	sld [smem:$0x3FA4]  }
0x28: {  	s2 =	sld [smem:$0x3FA5]  }
0x29: {  	s4 =	sld [smem:$0x3FA7]  }
0x2a: {  	p0 =	seq.s32 s5, $0x0;
	s5 =	sld [smem:$0x3FA8]  }
0x2b: {  	s6 =	sld [smem:$0x3FA9]  }
0x2c: {  	s7 =	sld [smem:$0x3FAA]  }
0x2d: {  	s3 =	simm.s32 $0x108;
	s8 =	sld [smem:$0x3FAB]  }
0x2e: {  	s3 =	simm.s32 @!p0 $0x1082;
	s9 =	sld [smem:$0x3FAC]  }
0x2f: {  	lr =	sadd.s32 s0, s3;
	s0 =	sld [smem:$0x3FA3]  }
0x30: {  	s3 =	sld [smem:$0x3FA6]  }
0x31: {  	[smem:$0x3FAF] =	sst s10  }
0x32: {  	s10 =	sld [smem:$0x3FAD];
	_ =	sdelay $0x3  }
0x33: {  	p0 =	seq.s32 s10, $0x1;
	s10 =	sld [smem:$0x3FAF];
	_ =	sdelay $0x3  }
0x34: {  	[smem:$0x3FAF] =	sst s10  }
0x35: {  	s10 =	sld [smem:$0x3FAE];
	_ =	sdelay $0x3  }
0x36: {  	p1 =	seq.s32 s10, $0x1;
	s10 =	sld [smem:$0x3FAF];
	_ =	sdelay $0x3  }
0x37: {  	[smem:$0x3FAF] =	sst s10  }
0x38: {  	s10 =	sld [smem:$0x3FB0]  }
0x39: {  	_ = 	snop;
	(pc) =	sbr.ind lr, $3  }
0x3a: {  	_ = 	snop  }
0x3b: {  	_ = 	snop  }
0x3c: {  	p2 =	seq.s32 s10, $0x1;
	s10 =	sld [smem:$0x3FAF]  }
0x3d: {  	_ =	shalt  }
0x3e: {  	_ =	shalt  }
0x3f: {  	_ =	shalt  }
0x40: {  	_ =	shalt  }
0x41: {  	_ =	shalt  }
0x42: {  	_ =	shalt  }
0x43: {  	_ =	shalt  }
0x44: {  	_ =	shalt  }
0x45: {  	_ =	shalt  }
0x46: {  	_ =	shalt  }
0x47: {  	_ =	shalt  }
0x48: {  	_ =	shalt  }
0x49: {  	_ =	shalt  }
0x4a: {  	_ =	shalt  }
0x4b: {  	_ =	shalt  }
0x4c: {  	_ =	shalt  }
0x4d: {  	_ =	shalt  }
0x4e: {  	_ =	shalt  }
0x4f: {  	_ =	shalt  }
0x50: {  	_ =	shalt  }
0x51: {  	_ =	shalt  }
0x52: {  	_ =	shalt  }
0x53: {  	_ =	shalt  }
0x54: {  	_ =	shalt  }
0x55: {  	_ =	shalt  }
0x56: {  	_ =	shalt  }
0x57: {  	_ =	shalt  }
0x58: {  	_ =	shalt  }
0x59: {  	_ =	shalt  }
0x5a: {  	_ =	shalt  }
0x5b: {  	_ =	shalt  }
0x5c: {  	_ =	shalt  }
0x5d: {  	_ =	shalt  }
0x5e: {  	_ =	shalt  }
0x5f: {  	_ =	shalt  }
0x60: {  	_ =	shalt  }
0x61: {  	_ =	shalt  }
0x62: {  	_ =	shalt  }
0x63: {  	_ =	shalt  }
0x64: {  	_ =	shalt  }
0x65: {  	_ =	shalt  }
0x66: {  	_ =	shalt  }
0x67: {  	_ =	shalt  }
0x68: {  	_ =	shalt  }
0x69: {  	_ =	shalt  }
0x6a: {  	_ =	shalt  }
0x6b: {  	_ =	shalt  }
0x6c: {  	_ =	shalt  }
0x6d: {  	_ =	shalt  }
0x6e: {  	_ =	shalt  }
0x6f: {  	_ =	shalt  }
0x70: {  	_ =	shalt  }
0x71: {  	_ =	shalt  }
0x72: {  	_ =	shalt  }
0x73: {  	_ =	shalt  }
0x74: {  	_ =	shalt  }
0x75: {  	_ =	shalt  }
0x76: {  	_ =	shalt  }
0x77: {  	_ =	shalt  }
0x78: {  	_ =	shalt  }
0x79: {  	_ =	shalt  }
0x7a: {  	_ =	shalt  }
0x7b: {  	_ =	shalt  }
0x7c: {  	_ =	shalt  }
0x7d: {  	_ =	shalt  }
0x7e: {  	_ =	shalt  }
0x7f: {  	_ =	shalt  }
0x80: {  	_ =	shalt  }
0x81: {  	_ =	shalt  }
0x82: {  	_ =	shalt  }
0x83: {  	_ =	shalt  }
0x84: {  	_ =	shalt  }
0x85: {  	_ =	shalt  }
0x86: {  	_ =	shalt  }
0x87: {  	_ =	shalt  }
.Lfunc_end0:
.L_simem_size_0:
called_computation.3_lowered:
.L_overlay_start_0:
0x88: {  	s2 =	sld [smem:$0x3FD9]  }
0x89: {  	s3 =	sld [smem:$0x3FFE];
	_ =	sdelay $0x1  }
0x8a: {  	s1 =	srdreg.scid  }
0x8b: {  	s0 =	sand.u32 $0x1, s1  }
0x8c: {  	s16 =	sshll.u32 s0, $0xA;
	s2 =	sadd.s32 s3, s2  }
0x8d: {  	s2 =	sadd.s32 s2, s16  }
0x8e: {  	[smem:$0x3FBB] =	sst s2  }
0x8f: {  	_ = 	snop  }
0x90: {  	(tm) =	ssettm $0x1  }
0x91: {  	s17 =	sld [smem:$0x3FFB];
	_ =	sdelay $0x3  }
0x92: {  	_ =	strace s17  }
0x93: {  	s2 =	sld [smem:$0x3FFC];
	_ =	sdelay $0x3  }
0x94: {  	_ =	strace s2  }
0x95: {  	s2 =	sld [smem:$0x3FFD];
	_ =	sdelay $0x3  }
0x96: {  	_ =	strace s2  }
0x97: {  	_ =	strace $0x8FFFFFFF  }
0x98: {  	s18 =	sld [smem:$0x3FDB];
	_ =	sdelay $0x1  }
0x99: {  	s19 =	simm.s32 $_scs_section_size  }
0x9a: {  	s4 =	simm.s32 $_size__tile_overlayer_lowered;
	s5 =	simm.s32 $_tile_overlayer_lowered  }
0x9b: {  	s22 =	simm.s32 $0x1BFF;
	s21 =	sshll.u32 s5, $0x1;
	s2 =	sadd.s32 s19, s18  }
0x9c: {  	s6 =	simm.s32 $0x0;
	s20 =	sshll.u32 s4, $0x1;
	s4 =	sadd.s32 s21, s2  }
0x9d: {  	[timem:s6], [sflag:s22] =	dma.local [hbm:s4], s20  }
0x9e: {  	_ =	swait.ge [sflag:s22], s20  }
0x9f: {  	s3 =	ssub.s32 $0x0, s20;
	[sflag:s22] =	ssyncset.done $0x0  }
0xa0: {  	[sflag:s22] =	ssyncadd.s32 s3;
	_ =	sdelay $0x1  }
0xa1: {  	s23 =	simm.s32 $0x1B8B  }
0xa2: {  	_ =	swait.ge [sflag:s23], $0x1  }
0xa3: {  	[sflag:s23] =	ssyncset.done $0x0  }
0xa4: {  	s25 =	simm.s32 $0x1B8E;
	s24 =	sld [smem:$0x3FFE];
	[sflag:s23] =	ssyncadd.s32 $0xFFFFFFFF  }
0xa5: {  	s26 =	simm.s32 $execute0_lowered;
	[smem:$0x3FD2] =	sst s25  }
0xa6: {  	s4 =	sshll.u32 s26, $0x1;
	_ =	strace $0x8000004F;
	[dreg:$0x1] =	wrdreg $0xFFFFFFFF  }
0xa7: {  	s28 =	simm.s32 $_size_execute0_lowered;
	s2 =	sadd.s32 s2, s4;
	[dreg:$0x0] =	wrdreg $0x0  }
0xa8: {  	s4 =	sshll.u32 s28, $0x1;
	[dreg:$0x2] =	wrdreg s2  }
0xa9: {  	[dreg:$0x3] =	wrdreg s4  }
0xaa: {  	[dreg:$0x4] =	wrdreg $0xC0  }
0xab: {  	_ =	task [dreg:s6], $0x5FFFF  }
0xac: {  	[dreg:$0x1] =	wrdreg $0xFFFFFFFF  }
0xad: {  	[dreg:$0x0] =	wrdreg $0x60  }
0xae: {  	[dreg:$0x2] =	wrdreg s24  }
0xaf: {  	[dreg:$0x3] =	wrdreg $0x9  }
0xb0: {  	_ =	task.clear_ibuf [dreg:s6], $0x4FFFF;
	_ =	strace $0x9000004F  }
0xb1: {  	s29 =	simm.s32 $0x9;
	_ =	strace $0x80000051  }
0xb2: {  	_ =	swait.ge [sflag:s29], $0x1  }
0xb3: {  	[sflag:s29] =	ssyncadd.s32 $0xFFFFFFFF  }
0xb4: {  	_ =	strace $0x90000051  }
0xb5: {  	_ =	sfence  }
0xb6: {  	s30 =	sld [smem:$0x0];
	_ =	sdelay $0x2  }
0xb7: {  	s31 =	sshll.u32 s1, $0xD;
	s1 =	sshrl.u32 s1, $0x2  }
0xb8: {  	s3 =	sand.u32 $0x4000, s31;
	s1 =	sadd.s32 s1, s30  }
0xb9: {  	s0 =	sor.u32 s3, s0;
	s1 =	sshll.u32 s1, $0x11  }
0xba: {  	s0 =	sor.u32 s1, s0  }
0xbb: {  	s0 =	sadd.s32 $0x8F2B, s0  }
0xbc: {  	[sflag:s0] =	ssyncadd.remote.s32 $0x1  }
0xbd: {  	_ =	sfence.sel $0xFFFF  }
0xbe: {  	[dreg:$0x0] =	wrdreg $0xFFFFFFFF;
	(pc) =	sbr.abs _section_cstart, $3  }
0xbf: {  	[dreg:$0x1] =	wrdreg $0xFFFFFFFF  }
0xc0: {  	_ =	task.clear_ibuf [dreg:s6], $0x2FFFF;
	_ =	strace $0x9FFFFFFF  }
0xc1: {  	(tm) =	ssettm $0x7FFFFFFF  }
tec
execute0_lowered:
.L_overlay_start_1:
0x0: {  	(tag) =	ssettag $0x1  }
0x1: {  	s4 =	rddreg [dreg:$0x0]  }
0x2: {  	s0 =	rddreg [dreg:$0x1]  }
0x3: {  	s1 =	stileid.u32;
	s2 =	simm.s32 $0x0;
	s3 =	srdreg.scid  }
0x4: {  	s11 =	simm.s32 $0x2780;
	s12 =	simm.s32 $0x50;
	s13 =	simm.s32 $0x4F00  }
0x5: {  	s14 =	simm.s32 $0x7700;
	s15 =	simm.s32 $0x9F00;
	s16 =	simm.s32 $0xC700  }
0x6: {  	s17 =	simm.s32 $0x1;
	s18 =	simm.s32 $0x2;
	s21 =	simm.s32 $0x0  }
0x7: {  	s5 =	smul.u32 $0x2710, s1;
	[smem:$0x7FF] =	sst s2;
	s6 =	sand.u32 $0x1, s3  }
0x8: {  	s3 =	sadd.s32 $0xC200, s4;
	_ =	strace $0x80000050;
	s8 =	smul.u32 $0x27100, s6  }
0x9: {  	s9 =	ssub.s32 $0x2, s6;
	s19 =	smul.u32 $0x2710, s6;
	s7 =	sshrl.u32 s5, $0x3  }
0xa: {  	s10 =	sshrl.u32 s9, $0x1;
	s7 =	sadd.s32 s7, s4;
	s4 =	sadd.s32 $0xA8600, s4  }
0xb: {  	s5 =	sadd.s32 s5, s8;
	s9 =	ssub.s32 s9, s10;
	s20 =	sadd.s32 $0x4E20, s19  }
0xc: {  	s10 =	simm.s32 $0x5;
	v0 =	vmov s19;
	s19 =	simm.s32 $0x3;
	s8 =	sshll.u32 s5, $0x4  }
0xd: {  	s6 =	sadd.s32 $0x2200, s7;
	s7 =	sadd.s32 $0x7200, s7;
	s8 =	sadd.s32 s8, s4  }
0xe: {  	s9 =	smax.u32 s9, $0x1;
	v1 =	vmov s20;
	s20 =	simm.s32 $0x4;
	s8 =	sadd.s32 $0x26C00, s8  }
.LBB2_1:
0xf: {  	[tilespmem:s2], [sflag:$0x5] =	stream.linear.gather [hbm4b:s6+s2], $0x2710, $0x38;
	[tilespmem:$0xEF00] =	vst v63  }
0x10: {  	_ =	swait.ge [sflag:s10], $0x2710  }
0x11: {  	[sflag:s10] =	ssyncset.done $0x0  }
0x12: {  	[sflag:s10] =	ssyncadd.s32 $0xFFFFD8F0  }
0x13: {  	[tilespmem:s11], [sflag:$0x5] =	stream.linear.gather [hbm4b:s7+s2], $0x2710, $0x38;
	[tilespmem:$0xEF00] =	vst v63  }
0x14: {  	_ =	swait.ge [sflag:s10], $0x2710  }
0x15: {  	[sflag:s10] =	ssyncset.done $0x0  }
0x16: {  	s22 =	simm.s32 $0x0;
	[sflag:s10] =	ssyncadd.s32 $0xFFFFD8F0  }
0x17: {  	s23 =	simm.s32 $0x40;
	v2 =	vld [tilespmem:s22+$0x0]  }
.LBB2_2:
0x18: {  	p0 =	sne.s32 s23, $0x9C00;
	v3 =	vld [tilespmem:s22+$0x2780];
	_ =	sdelay $0x1  }
.Ltmp0:
0x19: {  	(pc) =	sbr.rel @p0 .LBB2_2-.Ltmp0, $4  }
0x1a: {  	_ = 	snop  }
0x1b: {  	v2 =	vadd.s32 v0, v2  }
0x1c: {  	s24 =	sshra.s32 s23, $0x2;
	[tilespmem:s22+$0x0] =	vst v2;
	v3 =	vadd.s32 v1, v3  }
0x1d: {  	s23 =	sadd.s32 $0x40, s23;
	v2 =	vld [tilespmem:s24+$0x0];
	[tilespmem:s22+$0x2780] =	vst v3;
	s22 =	smov.u32 s24  }
0x1e: {  	v3 =	vld [tilespmem:s22+$0x2780];
	_ =	sdelay $0x3  }
0x1f: {  	v2 =	vadd.s32 v0, v2  }
0x20: {  	[tilespmem:s22+$0x0] =	vst v2;
	v2 =	vadd.s32 v1, v3  }
0x21: {  	[tilespmem:s22+$0x2780] =	vst v2;
	s22 =	simm.s32 $0x0  }
0x22: {  	[tilespmem:s13], [sflag:$0x1] =	stream.indirect.gather [hbm4b:s3+s12], $0x80, s22, s12, $0xb8;
	[tilespmem:$0xEF00] =	vst v63  }
0x23: {  	_ = 	snop  }
0x24: {  	[tilespmem:s14], [sflag:$0x2] =	stream.indirect.gather [hbm4b:s3+s12], $0x80, s11, s12, $0xb8;
	[tilespmem:$0xEF00] =	vst v63  }
.LBB2_4:
0x25: {  	s24 =	smul.u32 $0xA0, s22;
	_ =	sdelay $0x1  }
0x26: {  	s23 =	sadd.s32 $0x50, s24  }
0x27: {  	[tilespmem:s15], [sflag:$0x3] =	stream.indirect.gather [hbm4b:s3+s12], $0x80, s23, s12, $0xb8;
	[tilespmem:$0xEF00] =	vst v63  }
0x28: {  	s25 =	sadd.s32 $0x27D0, s24  }
0x29: {  	[tilespmem:s16], [sflag:$0x4] =	stream.indirect.gather [hbm4b:s3+s12], $0x80, s25, s12, $0xb8;
	[tilespmem:$0xEF00] =	vst v63  }
0x2a: {  	_ =	swait.ge [sflag:s17], $0x2800  }
0x2b: {  	[sflag:s17] =	ssyncset.done $0x0  }
0x2c: {  	[sflag:s17] =	ssyncadd.s32 $0xFFFFD800  }
0x2d: {  	_ =	swait.ge [sflag:s18], $0x2800  }
0x2e: {  	[sflag:s18] =	ssyncset.done $0x0  }
0x2f: {  	s25 =	simm.s32 $0x0;
	[sflag:s18] =	ssyncadd.s32 $0xFFFFD800  }
0x30: {  	v9 =	vld [tilespmem:s25+$0x7700]  }
0x31: {  	v13 =	vld [tilespmem:s25+$0x7710]  }
0x32: {  	v7 =	vld [tilespmem:s25+$0x7720]  }
0x33: {  	v6 =	vld [tilespmem:s25+$0x7730]  }
0x34: {  	v5 =	vld [tilespmem:s25+$0x7740]  }
0x35: {  	v4 =	vld [tilespmem:s25+$0x7750]  }
0x36: {  	v3 =	vld [tilespmem:s25+$0x7760]  }
0x37: {  	v2 =	vld [tilespmem:s25+$0x7770]  }
0x38: {  	v14 =	vld [tilespmem:s25+$0x4F00]  }
0x39: {  	v15 =	vld [tilespmem:s25+$0x4F10]  }
0x3a: {  	v12 =	vld [tilespmem:s25+$0x4F20]  }
0x3b: {  	v11 =	vld [tilespmem:s25+$0x4F30]  }
0x3c: {  	v10 =	vld [tilespmem:s25+$0x4F40]  }
0x3d: {  	v8 =	vld [tilespmem:s25+$0x4F50];
	v14 =	vadd.f32 v9, v14  }
0x3e: {  	s26 =	simm.s32 $0x200;
	v13 =	vadd.f32 v13, v15;
	v9 =	vld [tilespmem:s25+$0x4F60]  }
.LBB2_5:
0x3f: {  	s28 =	sshra.s32 s26, $0x2;
	p0 =	sne.s32 s26, $0x9E00;
	[tilespmem:s25+$0x4F00] =	vst v14;
	v7 =	vadd.f32 v7, v12;
	v12 =	vld [tilespmem:s25+$0x4F70]  }
0x40: {  	v14 =	vld [tilespmem:s28+$0x7700];
	[tilespmem:s25+$0x4F10] =	vst v13;
	v6 =	vadd.f32 v6, v11  }
0x41: {  	v13 =	vld [tilespmem:s28+$0x7710];
	[tilespmem:s25+$0x4F20] =	vst v7;
	v5 =	vadd.f32 v5, v10  }
0x42: {  	v7 =	vld [tilespmem:s28+$0x7720];
	[tilespmem:s25+$0x4F30] =	vst v6;
	v4 =	vadd.f32 v4, v8  }
0x43: {  	v6 =	vld [tilespmem:s28+$0x7730];
	[tilespmem:s25+$0x4F40] =	vst v5;
	v3 =	vadd.f32 v3, v9  }
0x44: {  	v5 =	vld [tilespmem:s28+$0x7740];
	[tilespmem:s25+$0x4F50] =	vst v4;
	v2 =	vadd.f32 v2, v12  }
0x45: {  	v4 =	vld [tilespmem:s28+$0x7750];
	[tilespmem:s25+$0x4F60] =	vst v3  }
0x46: {  	v3 =	vld [tilespmem:s28+$0x7760];
	[tilespmem:s25+$0x4F70] =	vst v2;
	s25 =	smov.u32 s28  }
0x47: {  	v2 =	vld [tilespmem:s25+$0x7770]  }
0x48: {  	v8 =	vld [tilespmem:s25+$0x4F00]  }
0x49: {  	v9 =	vld [tilespmem:s25+$0x4F10]  }
.Ltmp1:
0x4a: {  	v12 =	vld [tilespmem:s25+$0x4F20];
	(pc) =	sbr.rel @p0 .LBB2_5-.Ltmp1, $4  }
0x4b: {  	v11 =	vld [tilespmem:s25+$0x4F30]  }
0x4c: {  	v10 =	vld [tilespmem:s25+$0x4F40]  }
0x4d: {  	v14 =	vadd.f32 v14, v8;
	v8 =	vld [tilespmem:s25+$0x4F50]  }
0x4e: {  	s26 =	sadd.s32 $0x200, s26;
	v13 =	vadd.f32 v13, v9;
	v9 =	vld [tilespmem:s25+$0x4F60]  }
0x4f: {  	[tilespmem:s25+$0x4F00] =	vst v14;
	v7 =	vadd.f32 v7, v12;
	v12 =	vld [tilespmem:s25+$0x4F70]  }
0x50: {  	[tilespmem:s25+$0x4F10] =	vst v13;
	v6 =	vadd.f32 v6, v11  }
0x51: {  	[tilespmem:s25+$0x4F20] =	vst v7;
	v5 =	vadd.f32 v5, v10  }
0x52: {  	[tilespmem:s25+$0x4F30] =	vst v6;
	v4 =	vadd.f32 v4, v8  }
0x53: {  	[tilespmem:s25+$0x4F40] =	vst v5;
	v3 =	vadd.f32 v3, v9  }
0x54: {  	s26 =	sadd.s32 s5, s24;
	[tilespmem:s25+$0x4F50] =	vst v4;
	v2 =	vadd.f32 v2, v12  }
0x55: {  	s26 =	sshll.u32 s26, $0x4;
	[tilespmem:s25+$0x4F60] =	vst v3  }
0x56: {  	s29 =	simm.s32 $0x0;
	s28 =	sadd.s32 s4, s26;
	[tilespmem:s25+$0x4F70] =	vst v2  }
0x57: {  	[hbm4b:s28+s29] =	stream.linear.scatter [tilespmem:s13], [sflag:$0x5], $0x2800, $0x38;
	[tilespmem:$0xEF00] =	vst v63  }
0x58: {  	_ =	swait.ge [sflag:s10], $0x2800  }
0x59: {  	[sflag:s10] =	ssyncset.done $0x0  }
0x5a: {  	s30 =	sadd.s32 $0xA0, s24;
	[sflag:s10] =	ssyncadd.s32 $0xFFFFD800  }
0x5b: {  	[tilespmem:s13], [sflag:$0x1] =	stream.indirect.gather [hbm4b:s3+s12], $0x80, s30, s12, $0xb8;
	[tilespmem:$0xEF00] =	vst v63  }
0x5c: {  	s31 =	sadd.s32 $0x2820, s24  }
0x5d: {  	[tilespmem:s14], [sflag:$0x2] =	stream.indirect.gather [hbm4b:s3+s12], $0x80, s31, s12, $0xb8;
	[tilespmem:$0xEF00] =	vst v63  }
0x5e: {  	_ =	swait.ge [sflag:s19], $0x2800  }
0x5f: {  	[sflag:s19] =	ssyncset.done $0x0  }
0x60: {  	[sflag:s19] =	ssyncadd.s32 $0xFFFFD800  }
0x61: {  	_ =	swait.ge [sflag:s20], $0x2800  }
0x62: {  	[sflag:s20] =	ssyncset.done $0x0  }
0x63: {  	s24 =	simm.s32 $0x0;
	[sflag:s20] =	ssyncadd.s32 $0xFFFFD800  }
0x64: {  	v9 =	vld [tilespmem:s24+$0xC700]  }
0x65: {  	v13 =	vld [tilespmem:s24+$0xC710]  }
0x66: {  	v7 =	vld [tilespmem:s24+$0xC720]  }
0x67: {  	v6 =	vld [tilespmem:s24+$0xC730]  }
0x68: {  	v5 =	vld [tilespmem:s24+$0xC740]  }
0x69: {  	v4 =	vld [tilespmem:s24+$0xC750]  }
0x6a: {  	v3 =	vld [tilespmem:s24+$0xC760]  }
0x6b: {  	v2 =	vld [tilespmem:s24+$0xC770]  }
0x6c: {  	v14 =	vld [tilespmem:s24+$0x9F00]  }
0x6d: {  	v15 =	vld [tilespmem:s24+$0x9F10]  }
0x6e: {  	v12 =	vld [tilespmem:s24+$0x9F20]  }
0x6f: {  	v11 =	vld [tilespmem:s24+$0x9F30]  }
0x70: {  	v10 =	vld [tilespmem:s24+$0x9F40]  }
0x71: {  	v8 =	vld [tilespmem:s24+$0x9F50];
	v14 =	vadd.f32 v9, v14  }
0x72: {  	s25 =	simm.s32 $0x200;
	v13 =	vadd.f32 v13, v15;
	v9 =	vld [tilespmem:s24+$0x9F60]  }
.LBB2_7:
0x73: {  	s26 =	sshra.s32 s25, $0x2;
	p0 =	sne.s32 s25, $0x9E00;
	[tilespmem:s24+$0x9F00] =	vst v14;
	v7 =	vadd.f32 v7, v12;
	v12 =	vld [tilespmem:s24+$0x9F70]  }
0x74: {  	v14 =	vld [tilespmem:s26+$0xC700];
	[tilespmem:s24+$0x9F10] =	vst v13;
	v6 =	vadd.f32 v6, v11  }
0x75: {  	v13 =	vld [tilespmem:s26+$0xC710];
	[tilespmem:s24+$0x9F20] =	vst v7;
	v5 =	vadd.f32 v5, v10  }
0x76: {  	v7 =	vld [tilespmem:s26+$0xC720];
	[tilespmem:s24+$0x9F30] =	vst v6;
	v4 =	vadd.f32 v4, v8  }
0x77: {  	v6 =	vld [tilespmem:s26+$0xC730];
	[tilespmem:s24+$0x9F40] =	vst v5;
	v3 =	vadd.f32 v3, v9  }
0x78: {  	v5 =	vld [tilespmem:s26+$0xC740];
	[tilespmem:s24+$0x9F50] =	vst v4;
	v2 =	vadd.f32 v2, v12  }
0x79: {  	v4 =	vld [tilespmem:s26+$0xC750];
	[tilespmem:s24+$0x9F60] =	vst v3  }
0x7a: {  	v3 =	vld [tilespmem:s26+$0xC760];
	[tilespmem:s24+$0x9F70] =	vst v2;
	s24 =	smov.u32 s26  }
0x7b: {  	v2 =	vld [tilespmem:s24+$0xC770]  }
0x7c: {  	v8 =	vld [tilespmem:s24+$0x9F00]  }
0x7d: {  	v9 =	vld [tilespmem:s24+$0x9F10]  }
.Ltmp2:
0x7e: {  	v12 =	vld [tilespmem:s24+$0x9F20];
	(pc) =	sbr.rel @p0 .LBB2_7-.Ltmp2, $4  }
0x7f: {  	v11 =	vld [tilespmem:s24+$0x9F30]  }
0x80: {  	v10 =	vld [tilespmem:s24+$0x9F40]  }
0x81: {  	v14 =	vadd.f32 v14, v8;
	v8 =	vld [tilespmem:s24+$0x9F50]  }
0x82: {  	s25 =	sadd.s32 $0x200, s25;
	v13 =	vadd.f32 v13, v9;
	v9 =	vld [tilespmem:s24+$0x9F60]  }
0x83: {  	[tilespmem:s24+$0x9F00] =	vst v14;
	v7 =	vadd.f32 v7, v12;
	v63 =	vld [tilespmem:s24+$0x9F70]  }
0x84: {  	[tilespmem:s24+$0x9F10] =	vst v13;
	v6 =	vadd.f32 v6, v11  }
0x85: {  	[tilespmem:s24+$0x9F20] =	vst v7;
	v5 =	vadd.f32 v5, v10  }
0x86: {  	[tilespmem:s24+$0x9F30] =	vst v6;
	v4 =	vadd.f32 v4, v8  }
0x87: {  	[tilespmem:s24+$0x9F40] =	vst v5;
	v3 =	vadd.f32 v3, v9  }
0x88: {  	s23 =	sadd.s32 s5, s23;
	s22 =	sadd.s32 $0x1, s22;
	[tilespmem:s24+$0x9F50] =	vst v4;
	v2 =	vadd.f32 v2, v63  }
0x89: {  	s23 =	sshll.u32 s23, $0x4;
	p0 =	sne.s32 s22, $0x3E;
	[tilespmem:s24+$0x9F60] =	vst v3  }
.Ltmp3:
0x8a: {  	s23 =	sadd.s32 s4, s23;
	[tilespmem:s24+$0x9F70] =	vst v2;
	(pc) =	sbr.rel @p0 .LBB2_4-.Ltmp3, $4  }
0x8b: {  	[hbm4b:s23+s2] =	stream.linear.scatter [tilespmem:s15], [sflag:$0x5], $0x2800, $0x38;
	[tilespmem:$0xEF00] =	vst v63  }
0x8c: {  	_ =	swait.ge [sflag:s10], $0x2800  }
0x8d: {  	[sflag:s10] =	ssyncset.done $0x0  }
0x8e: {  	[sflag:s10] =	ssyncadd.s32 $0xFFFFD800  }
0x8f: {  	_ =	swait.ge [sflag:s17], $0x2800  }
0x90: {  	[sflag:s17] =	ssyncset.done $0x0  }
0x91: {  	[sflag:s17] =	ssyncadd.s32 $0xFFFFD800  }
0x92: {  	_ =	swait.ge [sflag:s18], $0x2800  }
0x93: {  	[sflag:s18] =	ssyncset.done $0x0  }
0x94: {  	s22 =	simm.s32 $0x0;
	[sflag:s18] =	ssyncadd.s32 $0xFFFFD800  }
0x95: {  	v9 =	vld [tilespmem:s22+$0x7700]  }
0x96: {  	v13 =	vld [tilespmem:s22+$0x7710]  }
0x97: {  	v7 =	vld [tilespmem:s22+$0x7720]  }
0x98: {  	v6 =	vld [tilespmem:s22+$0x7730]  }
0x99: {  	v5 =	vld [tilespmem:s22+$0x7740]  }
0x9a: {  	v4 =	vld [tilespmem:s22+$0x7750]  }
0x9b: {  	v3 =	vld [tilespmem:s22+$0x7760]  }
0x9c: {  	v2 =	vld [tilespmem:s22+$0x7770]  }
0x9d: {  	v14 =	vld [tilespmem:s22+$0x4F00]  }
0x9e: {  	v15 =	vld [tilespmem:s22+$0x4F10]  }
0x9f: {  	v12 =	vld [tilespmem:s22+$0x4F20]  }
0xa0: {  	v11 =	vld [tilespmem:s22+$0x4F30]  }
0xa1: {  	v10 =	vld [tilespmem:s22+$0x4F40]  }
0xa2: {  	v8 =	vld [tilespmem:s22+$0x4F50];
	v14 =	vadd.f32 v9, v14  }
0xa3: {  	s23 =	simm.s32 $0x200;
	v13 =	vadd.f32 v13, v15;
	v9 =	vld [tilespmem:s22+$0x4F60]  }
.LBB2_10:
0xa4: {  	s24 =	sshra.s32 s23, $0x2;
	p0 =	sne.s32 s23, $0x9E00;
	[tilespmem:s22+$0x4F00] =	vst v14;
	v7 =	vadd.f32 v7, v12;
	v12 =	vld [tilespmem:s22+$0x4F70]  }
0xa5: {  	v14 =	vld [tilespmem:s24+$0x7700];
	[tilespmem:s22+$0x4F10] =	vst v13;
	v6 =	vadd.f32 v6, v11  }
0xa6: {  	v13 =	vld [tilespmem:s24+$0x7710];
	[tilespmem:s22+$0x4F20] =	vst v7;
	v5 =	vadd.f32 v5, v10  }
0xa7: {  	v7 =	vld [tilespmem:s24+$0x7720];
	[tilespmem:s22+$0x4F30] =	vst v6;
	v4 =	vadd.f32 v4, v8  }
0xa8: {  	v6 =	vld [tilespmem:s24+$0x7730];
	[tilespmem:s22+$0x4F40] =	vst v5;
	v3 =	vadd.f32 v3, v9  }
0xa9: {  	v5 =	vld [tilespmem:s24+$0x7740];
	[tilespmem:s22+$0x4F50] =	vst v4;
	v2 =	vadd.f32 v2, v12  }
0xaa: {  	v4 =	vld [tilespmem:s24+$0x7750];
	[tilespmem:s22+$0x4F60] =	vst v3  }
0xab: {  	v3 =	vld [tilespmem:s24+$0x7760];
	[tilespmem:s22+$0x4F70] =	vst v2;
	s22 =	smov.u32 s24  }
0xac: {  	v2 =	vld [tilespmem:s22+$0x7770]  }
0xad: {  	v8 =	vld [tilespmem:s22+$0x4F00]  }
0xae: {  	v9 =	vld [tilespmem:s22+$0x4F10]  }
.Ltmp4:
0xaf: {  	v12 =	vld [tilespmem:s22+$0x4F20];
	(pc) =	sbr.rel @p0 .LBB2_10-.Ltmp4, $4  }
0xb0: {  	v11 =	vld [tilespmem:s22+$0x4F30]  }
0xb1: {  	v10 =	vld [tilespmem:s22+$0x4F40]  }
0xb2: {  	v14 =	vadd.f32 v14, v8;
	v8 =	vld [tilespmem:s22+$0x4F50]  }
0xb3: {  	s23 =	sadd.s32 $0x200, s23;
	v13 =	vadd.f32 v13, v9;
	v9 =	vld [tilespmem:s22+$0x4F60]  }
0xb4: {  	[tilespmem:s22+$0x4F00] =	vst v14;
	v7 =	vadd.f32 v7, v12;
	v63 =	vld [tilespmem:s22+$0x4F70]  }
0xb5: {  	[tilespmem:s22+$0x4F10] =	vst v13;
	v6 =	vadd.f32 v6, v11  }
0xb6: {  	[tilespmem:s22+$0x4F20] =	vst v7;
	v5 =	vadd.f32 v5, v10  }
0xb7: {  	[tilespmem:s22+$0x4F30] =	vst v6;
	v4 =	vadd.f32 v4, v8  }
0xb8: {  	[tilespmem:s22+$0x4F40] =	vst v5;
	v3 =	vadd.f32 v3, v9  }
0xb9: {  	s21 =	sadd.s32 $0x1, s21;
	[tilespmem:s22+$0x4F50] =	vst v4;
	v2 =	vadd.f32 v2, v63  }
0xba: {  	p0 =	sne.s32 s21, s9;
	[tilespmem:s22+$0x4F60] =	vst v3  }
.Ltmp5:
0xbb: {  	[tilespmem:s22+$0x4F70] =	vst v2;
	(pc) =	sbr.rel @p0 .LBB2_1-.Ltmp5, $4  }
0xbc: {  	[hbm4b:s8+s2] =	stream.linear.scatter [tilespmem:s13], [sflag:$0x5], $0x2800, $0x38;
	[tilespmem:$0xEF00] =	vst v63  }
0xbd: {  	_ =	swait.ge [sflag:s10], $0x2800  }
0xbe: {  	[sflag:s10] =	ssyncset.done $0x0  }
0xbf: {  	[sflag:s10] =	ssyncadd.s32 $0xFFFFD800  }
0xc0: {  	_ =	sfence.sel $0x180000  }
0xc1: {  	[bflag:$0x0] =	sbarrier.arrive $0xFFFF  }
0xc2: {  	p0 =	sne.s32 s1, $0x0;
	_ =	strace $0x90000050  }
0xc3: {  	s0 =	sadd.s32 @!p0 $0x100000, s0;
	[bflag:$0x2] =	sbarrier.arrive $0xFFFF  }
0xc4: {  	[sflag:s0] =	ssyncadd.tile.s32 @!p0 $0x1;
	_ =	shalt  }
.Lfunc_end2:
_tile_overlayer_lowered:
.L_overlay_start_2:
0xc5: {  	(tag) =	ssettag $0x2  }
0xc6: {  	s0 =	rddreg [dreg:$0x0];
	s2 =	stileid.u32  }
0xc7: {  	s1 =	rddreg [dreg:$0x1];
	p0 =	sne.s32 s2, $0x0  }
0xc8: {  	s3 =	rddreg [dreg:$0x2];
	[bflag:$0x3] =	sbarrier.arrive $0xFFFF;
	s2 =	simm.s32 @!p0 $0x1C05  }
0xc9: {  	[timem:s3], [sflag:s2] =	dma.local @!p0 [hbm:s0], s1  }
0xca: {  	s0 =	simm.s32 @!p0 $0x5  }
0xcb: {  	_ =	swait.ge @!p0 [sflag:s0], s1  }
0xcc: {  	s1 =	ssub.s32 @!p0 $0x0, s1;
	[sflag:s0] =	ssyncset.done @!p0 $0x0  }
0xcd: {  	[sflag:s0] =	ssyncadd.s32 @!p0 s1  }
0xce: {  	[bflag:$0x3] =	sbarrier.arrive $0xFFFF  }
0xcf: {  	_ =	shalt  }

</sc_bundles>
